<compile_context>
chip_gen: v7x
topology: tpu7x:2x2x1
jax: 0.10.2.dev20260603
libtpu: 0.0.44.dev20260713+nightly
codegen_flags: <defaults>
</compile_context>

<pallas_src>
import functools

import jax
import jax.numpy as jnp
from jax import lax
from jax.experimental import pallas as pl
from jax.experimental.pallas import tpu as pltpu
from jax.experimental.pallas import tpu_sc as plsc

N = 10000
E = 320000
D = 128

NC = 2
NS = 16
NW = NC * NS
CH = 72
NB = 5
NCHUNK = 145
EPT = NCHUNK * CH
E_PAD = NW * EPT
NPAD = 10112
RPT = NPAD // NS


def _seg_body(x_hbm, srcs_hbm, dsts_hbm, zeros_hbm, out_hbm, *scr):
    si = scr[0:NB]
    di = scr[NB:2 * NB]
    rows = scr[2 * NB:3 * NB]
    agg_sh = scr[3 * NB]
    isems = scr[3 * NB + 1:4 * NB + 1]
    dsems = scr[4 * NB + 1:5 * NB + 1]
    gsems = scr[5 * NB + 1:6 * NB + 1]
    ssems = scr[6 * NB + 1:7 * NB + 1]

    c = lax.axis_index("c")
    sub = lax.axis_index("s")
    tile = c * NS + sub

    pltpu.sync_copy(zeros_hbm, rows[0])
    row0 = sub * RPT
    for k in range(RPT // CH):
        pltpu.sync_copy(rows[0], agg_sh.at[pl.ds(row0 + k * CH, CH)])
    rem = RPT % CH
    if rem:
        pltpu.sync_copy(rows[0].at[pl.ds(0, rem)],
                        agg_sh.at[pl.ds(row0 + (RPT // CH) * CH, rem)])

    for b in range(NB):
        pltpu.async_copy(srcs_hbm.at[tile, b], si[b], isems[b])
    for b in range(NB):
        pltpu.make_async_copy(srcs_hbm.at[tile, b], si[b], isems[b]).wait()
        pltpu.async_copy(x_hbm.at[si[b]], rows[b], gsems[b])
        pltpu.async_copy(dsts_hbm.at[tile, b], di[b], dsems[b])
    plsc.subcore_barrier()

    def group(g, carry):
        j0 = g * NB
        for b in range(NB):
            j = j0 + b
            pltpu.make_async_copy(x_hbm.at[si[b]], rows[b], gsems[b]).wait()
            pltpu.make_async_copy(dsts_hbm.at[tile, j], di[b],
                                  dsems[b]).wait()
            pltpu.async_copy(rows[b], agg_sh.at[di[b]], ssems[b], add=True)

            @pl.when(j + NB < NCHUNK)
            def _():
                pltpu.async_copy(srcs_hbm.at[tile, j + NB], si[b], isems[b])
        for b in range(NB):
            j = j0 + b

            @pl.when(j + NB < NCHUNK)
            def _():
                pltpu.make_async_copy(srcs_hbm.at[tile, j + NB], si[b],
                                      isems[b]).wait()
                pltpu.make_async_copy(rows[b], agg_sh.at[di[b]],
                                      ssems[b]).wait()
                pltpu.async_copy(x_hbm.at[si[b]], rows[b], gsems[b])
                pltpu.async_copy(dsts_hbm.at[tile, j + NB], di[b], dsems[b])

            @pl.when(j + NB >= NCHUNK)
            def _():
                pltpu.make_async_copy(rows[b], agg_sh.at[di[b]],
                                      ssems[b]).wait()
        return carry

    lax.fori_loop(0, NCHUNK // NB, group, 0)
    plsc.subcore_barrier()

    pltpu.sync_copy(agg_sh.at[pl.ds(row0, RPT)],
                    out_hbm.at[c, pl.ds(row0, RPT)])


_segsum = functools.partial(
    pl.kernel,
    mesh=plsc.VectorSubcoreMesh(core_axis_name="c", subcore_axis_name="s"),
    out_type=jax.ShapeDtypeStruct((NC, NPAD, D), jnp.float32),
    scratch_types=(
        [pltpu.VMEM((CH,), jnp.int32) for _ in range(2 * NB)]
        + [pltpu.VMEM((CH, D), jnp.float32) for _ in range(NB)]
        + [pltpu.VMEM_SHARED((NPAD, D), jnp.float32)]
        + [pltpu.SemaphoreType.DMA for _ in range(4 * NB)]
    ),
)(_seg_body)


BM = 1000


def _mlp_body(x_ref, p_ref, wa_ref, ba_ref, wb_ref, bb_ref, o_ref):
    t = x_ref[...] + p_ref[0] + p_ref[1]
    u = jnp.maximum(
        jnp.dot(t, wa_ref[...], preferred_element_type=jnp.float32)
        + ba_ref[...], 0.0)
    v = jnp.dot(u, wb_ref[...], preferred_element_type=jnp.float32) \
        + bb_ref[...]
    o_ref[...] = jnp.maximum(v, 0.0)


def _gin_dense(x, p, wa, ba, wb, bb):
    return pl.pallas_call(
        _mlp_body,
        grid=(N // BM,),
        in_specs=[
            pl.BlockSpec((BM, D), lambda i: (i, 0)),
            pl.BlockSpec((2, BM, D), lambda i: (0, i, 0)),
            pl.BlockSpec((D, D), lambda i: (0, 0)),
            pl.BlockSpec((1, D), lambda i: (0, 0)),
            pl.BlockSpec((D, D), lambda i: (0, 0)),
            pl.BlockSpec((1, D), lambda i: (0, 0)),
        ],
        out_specs=pl.BlockSpec((BM, D), lambda i: (i, 0)),
        out_shape=jax.ShapeDtypeStruct((N, D), jnp.float32),
    )(x, p, wa, ba, wb, bb)


@jax.jit
def kernel(x, edge_index, W0a, b0a, W0b, b0b, W1a, b1a, W1b, b1b):
    pad = E_PAD - E
    pad_iota = jnp.arange(pad, dtype=jnp.int32)
    src = jnp.concatenate([edge_index[0], pad_iota % N]).reshape(
        NW, NCHUNK, CH)
    dst = jnp.concatenate([edge_index[1], N + pad_iota % (NPAD - N)]).reshape(
        NW, NCHUNK, CH)
    zeros = jnp.zeros((CH, D), jnp.float32)

    p = _segsum(x, src, dst, zeros)
    h = _gin_dense(x, p, W0a, b0a.reshape(1, D), W0b, b0b.reshape(1, D))
    p2 = _segsum(h, src, dst, zeros)
    out = _gin_dense(h, p2, W1a, b1a.reshape(1, D), W1b, b1b.reshape(1, D))
    return out

# --- scband reference (transcript-rebuilt; emitter-appended) ---
"""Pipeline reference for scband-res-gcn-45638322487375 (READ-ONLY COPY).

The authoritative reference and input builder live on the scoring server;
editing this copy changes nothing except your own understanding.
"""

import jax, jax.numpy as jnp
import numpy as np

N = 10000
E = 320000
D = 128


def setup_inputs(seed: int = 0) -> dict:
    key = jax.random.key(seed)
    ks = jax.random.split(key, 12)
    x = jax.random.normal(ks[0], (N, D), dtype=jnp.float32)
    edge_index = jax.random.randint(ks[1], (2, E), 0, N, dtype=jnp.int32)
    s = 1.0 / np.sqrt(D)
    W0a = jax.random.normal(ks[2], (D, D), dtype=jnp.float32) * s
    b0a = jnp.zeros((D,), dtype=jnp.float32)
    W0b = jax.random.normal(ks[3], (D, D), dtype=jnp.float32) * s
    b0b = jnp.zeros((D,), dtype=jnp.float32)
    W1a = jax.random.normal(ks[4], (D, D), dtype=jnp.float32) * s
    b1a = jnp.zeros((D,), dtype=jnp.float32)
    W1b = jax.random.normal(ks[5], (D, D), dtype=jnp.float32) * s
    b1b = jnp.zeros((D,), dtype=jnp.float32)
    return {"x": x, "edge_index": edge_index,
            "W0a": W0a, "b0a": b0a, "W0b": W0b, "b0b": b0b,
            "W1a": W1a, "b1a": b1a, "W1b": W1b, "b1b": b1b}


def _gin_layer(x, edge_index, Wa, ba, Wb, bb):
    # PyG GINConv with eps=0: out = MLP((1+eps)*x + sum_{j->i} x_j)
    src = edge_index[0]
    dst = edge_index[1]
    msgs = jnp.take(x, src, axis=0)              # gather (SparseCore)
    agg = jax.ops.segment_sum(msgs, dst, num_segments=N)  # scatter-add
    h = x + agg
    h = jnp.maximum(jnp.dot(h, Wa) + ba, 0.0)    # Linear + ReLU
    h = jnp.dot(h, Wb) + bb                      # Linear
    return h


def reference(x, edge_index, W0a, b0a, W0b, b0b, W1a, b1a, W1b, b1b):
    # num_layers = 2 -> loop over range(0) is empty
    h = _gin_layer(x, edge_index, W0a, b0a, W0b, b0b)
    h = jnp.maximum(h, 0.0)
    # dropout: eval mode -> identity
    h = _gin_layer(h, edge_index, W1a, b1a, W1b, b1b)
    h = jnp.maximum(h, 0.0)
    return h

if __name__ == "__main__":
    import jax
    _d = setup_inputs()
    print(jax.jit(kernel)(*tuple(_d.values())))

</pallas_src>

<mosaic_0001>
#map = affine_map<(d0, d1) -> (0, 0)>
#map1 = affine_map<(d0, d1) -> (0, 0, 0)>
module attributes {stable_mosaic.version = 14 : i64} {
  func.func @_seg_body(%arg0: i32, %arg1: i32, %arg2: memref<10000x128xf32, #tpu.memory_space<hbm>>, %arg3: memref<32x145x72xi32, #tpu.memory_space<hbm>>, %arg4: memref<32x145x72xi32, #tpu.memory_space<hbm>>, %arg5: memref<72x128xf32, #tpu.memory_space<hbm>>, %arg6: memref<2x10112x128xf32, #tpu.memory_space<hbm>>, %arg7: memref<72xi32, #tpu.memory_space<vmem>>, %arg8: memref<72xi32, #tpu.memory_space<vmem>>, %arg9: memref<72xi32, #tpu.memory_space<vmem>>, %arg10: memref<72xi32, #tpu.memory_space<vmem>>, %arg11: memref<72xi32, #tpu.memory_space<vmem>>, %arg12: memref<72xi32, #tpu.memory_space<vmem>>, %arg13: memref<72xi32, #tpu.memory_space<vmem>>, %arg14: memref<72xi32, #tpu.memory_space<vmem>>, %arg15: memref<72xi32, #tpu.memory_space<vmem>>, %arg16: memref<72xi32, #tpu.memory_space<vmem>>, %arg17: memref<72x128xf32, #tpu.memory_space<vmem>>, %arg18: memref<72x128xf32, #tpu.memory_space<vmem>>, %arg19: memref<72x128xf32, #tpu.memory_space<vmem>>, %arg20: memref<72x128xf32, #tpu.memory_space<vmem>>, %arg21: memref<72x128xf32, #tpu.memory_space<vmem>>, %arg22: memref<10112x128xf32, #tpu.memory_space<vmem_shared>>, %arg23: memref<!tpu.dma_semaphore, #tpu.memory_space<semaphore_mem>>, %arg24: memref<!tpu.dma_semaphore, #tpu.memory_space<semaphore_mem>>, %arg25: memref<!tpu.dma_semaphore, #tpu.memory_space<semaphore_mem>>, %arg26: memref<!tpu.dma_semaphore, #tpu.memory_space<semaphore_mem>>, %arg27: memref<!tpu.dma_semaphore, #tpu.memory_space<semaphore_mem>>, %arg28: memref<!tpu.dma_semaphore, #tpu.memory_space<semaphore_mem>>, %arg29: memref<!tpu.dma_semaphore, #tpu.memory_space<semaphore_mem>>, %arg30: memref<!tpu.dma_semaphore, #tpu.memory_space<semaphore_mem>>, %arg31: memref<!tpu.dma_semaphore, #tpu.memory_space<semaphore_mem>>, %arg32: memref<!tpu.dma_semaphore, #tpu.memory_space<semaphore_mem>>, %arg33: memref<!tpu.dma_semaphore, #tpu.memory_space<semaphore_mem>>, %arg34: memref<!tpu.dma_semaphore, #tpu.memory_space<semaphore_mem>>, %arg35: memref<!tpu.dma_semaphore, #tpu.memory_space<semaphore_mem>>, %arg36: memref<!tpu.dma_semaphore, #tpu.memory_space<semaphore_mem>>, %arg37: memref<!tpu.dma_semaphore, #tpu.memory_space<semaphore_mem>>, %arg38: memref<!tpu.dma_semaphore, #tpu.memory_space<semaphore_mem>>, %arg39: memref<!tpu.dma_semaphore, #tpu.memory_space<semaphore_mem>>, %arg40: memref<!tpu.dma_semaphore, #tpu.memory_space<semaphore_mem>>, %arg41: memref<!tpu.dma_semaphore, #tpu.memory_space<semaphore_mem>>, %arg42: memref<!tpu.dma_semaphore, #tpu.memory_space<semaphore_mem>>) attributes {dimension_semantics = [#tpu.dimension_semantics<core_parallel>, #tpu.dimension_semantics<subcore_parallel>], iteration_bounds = array<i64: 2, 16>, scalar_prefetch = 0 : i64, scratch_operands = 36 : i64, tpu.core_type = #tpu.core_type<sc_vector_subcore>, window_params = [{transform_indices = #map}, {transform_indices = #map1}, {transform_indices = #map1}, {transform_indices = #map}, {transform_indices = #map1}]} {
    %mul3A = arith.constant 16 : i32
    %mul3A_0 = arith.muli %arg0, %mul3A : i32
    %add3A = arith.addi %mul3A_0, %arg1 : i32
    "tpu.region"() ({
      %run_scoped3A = tpu.sem_alloc : memref<!tpu.dma_semaphore, #tpu.memory_space<semaphore_mem>>
      tpu.enqueue_dma source(%arg5 : memref<72x128xf32, #tpu.memory_space<hbm>>) target(%arg17 : memref<72x128xf32, #tpu.memory_space<vmem>>) target_semaphore(%run_scoped3A : memref<!tpu.dma_semaphore, #tpu.memory_space<semaphore_mem>>)
      tpu.wait_dma2 semaphore(%run_scoped3A : memref<!tpu.dma_semaphore, #tpu.memory_space<semaphore_mem>>) src(%arg5 : memref<72x128xf32, #tpu.memory_space<hbm>>) dst(%arg17 : memref<72x128xf32, #tpu.memory_space<vmem>>)
      tpu.yield
    }) : () -> ()
    %mul3A_1 = arith.constant 632 : i32
    %mul3A_2 = arith.muli %arg1, %mul3A_1 : i32
    %add3A_3 = arith.constant 0 : i32
    %add3A_4 = arith.addi %mul3A_2, %add3A_3 : i32
    "tpu.region"() ({
      %run_scoped3A = tpu.sem_alloc : memref<!tpu.dma_semaphore, #tpu.memory_space<semaphore_mem>>
      %dma_start3A_145 = arith.constant 0 : i32
      %dma_start3A_146 = tpu.memref_slice %arg22[%add3A_4, %dma_start3A_145] : memref<10112x128xf32, #tpu.memory_space<vmem_shared>> -> memref<72x128xf32, #tpu.memory_space<vmem_shared>>
      %dma_start3A_147 = arith.constant 0 : i32
      %dma_start3A_148 = tpu.memref_slice %arg22[%add3A_4, %dma_start3A_147] : memref<10112x128xf32, #tpu.memory_space<vmem_shared>> -> memref<72x128xf32, #tpu.memory_space<vmem_shared>>
      tpu.enqueue_dma source(%arg17 : memref<72x128xf32, #tpu.memory_space<vmem>>) target(%dma_start3A_148 : memref<72x128xf32, #tpu.memory_space<vmem_shared>>) target_semaphore(%run_scoped3A : memref<!tpu.dma_semaphore, #tpu.memory_space<semaphore_mem>>)
      %dma_wait3A_149 = arith.constant 0 : i32
      %dma_wait3A_150 = tpu.memref_slice %arg22[%add3A_4, %dma_wait3A_149] : memref<10112x128xf32, #tpu.memory_space<vmem_shared>> -> memref<72x128xf32, #tpu.memory_space<vmem_shared>>
      %dma_wait3A_151 = arith.constant 0 : i32
      %dma_wait3A_152 = tpu.memref_slice %arg22[%add3A_4, %dma_wait3A_151] : memref<10112x128xf32, #tpu.memory_space<vmem_shared>> -> memref<72x128xf32, #tpu.memory_space<vmem_shared>>
      tpu.wait_dma2 semaphore(%run_scoped3A : memref<!tpu.dma_semaphore, #tpu.memory_space<semaphore_mem>>) src(%arg17 : memref<72x128xf32, #tpu.memory_space<vmem>>) dst(%dma_wait3A_152 : memref<72x128xf32, #tpu.memory_space<vmem_shared>>)
      tpu.yield
    }) : () -> ()
    %add3A_5 = arith.constant 72 : i32
    %add3A_6 = arith.addi %mul3A_2, %add3A_5 : i32
    "tpu.region"() ({
      %run_scoped3A = tpu.sem_alloc : memref<!tpu.dma_semaphore, #tpu.memory_space<semaphore_mem>>
      %dma_start3A_145 = arith.constant 0 : i32
      %dma_start3A_146 = tpu.memref_slice %arg22[%add3A_6, %dma_start3A_145] : memref<10112x128xf32, #tpu.memory_space<vmem_shared>> -> memref<72x128xf32, #tpu.memory_space<vmem_shared>>
      %dma_start3A_147 = arith.constant 0 : i32
      %dma_start3A_148 = tpu.memref_slice %arg22[%add3A_6, %dma_start3A_147] : memref<10112x128xf32, #tpu.memory_space<vmem_shared>> -> memref<72x128xf32, #tpu.memory_space<vmem_shared>>
      tpu.enqueue_dma source(%arg17 : memref<72x128xf32, #tpu.memory_space<vmem>>) target(%dma_start3A_148 : memref<72x128xf32, #tpu.memory_space<vmem_shared>>) target_semaphore(%run_scoped3A : memref<!tpu.dma_semaphore, #tpu.memory_space<semaphore_mem>>)
      %dma_wait3A_149 = arith.constant 0 : i32
      %dma_wait3A_150 = tpu.memref_slice %arg22[%add3A_6, %dma_wait3A_149] : memref<10112x128xf32, #tpu.memory_space<vmem_shared>> -> memref<72x128xf32, #tpu.memory_space<vmem_shared>>
      %dma_wait3A_151 = arith.constant 0 : i32
      %dma_wait3A_152 = tpu.memref_slice %arg22[%add3A_6, %dma_wait3A_151] : memref<10112x128xf32, #tpu.memory_space<vmem_shared>> -> memref<72x128xf32, #tpu.memory_space<vmem_shared>>
      tpu.wait_dma2 semaphore(%run_scoped3A : memref<!tpu.dma_semaphore, #tpu.memory_space<semaphore_mem>>) src(%arg17 : memref<72x128xf32, #tpu.memory_space<vmem>>) dst(%dma_wait3A_152 : memref<72x128xf32, #tpu.memory_space<vmem_shared>>)
      tpu.yield
    }) : () -> ()
    %add3A_7 = arith.constant 144 : i32
    %add3A_8 = arith.addi %mul3A_2, %add3A_7 : i32
    "tpu.region"() ({
      %run_scoped3A = tpu.sem_alloc : memref<!tpu.dma_semaphore, #tpu.memory_space<semaphore_mem>>
      %dma_start3A_145 = arith.constant 0 : i32
      %dma_start3A_146 = tpu.memref_slice %arg22[%add3A_8, %dma_start3A_145] : memref<10112x128xf32, #tpu.memory_space<vmem_shared>> -> memref<72x128xf32, #tpu.memory_space<vmem_shared>>
      %dma_start3A_147 = arith.constant 0 : i32
      %dma_start3A_148 = tpu.memref_slice %arg22[%add3A_8, %dma_start3A_147] : memref<10112x128xf32, #tpu.memory_space<vmem_shared>> -> memref<72x128xf32, #tpu.memory_space<vmem_shared>>
      tpu.enqueue_dma source(%arg17 : memref<72x128xf32, #tpu.memory_space<vmem>>) target(%dma_start3A_148 : memref<72x128xf32, #tpu.memory_space<vmem_shared>>) target_semaphore(%run_scoped3A : memref<!tpu.dma_semaphore, #tpu.memory_space<semaphore_mem>>)
      %dma_wait3A_149 = arith.constant 0 : i32
      %dma_wait3A_150 = tpu.memref_slice %arg22[%add3A_8, %dma_wait3A_149] : memref<10112x128xf32, #tpu.memory_space<vmem_shared>> -> memref<72x128xf32, #tpu.memory_space<vmem_shared>>
      %dma_wait3A_151 = arith.constant 0 : i32
      %dma_wait3A_152 = tpu.memref_slice %arg22[%add3A_8, %dma_wait3A_151] : memref<10112x128xf32, #tpu.memory_space<vmem_shared>> -> memref<72x128xf32, #tpu.memory_space<vmem_shared>>
      tpu.wait_dma2 semaphore(%run_scoped3A : memref<!tpu.dma_semaphore, #tpu.memory_space<semaphore_mem>>) src(%arg17 : memref<72x128xf32, #tpu.memory_space<vmem>>) dst(%dma_wait3A_152 : memref<72x128xf32, #tpu.memory_space<vmem_shared>>)
      tpu.yield
    }) : () -> ()
    %add3A_9 = arith.constant 216 : i32
    %add3A_10 = arith.addi %mul3A_2, %add3A_9 : i32
    "tpu.region"() ({
      %run_scoped3A = tpu.sem_alloc : memref<!tpu.dma_semaphore, #tpu.memory_space<semaphore_mem>>
      %dma_start3A_145 = arith.constant 0 : i32
      %dma_start3A_146 = tpu.memref_slice %arg22[%add3A_10, %dma_start3A_145] : memref<10112x128xf32, #tpu.memory_space<vmem_shared>> -> memref<72x128xf32, #tpu.memory_space<vmem_shared>>
      %dma_start3A_147 = arith.constant 0 : i32
      %dma_start3A_148 = tpu.memref_slice %arg22[%add3A_10, %dma_start3A_147] : memref<10112x128xf32, #tpu.memory_space<vmem_shared>> -> memref<72x128xf32, #tpu.memory_space<vmem_shared>>
      tpu.enqueue_dma source(%arg17 : memref<72x128xf32, #tpu.memory_space<vmem>>) target(%dma_start3A_148 : memref<72x128xf32, #tpu.memory_space<vmem_shared>>) target_semaphore(%run_scoped3A : memref<!tpu.dma_semaphore, #tpu.memory_space<semaphore_mem>>)
      %dma_wait3A_149 = arith.constant 0 : i32
      %dma_wait3A_150 = tpu.memref_slice %arg22[%add3A_10, %dma_wait3A_149] : memref<10112x128xf32, #tpu.memory_space<vmem_shared>> -> memref<72x128xf32, #tpu.memory_space<vmem_shared>>
      %dma_wait3A_151 = arith.constant 0 : i32
      %dma_wait3A_152 = tpu.memref_slice %arg22[%add3A_10, %dma_wait3A_151] : memref<10112x128xf32, #tpu.memory_space<vmem_shared>> -> memref<72x128xf32, #tpu.memory_space<vmem_shared>>
      tpu.wait_dma2 semaphore(%run_scoped3A : memref<!tpu.dma_semaphore, #tpu.memory_space<semaphore_mem>>) src(%arg17 : memref<72x128xf32, #tpu.memory_space<vmem>>) dst(%dma_wait3A_152 : memref<72x128xf32, #tpu.memory_space<vmem_shared>>)
      tpu.yield
    }) : () -> ()
    %add3A_11 = arith.constant 288 : i32
    %add3A_12 = arith.addi %mul3A_2, %add3A_11 : i32
    "tpu.region"() ({
      %run_scoped3A = tpu.sem_alloc : memref<!tpu.dma_semaphore, #tpu.memory_space<semaphore_mem>>
      %dma_start3A_145 = arith.constant 0 : i32
      %dma_start3A_146 = tpu.memref_slice %arg22[%add3A_12, %dma_start3A_145] : memref<10112x128xf32, #tpu.memory_space<vmem_shared>> -> memref<72x128xf32, #tpu.memory_space<vmem_shared>>
      %dma_start3A_147 = arith.constant 0 : i32
      %dma_start3A_148 = tpu.memref_slice %arg22[%add3A_12, %dma_start3A_147] : memref<10112x128xf32, #tpu.memory_space<vmem_shared>> -> memref<72x128xf32, #tpu.memory_space<vmem_shared>>
      tpu.enqueue_dma source(%arg17 : memref<72x128xf32, #tpu.memory_space<vmem>>) target(%dma_start3A_148 : memref<72x128xf32, #tpu.memory_space<vmem_shared>>) target_semaphore(%run_scoped3A : memref<!tpu.dma_semaphore, #tpu.memory_space<semaphore_mem>>)
      %dma_wait3A_149 = arith.constant 0 : i32
      %dma_wait3A_150 = tpu.memref_slice %arg22[%add3A_12, %dma_wait3A_149] : memref<10112x128xf32, #tpu.memory_space<vmem_shared>> -> memref<72x128xf32, #tpu.memory_space<vmem_shared>>
      %dma_wait3A_151 = arith.constant 0 : i32
      %dma_wait3A_152 = tpu.memref_slice %arg22[%add3A_12, %dma_wait3A_151] : memref<10112x128xf32, #tpu.memory_space<vmem_shared>> -> memref<72x128xf32, #tpu.memory_space<vmem_shared>>
      tpu.wait_dma2 semaphore(%run_scoped3A : memref<!tpu.dma_semaphore, #tpu.memory_space<semaphore_mem>>) src(%arg17 : memref<72x128xf32, #tpu.memory_space<vmem>>) dst(%dma_wait3A_152 : memref<72x128xf32, #tpu.memory_space<vmem_shared>>)
      tpu.yield
    }) : () -> ()
    %add3A_13 = arith.constant 360 : i32
    %add3A_14 = arith.addi %mul3A_2, %add3A_13 : i32
    "tpu.region"() ({
      %run_scoped3A = tpu.sem_alloc : memref<!tpu.dma_semaphore, #tpu.memory_space<semaphore_mem>>
      %dma_start3A_145 = arith.constant 0 : i32
      %dma_start3A_146 = tpu.memref_slice %arg22[%add3A_14, %dma_start3A_145] : memref<10112x128xf32, #tpu.memory_space<vmem_shared>> -> memref<72x128xf32, #tpu.memory_space<vmem_shared>>
      %dma_start3A_147 = arith.constant 0 : i32
      %dma_start3A_148 = tpu.memref_slice %arg22[%add3A_14, %dma_start3A_147] : memref<10112x128xf32, #tpu.memory_space<vmem_shared>> -> memref<72x128xf32, #tpu.memory_space<vmem_shared>>
      tpu.enqueue_dma source(%arg17 : memref<72x128xf32, #tpu.memory_space<vmem>>) target(%dma_start3A_148 : memref<72x128xf32, #tpu.memory_space<vmem_shared>>) target_semaphore(%run_scoped3A : memref<!tpu.dma_semaphore, #tpu.memory_space<semaphore_mem>>)
      %dma_wait3A_149 = arith.constant 0 : i32
      %dma_wait3A_150 = tpu.memref_slice %arg22[%add3A_14, %dma_wait3A_149] : memref<10112x128xf32, #tpu.memory_space<vmem_shared>> -> memref<72x128xf32, #tpu.memory_space<vmem_shared>>
      %dma_wait3A_151 = arith.constant 0 : i32
      %dma_wait3A_152 = tpu.memref_slice %arg22[%add3A_14, %dma_wait3A_151] : memref<10112x128xf32, #tpu.memory_space<vmem_shared>> -> memref<72x128xf32, #tpu.memory_space<vmem_shared>>
      tpu.wait_dma2 semaphore(%run_scoped3A : memref<!tpu.dma_semaphore, #tpu.memory_space<semaphore_mem>>) src(%arg17 : memref<72x128xf32, #tpu.memory_space<vmem>>) dst(%dma_wait3A_152 : memref<72x128xf32, #tpu.memory_space<vmem_shared>>)
      tpu.yield
    }) : () -> ()
    %add3A_15 = arith.constant 432 : i32
    %add3A_16 = arith.addi %mul3A_2, %add3A_15 : i32
    "tpu.region"() ({
      %run_scoped3A = tpu.sem_alloc : memref<!tpu.dma_semaphore, #tpu.memory_space<semaphore_mem>>
      %dma_start3A_145 = arith.constant 0 : i32
      %dma_start3A_146 = tpu.memref_slice %arg22[%add3A_16, %dma_start3A_145] : memref<10112x128xf32, #tpu.memory_space<vmem_shared>> -> memref<72x128xf32, #tpu.memory_space<vmem_shared>>
      %dma_start3A_147 = arith.constant 0 : i32
      %dma_start3A_148 = tpu.memref_slice %arg22[%add3A_16, %dma_start3A_147] : memref<10112x128xf32, #tpu.memory_space<vmem_shared>> -> memref<72x128xf32, #tpu.memory_space<vmem_shared>>
      tpu.enqueue_dma source(%arg17 : memref<72x128xf32, #tpu.memory_space<vmem>>) target(%dma_start3A_148 : memref<72x128xf32, #tpu.memory_space<vmem_shared>>) target_semaphore(%run_scoped3A : memref<!tpu.dma_semaphore, #tpu.memory_space<semaphore_mem>>)
      %dma_wait3A_149 = arith.constant 0 : i32
      %dma_wait3A_150 = tpu.memref_slice %arg22[%add3A_16, %dma_wait3A_149] : memref<10112x128xf32, #tpu.memory_space<vmem_shared>> -> memref<72x128xf32, #tpu.memory_space<vmem_shared>>
      %dma_wait3A_151 = arith.constant 0 : i32
      %dma_wait3A_152 = tpu.memref_slice %arg22[%add3A_16, %dma_wait3A_151] : memref<10112x128xf32, #tpu.memory_space<vmem_shared>> -> memref<72x128xf32, #tpu.memory_space<vmem_shared>>
      tpu.wait_dma2 semaphore(%run_scoped3A : memref<!tpu.dma_semaphore, #tpu.memory_space<semaphore_mem>>) src(%arg17 : memref<72x128xf32, #tpu.memory_space<vmem>>) dst(%dma_wait3A_152 : memref<72x128xf32, #tpu.memory_space<vmem_shared>>)
      tpu.yield
    }) : () -> ()
    %add3A_17 = arith.constant 504 : i32
    %add3A_18 = arith.addi %mul3A_2, %add3A_17 : i32
    "tpu.region"() ({
      %run_scoped3A = tpu.sem_alloc : memref<!tpu.dma_semaphore, #tpu.memory_space<semaphore_mem>>
      %dma_start3A_145 = arith.constant 0 : i32
      %dma_start3A_146 = tpu.memref_slice %arg22[%add3A_18, %dma_start3A_145] : memref<10112x128xf32, #tpu.memory_space<vmem_shared>> -> memref<72x128xf32, #tpu.memory_space<vmem_shared>>
      %dma_start3A_147 = arith.constant 0 : i32
      %dma_start3A_148 = tpu.memref_slice %arg22[%add3A_18, %dma_start3A_147] : memref<10112x128xf32, #tpu.memory_space<vmem_shared>> -> memref<72x128xf32, #tpu.memory_space<vmem_shared>>
      tpu.enqueue_dma source(%arg17 : memref<72x128xf32, #tpu.memory_space<vmem>>) target(%dma_start3A_148 : memref<72x128xf32, #tpu.memory_space<vmem_shared>>) target_semaphore(%run_scoped3A : memref<!tpu.dma_semaphore, #tpu.memory_space<semaphore_mem>>)
      %dma_wait3A_149 = arith.constant 0 : i32
      %dma_wait3A_150 = tpu.memref_slice %arg22[%add3A_18, %dma_wait3A_149] : memref<10112x128xf32, #tpu.memory_space<vmem_shared>> -> memref<72x128xf32, #tpu.memory_space<vmem_shared>>
      %dma_wait3A_151 = arith.constant 0 : i32
      %dma_wait3A_152 = tpu.memref_slice %arg22[%add3A_18, %dma_wait3A_151] : memref<10112x128xf32, #tpu.memory_space<vmem_shared>> -> memref<72x128xf32, #tpu.memory_space<vmem_shared>>
      tpu.wait_dma2 semaphore(%run_scoped3A : memref<!tpu.dma_semaphore, #tpu.memory_space<semaphore_mem>>) src(%arg17 : memref<72x128xf32, #tpu.memory_space<vmem>>) dst(%dma_wait3A_152 : memref<72x128xf32, #tpu.memory_space<vmem_shared>>)
      tpu.yield
    }) : () -> ()
    %add3A_19 = arith.constant 576 : i32
    %add3A_20 = arith.addi %mul3A_2, %add3A_19 : i32
    "tpu.region"() ({
      %run_scoped3A = tpu.sem_alloc : memref<!tpu.dma_semaphore, #tpu.memory_space<semaphore_mem>>
      %dma_start3A_145 = arith.constant 0 : i32
      %dma_start3A_146 = arith.constant 0 : i32
      %dma_start3A_147 = tpu.memref_slice %arg17[%dma_start3A_145, %dma_start3A_146] : memref<72x128xf32, #tpu.memory_space<vmem>> -> memref<56x128xf32, #tpu.memory_space<vmem>>
      %dma_start3A_148 = arith.constant 0 : i32
      %dma_start3A_149 = tpu.memref_slice %arg22[%add3A_20, %dma_start3A_148] : memref<10112x128xf32, #tpu.memory_space<vmem_shared>> -> memref<56x128xf32, #tpu.memory_space<vmem_shared>>
      %dma_start3A_150 = arith.constant 0 : i32
      %dma_start3A_151 = tpu.memref_slice %arg22[%add3A_20, %dma_start3A_150] : memref<10112x128xf32, #tpu.memory_space<vmem_shared>> -> memref<56x128xf32, #tpu.memory_space<vmem_shared>>
      %dma_start3A_152 = arith.constant 0 : i32
      %dma_start3A_153 = arith.constant 0 : i32
      %dma_start3A_154 = tpu.memref_slice %arg17[%dma_start3A_152, %dma_start3A_153] : memref<72x128xf32, #tpu.memory_space<vmem>> -> memref<56x128xf32, #tpu.memory_space<vmem>>
      tpu.enqueue_dma source(%dma_start3A_154 : memref<56x128xf32, #tpu.memory_space<vmem>>) target(%dma_start3A_151 : memref<56x128xf32, #tpu.memory_space<vmem_shared>>) target_semaphore(%run_scoped3A : memref<!tpu.dma_semaphore, #tpu.memory_space<semaphore_mem>>)
      %dma_wait3A_155 = arith.constant 0 : i32
      %dma_wait3A_156 = arith.constant 0 : i32
      %dma_wait3A_157 = tpu.memref_slice %arg17[%dma_wait3A_155, %dma_wait3A_156] : memref<72x128xf32, #tpu.memory_space<vmem>> -> memref<56x128xf32, #tpu.memory_space<vmem>>
      %dma_wait3A_158 = arith.constant 0 : i32
      %dma_wait3A_159 = tpu.memref_slice %arg22[%add3A_20, %dma_wait3A_158] : memref<10112x128xf32, #tpu.memory_space<vmem_shared>> -> memref<56x128xf32, #tpu.memory_space<vmem_shared>>
      %dma_wait3A_160 = arith.constant 0 : i32
      %dma_wait3A_161 = tpu.memref_slice %arg22[%add3A_20, %dma_wait3A_160] : memref<10112x128xf32, #tpu.memory_space<vmem_shared>> -> memref<56x128xf32, #tpu.memory_space<vmem_shared>>
      %dma_wait3A_162 = arith.constant 0 : i32
      %dma_wait3A_163 = arith.constant 0 : i32
      %dma_wait3A_164 = tpu.memref_slice %arg17[%dma_wait3A_162, %dma_wait3A_163] : memref<72x128xf32, #tpu.memory_space<vmem>> -> memref<56x128xf32, #tpu.memory_space<vmem>>
      tpu.wait_dma2 semaphore(%run_scoped3A : memref<!tpu.dma_semaphore, #tpu.memory_space<semaphore_mem>>) src(%dma_wait3A_164 : memref<56x128xf32, #tpu.memory_space<vmem>>) dst(%dma_wait3A_161 : memref<56x128xf32, #tpu.memory_space<vmem_shared>>)
      tpu.yield
    }) : () -> ()
    %dma_start3A = arith.constant 0 : i32
    %dma_start3A_21 = arith.constant 0 : i32
    %dma_start3A_22 = tpu.memref_slice %arg3[%add3A, %dma_start3A, %dma_start3A_21] : memref<32x145x72xi32, #tpu.memory_space<hbm>> -> memref<1x1x72xi32, #tpu.memory_space<hbm>>
    %dma_start3A_23 = tpu.memref_squeeze %dma_start3A_22 : memref<1x1x72xi32, #tpu.memory_space<hbm>> -> memref<72xi32, #tpu.memory_space<hbm>>
    %dma_start3A_24 = arith.constant 0 : i32
    %dma_start3A_25 = tpu.memref_slice %arg3[%add3A, %dma_start3A, %dma_start3A_24] : memref<32x145x72xi32, #tpu.memory_space<hbm>> -> memref<1x1x72xi32, #tpu.memory_space<hbm>>
    %dma_start3A_26 = tpu.memref_squeeze %dma_start3A_25 : memref<1x1x72xi32, #tpu.memory_space<hbm>> -> memref<72xi32, #tpu.memory_space<hbm>>
    tpu.enqueue_dma source(%dma_start3A_26 : memref<72xi32, #tpu.memory_space<hbm>>) target(%arg7 : memref<72xi32, #tpu.memory_space<vmem>>) target_semaphore(%arg23 : memref<!tpu.dma_semaphore, #tpu.memory_space<semaphore_mem>>)
    %dma_start3A_27 = arith.constant 1 : i32
    %dma_start3A_28 = arith.constant 0 : i32
    %dma_start3A_29 = tpu.memref_slice %arg3[%add3A, %dma_start3A_27, %dma_start3A_28] : memref<32x145x72xi32, #tpu.memory_space<hbm>> -> memref<1x1x72xi32, #tpu.memory_space<hbm>>
    %dma_start3A_30 = tpu.memref_squeeze %dma_start3A_29 : memref<1x1x72xi32, #tpu.memory_space<hbm>> -> memref<72xi32, #tpu.memory_space<hbm>>
    %dma_start3A_31 = arith.constant 0 : i32
    %dma_start3A_32 = tpu.memref_slice %arg3[%add3A, %dma_start3A_27, %dma_start3A_31] : memref<32x145x72xi32, #tpu.memory_space<hbm>> -> memref<1x1x72xi32, #tpu.memory_space<hbm>>
    %dma_start3A_33 = tpu.memref_squeeze %dma_start3A_32 : memref<1x1x72xi32, #tpu.memory_space<hbm>> -> memref<72xi32, #tpu.memory_space<hbm>>
    tpu.enqueue_dma source(%dma_start3A_33 : memref<72xi32, #tpu.memory_space<hbm>>) target(%arg8 : memref<72xi32, #tpu.memory_space<vmem>>) target_semaphore(%arg24 : memref<!tpu.dma_semaphore, #tpu.memory_space<semaphore_mem>>)
    %dma_start3A_34 = arith.constant 2 : i32
    %dma_start3A_35 = arith.constant 0 : i32
    %dma_start3A_36 = tpu.memref_slice %arg3[%add3A, %dma_start3A_34, %dma_start3A_35] : memref<32x145x72xi32, #tpu.memory_space<hbm>> -> memref<1x1x72xi32, #tpu.memory_space<hbm>>
    %dma_start3A_37 = tpu.memref_squeeze %dma_start3A_36 : memref<1x1x72xi32, #tpu.memory_space<hbm>> -> memref<72xi32, #tpu.memory_space<hbm>>
    %dma_start3A_38 = arith.constant 0 : i32
    %dma_start3A_39 = tpu.memref_slice %arg3[%add3A, %dma_start3A_34, %dma_start3A_38] : memref<32x145x72xi32, #tpu.memory_space<hbm>> -> memref<1x1x72xi32, #tpu.memory_space<hbm>>
    %dma_start3A_40 = tpu.memref_squeeze %dma_start3A_39 : memref<1x1x72xi32, #tpu.memory_space<hbm>> -> memref<72xi32, #tpu.memory_space<hbm>>
    tpu.enqueue_dma source(%dma_start3A_40 : memref<72xi32, #tpu.memory_space<hbm>>) target(%arg9 : memref<72xi32, #tpu.memory_space<vmem>>) target_semaphore(%arg25 : memref<!tpu.dma_semaphore, #tpu.memory_space<semaphore_mem>>)
    %dma_start3A_41 = arith.constant 3 : i32
    %dma_start3A_42 = arith.constant 0 : i32
    %dma_start3A_43 = tpu.memref_slice %arg3[%add3A, %dma_start3A_41, %dma_start3A_42] : memref<32x145x72xi32, #tpu.memory_space<hbm>> -> memref<1x1x72xi32, #tpu.memory_space<hbm>>
    %dma_start3A_44 = tpu.memref_squeeze %dma_start3A_43 : memref<1x1x72xi32, #tpu.memory_space<hbm>> -> memref<72xi32, #tpu.memory_space<hbm>>
    %dma_start3A_45 = arith.constant 0 : i32
    %dma_start3A_46 = tpu.memref_slice %arg3[%add3A, %dma_start3A_41, %dma_start3A_45] : memref<32x145x72xi32, #tpu.memory_space<hbm>> -> memref<1x1x72xi32, #tpu.memory_space<hbm>>
    %dma_start3A_47 = tpu.memref_squeeze %dma_start3A_46 : memref<1x1x72xi32, #tpu.memory_space<hbm>> -> memref<72xi32, #tpu.memory_space<hbm>>
    tpu.enqueue_dma source(%dma_start3A_47 : memref<72xi32, #tpu.memory_space<hbm>>) target(%arg10 : memref<72xi32, #tpu.memory_space<vmem>>) target_semaphore(%arg26 : memref<!tpu.dma_semaphore, #tpu.memory_space<semaphore_mem>>)
    %dma_start3A_48 = arith.constant 4 : i32
    %dma_start3A_49 = arith.constant 0 : i32
    %dma_start3A_50 = tpu.memref_slice %arg3[%add3A, %dma_start3A_48, %dma_start3A_49] : memref<32x145x72xi32, #tpu.memory_space<hbm>> -> memref<1x1x72xi32, #tpu.memory_space<hbm>>
    %dma_start3A_51 = tpu.memref_squeeze %dma_start3A_50 : memref<1x1x72xi32, #tpu.memory_space<hbm>> -> memref<72xi32, #tpu.memory_space<hbm>>
    %dma_start3A_52 = arith.constant 0 : i32
    %dma_start3A_53 = tpu.memref_slice %arg3[%add3A, %dma_start3A_48, %dma_start3A_52] : memref<32x145x72xi32, #tpu.memory_space<hbm>> -> memref<1x1x72xi32, #tpu.memory_space<hbm>>
    %dma_start3A_54 = tpu.memref_squeeze %dma_start3A_53 : memref<1x1x72xi32, #tpu.memory_space<hbm>> -> memref<72xi32, #tpu.memory_space<hbm>>
    tpu.enqueue_dma source(%dma_start3A_54 : memref<72xi32, #tpu.memory_space<hbm>>) target(%arg11 : memref<72xi32, #tpu.memory_space<vmem>>) target_semaphore(%arg27 : memref<!tpu.dma_semaphore, #tpu.memory_space<semaphore_mem>>)
    %dma_wait3A = arith.constant 0 : i32
    %dma_wait3A_55 = arith.constant 0 : i32
    %dma_wait3A_56 = tpu.memref_slice %arg3[%add3A, %dma_wait3A, %dma_wait3A_55] : memref<32x145x72xi32, #tpu.memory_space<hbm>> -> memref<1x1x72xi32, #tpu.memory_space<hbm>>
    %dma_wait3A_57 = tpu.memref_squeeze %dma_wait3A_56 : memref<1x1x72xi32, #tpu.memory_space<hbm>> -> memref<72xi32, #tpu.memory_space<hbm>>
    %dma_wait3A_58 = arith.constant 0 : i32
    %dma_wait3A_59 = tpu.memref_slice %arg3[%add3A, %dma_wait3A, %dma_wait3A_58] : memref<32x145x72xi32, #tpu.memory_space<hbm>> -> memref<1x1x72xi32, #tpu.memory_space<hbm>>
    %dma_wait3A_60 = tpu.memref_squeeze %dma_wait3A_59 : memref<1x1x72xi32, #tpu.memory_space<hbm>> -> memref<72xi32, #tpu.memory_space<hbm>>
    tpu.wait_dma2 semaphore(%arg23 : memref<!tpu.dma_semaphore, #tpu.memory_space<semaphore_mem>>) src(%dma_wait3A_60 : memref<72xi32, #tpu.memory_space<hbm>>) dst(%arg7 : memref<72xi32, #tpu.memory_space<vmem>>)
    %dma_start3A_61 = arith.constant 0 : i32
    %dma_start3A_62 = arith.constant 0 : i32
    %dma_start3A_63 = tpu.memref_slice %arg2[%dma_start3A_61, %dma_start3A_62] : memref<10000x128xf32, #tpu.memory_space<hbm>> -> memref<10000x128xf32, #tpu.memory_space<hbm>>
    tpu.enqueue_indirect_dma source(%dma_start3A_63 : memref<10000x128xf32, #tpu.memory_space<hbm>>) target(%arg17 : memref<72x128xf32, #tpu.memory_space<vmem>>) offsets(%arg7 : memref<72xi32, #tpu.memory_space<vmem>>) semaphore(%arg33 : memref<!tpu.dma_semaphore, #tpu.memory_space<semaphore_mem>>)
    %dma_start3A_64 = arith.constant 0 : i32
    %dma_start3A_65 = arith.constant 0 : i32
    %dma_start3A_66 = tpu.memref_slice %arg4[%add3A, %dma_start3A_64, %dma_start3A_65] : memref<32x145x72xi32, #tpu.memory_space<hbm>> -> memref<1x1x72xi32, #tpu.memory_space<hbm>>
    %dma_start3A_67 = tpu.memref_squeeze %dma_start3A_66 : memref<1x1x72xi32, #tpu.memory_space<hbm>> -> memref<72xi32, #tpu.memory_space<hbm>>
    %dma_start3A_68 = arith.constant 0 : i32
    %dma_start3A_69 = tpu.memref_slice %arg4[%add3A, %dma_start3A_64, %dma_start3A_68] : memref<32x145x72xi32, #tpu.memory_space<hbm>> -> memref<1x1x72xi32, #tpu.memory_space<hbm>>
    %dma_start3A_70 = tpu.memref_squeeze %dma_start3A_69 : memref<1x1x72xi32, #tpu.memory_space<hbm>> -> memref<72xi32, #tpu.memory_space<hbm>>
    tpu.enqueue_dma source(%dma_start3A_70 : memref<72xi32, #tpu.memory_space<hbm>>) target(%arg12 : memref<72xi32, #tpu.memory_space<vmem>>) target_semaphore(%arg28 : memref<!tpu.dma_semaphore, #tpu.memory_space<semaphore_mem>>)
    %dma_wait3A_71 = arith.constant 1 : i32
    %dma_wait3A_72 = arith.constant 0 : i32
    %dma_wait3A_73 = tpu.memref_slice %arg3[%add3A, %dma_wait3A_71, %dma_wait3A_72] : memref<32x145x72xi32, #tpu.memory_space<hbm>> -> memref<1x1x72xi32, #tpu.memory_space<hbm>>
    %dma_wait3A_74 = tpu.memref_squeeze %dma_wait3A_73 : memref<1x1x72xi32, #tpu.memory_space<hbm>> -> memref<72xi32, #tpu.memory_space<hbm>>
    %dma_wait3A_75 = arith.constant 0 : i32
    %dma_wait3A_76 = tpu.memref_slice %arg3[%add3A, %dma_wait3A_71, %dma_wait3A_75] : memref<32x145x72xi32, #tpu.memory_space<hbm>> -> memref<1x1x72xi32, #tpu.memory_space<hbm>>
    %dma_wait3A_77 = tpu.memref_squeeze %dma_wait3A_76 : memref<1x1x72xi32, #tpu.memory_space<hbm>> -> memref<72xi32, #tpu.memory_space<hbm>>
    tpu.wait_dma2 semaphore(%arg24 : memref<!tpu.dma_semaphore, #tpu.memory_space<semaphore_mem>>) src(%dma_wait3A_77 : memref<72xi32, #tpu.memory_space<hbm>>) dst(%arg8 : memref<72xi32, #tpu.memory_space<vmem>>)
    %dma_start3A_78 = arith.constant 0 : i32
    %dma_start3A_79 = arith.constant 0 : i32
    %dma_start3A_80 = tpu.memref_slice %arg2[%dma_start3A_78, %dma_start3A_79] : memref<10000x128xf32, #tpu.memory_space<hbm>> -> memref<10000x128xf32, #tpu.memory_space<hbm>>
    tpu.enqueue_indirect_dma source(%dma_start3A_80 : memref<10000x128xf32, #tpu.memory_space<hbm>>) target(%arg18 : memref<72x128xf32, #tpu.memory_space<vmem>>) offsets(%arg8 : memref<72xi32, #tpu.memory_space<vmem>>) semaphore(%arg34 : memref<!tpu.dma_semaphore, #tpu.memory_space<semaphore_mem>>)
    %dma_start3A_81 = arith.constant 1 : i32
    %dma_start3A_82 = arith.constant 0 : i32
    %dma_start3A_83 = tpu.memref_slice %arg4[%add3A, %dma_start3A_81, %dma_start3A_82] : memref<32x145x72xi32, #tpu.memory_space<hbm>> -> memref<1x1x72xi32, #tpu.memory_space<hbm>>
    %dma_start3A_84 = tpu.memref_squeeze %dma_start3A_83 : memref<1x1x72xi32, #tpu.memory_space<hbm>> -> memref<72xi32, #tpu.memory_space<hbm>>
    %dma_start3A_85 = arith.constant 0 : i32
    %dma_start3A_86 = tpu.memref_slice %arg4[%add3A, %dma_start3A_81, %dma_start3A_85] : memref<32x145x72xi32, #tpu.memory_space<hbm>> -> memref<1x1x72xi32, #tpu.memory_space<hbm>>
    %dma_start3A_87 = tpu.memref_squeeze %dma_start3A_86 : memref<1x1x72xi32, #tpu.memory_space<hbm>> -> memref<72xi32, #tpu.memory_space<hbm>>
    tpu.enqueue_dma source(%dma_start3A_87 : memref<72xi32, #tpu.memory_space<hbm>>) target(%arg13 : memref<72xi32, #tpu.memory_space<vmem>>) target_semaphore(%arg29 : memref<!tpu.dma_semaphore, #tpu.memory_space<semaphore_mem>>)
    %dma_wait3A_88 = arith.constant 2 : i32
    %dma_wait3A_89 = arith.constant 0 : i32
    %dma_wait3A_90 = tpu.memref_slice %arg3[%add3A, %dma_wait3A_88, %dma_wait3A_89] : memref<32x145x72xi32, #tpu.memory_space<hbm>> -> memref<1x1x72xi32, #tpu.memory_space<hbm>>
    %dma_wait3A_91 = tpu.memref_squeeze %dma_wait3A_90 : memref<1x1x72xi32, #tpu.memory_space<hbm>> -> memref<72xi32, #tpu.memory_space<hbm>>
    %dma_wait3A_92 = arith.constant 0 : i32
    %dma_wait3A_93 = tpu.memref_slice %arg3[%add3A, %dma_wait3A_88, %dma_wait3A_92] : memref<32x145x72xi32, #tpu.memory_space<hbm>> -> memref<1x1x72xi32, #tpu.memory_space<hbm>>
    %dma_wait3A_94 = tpu.memref_squeeze %dma_wait3A_93 : memref<1x1x72xi32, #tpu.memory_space<hbm>> -> memref<72xi32, #tpu.memory_space<hbm>>
    tpu.wait_dma2 semaphore(%arg25 : memref<!tpu.dma_semaphore, #tpu.memory_space<semaphore_mem>>) src(%dma_wait3A_94 : memref<72xi32, #tpu.memory_space<hbm>>) dst(%arg9 : memref<72xi32, #tpu.memory_space<vmem>>)
    %dma_start3A_95 = arith.constant 0 : i32
    %dma_start3A_96 = arith.constant 0 : i32
    %dma_start3A_97 = tpu.memref_slice %arg2[%dma_start3A_95, %dma_start3A_96] : memref<10000x128xf32, #tpu.memory_space<hbm>> -> memref<10000x128xf32, #tpu.memory_space<hbm>>
    tpu.enqueue_indirect_dma source(%dma_start3A_97 : memref<10000x128xf32, #tpu.memory_space<hbm>>) target(%arg19 : memref<72x128xf32, #tpu.memory_space<vmem>>) offsets(%arg9 : memref<72xi32, #tpu.memory_space<vmem>>) semaphore(%arg35 : memref<!tpu.dma_semaphore, #tpu.memory_space<semaphore_mem>>)
    %dma_start3A_98 = arith.constant 2 : i32
    %dma_start3A_99 = arith.constant 0 : i32
    %dma_start3A_100 = tpu.memref_slice %arg4[%add3A, %dma_start3A_98, %dma_start3A_99] : memref<32x145x72xi32, #tpu.memory_space<hbm>> -> memref<1x1x72xi32, #tpu.memory_space<hbm>>
    %dma_start3A_101 = tpu.memref_squeeze %dma_start3A_100 : memref<1x1x72xi32, #tpu.memory_space<hbm>> -> memref<72xi32, #tpu.memory_space<hbm>>
    %dma_start3A_102 = arith.constant 0 : i32
    %dma_start3A_103 = tpu.memref_slice %arg4[%add3A, %dma_start3A_98, %dma_start3A_102] : memref<32x145x72xi32, #tpu.memory_space<hbm>> -> memref<1x1x72xi32, #tpu.memory_space<hbm>>
    %dma_start3A_104 = tpu.memref_squeeze %dma_start3A_103 : memref<1x1x72xi32, #tpu.memory_space<hbm>> -> memref<72xi32, #tpu.memory_space<hbm>>
    tpu.enqueue_dma source(%dma_start3A_104 : memref<72xi32, #tpu.memory_space<hbm>>) target(%arg14 : memref<72xi32, #tpu.memory_space<vmem>>) target_semaphore(%arg30 : memref<!tpu.dma_semaphore, #tpu.memory_space<semaphore_mem>>)
    %dma_wait3A_105 = arith.constant 3 : i32
    %dma_wait3A_106 = arith.constant 0 : i32
    %dma_wait3A_107 = tpu.memref_slice %arg3[%add3A, %dma_wait3A_105, %dma_wait3A_106] : memref<32x145x72xi32, #tpu.memory_space<hbm>> -> memref<1x1x72xi32, #tpu.memory_space<hbm>>
    %dma_wait3A_108 = tpu.memref_squeeze %dma_wait3A_107 : memref<1x1x72xi32, #tpu.memory_space<hbm>> -> memref<72xi32, #tpu.memory_space<hbm>>
    %dma_wait3A_109 = arith.constant 0 : i32
    %dma_wait3A_110 = tpu.memref_slice %arg3[%add3A, %dma_wait3A_105, %dma_wait3A_109] : memref<32x145x72xi32, #tpu.memory_space<hbm>> -> memref<1x1x72xi32, #tpu.memory_space<hbm>>
    %dma_wait3A_111 = tpu.memref_squeeze %dma_wait3A_110 : memref<1x1x72xi32, #tpu.memory_space<hbm>> -> memref<72xi32, #tpu.memory_space<hbm>>
    tpu.wait_dma2 semaphore(%arg26 : memref<!tpu.dma_semaphore, #tpu.memory_space<semaphore_mem>>) src(%dma_wait3A_111 : memref<72xi32, #tpu.memory_space<hbm>>) dst(%arg10 : memref<72xi32, #tpu.memory_space<vmem>>)
    %dma_start3A_112 = arith.constant 0 : i32
    %dma_start3A_113 = arith.constant 0 : i32
    %dma_start3A_114 = tpu.memref_slice %arg2[%dma_start3A_112, %dma_start3A_113] : memref<10000x128xf32, #tpu.memory_space<hbm>> -> memref<10000x128xf32, #tpu.memory_space<hbm>>
    tpu.enqueue_indirect_dma source(%dma_start3A_114 : memref<10000x128xf32, #tpu.memory_space<hbm>>) target(%arg20 : memref<72x128xf32, #tpu.memory_space<vmem>>) offsets(%arg10 : memref<72xi32, #tpu.memory_space<vmem>>) semaphore(%arg36 : memref<!tpu.dma_semaphore, #tpu.memory_space<semaphore_mem>>)
    %dma_start3A_115 = arith.constant 3 : i32
    %dma_start3A_116 = arith.constant 0 : i32
    %dma_start3A_117 = tpu.memref_slice %arg4[%add3A, %dma_start3A_115, %dma_start3A_116] : memref<32x145x72xi32, #tpu.memory_space<hbm>> -> memref<1x1x72xi32, #tpu.memory_space<hbm>>
    %dma_start3A_118 = tpu.memref_squeeze %dma_start3A_117 : memref<1x1x72xi32, #tpu.memory_space<hbm>> -> memref<72xi32, #tpu.memory_space<hbm>>
    %dma_start3A_119 = arith.constant 0 : i32
    %dma_start3A_120 = tpu.memref_slice %arg4[%add3A, %dma_start3A_115, %dma_start3A_119] : memref<32x145x72xi32, #tpu.memory_space<hbm>> -> memref<1x1x72xi32, #tpu.memory_space<hbm>>
    %dma_start3A_121 = tpu.memref_squeeze %dma_start3A_120 : memref<1x1x72xi32, #tpu.memory_space<hbm>> -> memref<72xi32, #tpu.memory_space<hbm>>
    tpu.enqueue_dma source(%dma_start3A_121 : memref<72xi32, #tpu.memory_space<hbm>>) target(%arg15 : memref<72xi32, #tpu.memory_space<vmem>>) target_semaphore(%arg31 : memref<!tpu.dma_semaphore, #tpu.memory_space<semaphore_mem>>)
    %dma_wait3A_122 = arith.constant 4 : i32
    %dma_wait3A_123 = arith.constant 0 : i32
    %dma_wait3A_124 = tpu.memref_slice %arg3[%add3A, %dma_wait3A_122, %dma_wait3A_123] : memref<32x145x72xi32, #tpu.memory_space<hbm>> -> memref<1x1x72xi32, #tpu.memory_space<hbm>>
    %dma_wait3A_125 = tpu.memref_squeeze %dma_wait3A_124 : memref<1x1x72xi32, #tpu.memory_space<hbm>> -> memref<72xi32, #tpu.memory_space<hbm>>
    %dma_wait3A_126 = arith.constant 0 : i32
    %dma_wait3A_127 = tpu.memref_slice %arg3[%add3A, %dma_wait3A_122, %dma_wait3A_126] : memref<32x145x72xi32, #tpu.memory_space<hbm>> -> memref<1x1x72xi32, #tpu.memory_space<hbm>>
    %dma_wait3A_128 = tpu.memref_squeeze %dma_wait3A_127 : memref<1x1x72xi32, #tpu.memory_space<hbm>> -> memref<72xi32, #tpu.memory_space<hbm>>
    tpu.wait_dma2 semaphore(%arg27 : memref<!tpu.dma_semaphore, #tpu.memory_space<semaphore_mem>>) src(%dma_wait3A_128 : memref<72xi32, #tpu.memory_space<hbm>>) dst(%arg11 : memref<72xi32, #tpu.memory_space<vmem>>)
    %dma_start3A_129 = arith.constant 0 : i32
    %dma_start3A_130 = arith.constant 0 : i32
    %dma_start3A_131 = tpu.memref_slice %arg2[%dma_start3A_129, %dma_start3A_130] : memref<10000x128xf32, #tpu.memory_space<hbm>> -> memref<10000x128xf32, #tpu.memory_space<hbm>>
    tpu.enqueue_indirect_dma source(%dma_start3A_131 : memref<10000x128xf32, #tpu.memory_space<hbm>>) target(%arg21 : memref<72x128xf32, #tpu.memory_space<vmem>>) offsets(%arg11 : memref<72xi32, #tpu.memory_space<vmem>>) semaphore(%arg37 : memref<!tpu.dma_semaphore, #tpu.memory_space<semaphore_mem>>)
    %dma_start3A_132 = arith.constant 4 : i32
    %dma_start3A_133 = arith.constant 0 : i32
    %dma_start3A_134 = tpu.memref_slice %arg4[%add3A, %dma_start3A_132, %dma_start3A_133] : memref<32x145x72xi32, #tpu.memory_space<hbm>> -> memref<1x1x72xi32, #tpu.memory_space<hbm>>
    %dma_start3A_135 = tpu.memref_squeeze %dma_start3A_134 : memref<1x1x72xi32, #tpu.memory_space<hbm>> -> memref<72xi32, #tpu.memory_space<hbm>>
    %dma_start3A_136 = arith.constant 0 : i32
    %dma_start3A_137 = tpu.memref_slice %arg4[%add3A, %dma_start3A_132, %dma_start3A_136] : memref<32x145x72xi32, #tpu.memory_space<hbm>> -> memref<1x1x72xi32, #tpu.memory_space<hbm>>
    %dma_start3A_138 = tpu.memref_squeeze %dma_start3A_137 : memref<1x1x72xi32, #tpu.memory_space<hbm>> -> memref<72xi32, #tpu.memory_space<hbm>>
    tpu.enqueue_dma source(%dma_start3A_138 : memref<72xi32, #tpu.memory_space<hbm>>) target(%arg16 : memref<72xi32, #tpu.memory_space<vmem>>) target_semaphore(%arg32 : memref<!tpu.dma_semaphore, #tpu.memory_space<semaphore_mem>>)
    %barrier3A = arith.constant 0 : index
    tpu.barrier barrier_id(%barrier3A)
    %scan3A = arith.constant 0 : i32
    %scan3A_139 = arith.constant 0 : i32
    %scan3A_140 = arith.constant 29 : i32
    %scan3A_141 = arith.addi %scan3A_139, %scan3A_140 : i32
    %scan3A_142 = arith.constant 1 : i32
    scf.for %scan3A_145 = %scan3A_139 to %scan3A_141 step %scan3A_142  : i32 {
      %mul3A_146 = arith.constant 5 : i32
      %mul3A_147 = arith.muli %scan3A_145, %mul3A_146 : i32
      %add3A_148 = arith.constant 0 : i32
      %add3A_149 = arith.addi %mul3A_147, %add3A_148 : i32
      %dma_wait3A_150 = arith.constant 0 : i32
      %dma_wait3A_151 = arith.constant 0 : i32
      %dma_wait3A_152 = tpu.memref_slice %arg2[%dma_wait3A_150, %dma_wait3A_151] : memref<10000x128xf32, #tpu.memory_space<hbm>> -> memref<10000x128xf32, #tpu.memory_space<hbm>>
      tpu.wait_indirect_dma semaphore(%arg33 : memref<!tpu.dma_semaphore, #tpu.memory_space<semaphore_mem>>) src(%dma_wait3A_152 : memref<10000x128xf32, #tpu.memory_space<hbm>>) dst(%arg17 : memref<72x128xf32, #tpu.memory_space<vmem>>)
      %dma_wait3A_153 = arith.constant 0 : i32
      %dma_wait3A_154 = tpu.memref_slice %arg4[%add3A, %add3A_149, %dma_wait3A_153] : memref<32x145x72xi32, #tpu.memory_space<hbm>> -> memref<1x1x72xi32, #tpu.memory_space<hbm>>
      %dma_wait3A_155 = tpu.memref_squeeze %dma_wait3A_154 : memref<1x1x72xi32, #tpu.memory_space<hbm>> -> memref<72xi32, #tpu.memory_space<hbm>>
      %dma_wait3A_156 = arith.constant 0 : i32
      %dma_wait3A_157 = tpu.memref_slice %arg4[%add3A, %add3A_149, %dma_wait3A_156] : memref<32x145x72xi32, #tpu.memory_space<hbm>> -> memref<1x1x72xi32, #tpu.memory_space<hbm>>
      %dma_wait3A_158 = tpu.memref_squeeze %dma_wait3A_157 : memref<1x1x72xi32, #tpu.memory_space<hbm>> -> memref<72xi32, #tpu.memory_space<hbm>>
      tpu.wait_dma2 semaphore(%arg28 : memref<!tpu.dma_semaphore, #tpu.memory_space<semaphore_mem>>) src(%dma_wait3A_158 : memref<72xi32, #tpu.memory_space<hbm>>) dst(%arg12 : memref<72xi32, #tpu.memory_space<vmem>>)
      %dma_start3A_159 = arith.constant 0 : i32
      %dma_start3A_160 = arith.constant 0 : i32
      %dma_start3A_161 = tpu.memref_slice %arg22[%dma_start3A_159, %dma_start3A_160] : memref<10112x128xf32, #tpu.memory_space<vmem_shared>> -> memref<10112x128xf32, #tpu.memory_space<vmem_shared>>
      tpu.enqueue_indirect_dma source(%arg17 : memref<72x128xf32, #tpu.memory_space<vmem>>) target(%dma_start3A_161 : memref<10112x128xf32, #tpu.memory_space<vmem_shared>>) offsets(%arg12 : memref<72xi32, #tpu.memory_space<vmem>>) semaphore(%arg38 : memref<!tpu.dma_semaphore, #tpu.memory_space<semaphore_mem>>) {add = true}
      %add3A_162 = arith.constant 5 : i32
      %add3A_163 = arith.addi %add3A_149, %add3A_162 : i32
      %lt3A = arith.constant 145 : i32
      %lt3A_164 = arith.cmpi slt, %add3A_163, %lt3A : i32
      %convert_element_type3A = arith.extui %lt3A_164 : i1 to i32
      %cond3A = arith.constant 0 : i32
      %cond3A_165 = arith.cmpi ne, %convert_element_type3A, %cond3A : i32
      scf.if %cond3A_165 {
        %add3A_329 = arith.constant 5 : i32
        %add3A_330 = arith.addi %add3A_149, %add3A_329 : i32
        %dma_start3A_331 = arith.constant 0 : i32
        %dma_start3A_332 = tpu.memref_slice %arg3[%add3A, %add3A_330, %dma_start3A_331] : memref<32x145x72xi32, #tpu.memory_space<hbm>> -> memref<1x1x72xi32, #tpu.memory_space<hbm>>
        %dma_start3A_333 = tpu.memref_squeeze %dma_start3A_332 : memref<1x1x72xi32, #tpu.memory_space<hbm>> -> memref<72xi32, #tpu.memory_space<hbm>>
        %dma_start3A_334 = arith.constant 0 : i32
        %dma_start3A_335 = tpu.memref_slice %arg3[%add3A, %add3A_330, %dma_start3A_334] : memref<32x145x72xi32, #tpu.memory_space<hbm>> -> memref<1x1x72xi32, #tpu.memory_space<hbm>>
        %dma_start3A_336 = tpu.memref_squeeze %dma_start3A_335 : memref<1x1x72xi32, #tpu.memory_space<hbm>> -> memref<72xi32, #tpu.memory_space<hbm>>
        tpu.enqueue_dma source(%dma_start3A_336 : memref<72xi32, #tpu.memory_space<hbm>>) target(%arg7 : memref<72xi32, #tpu.memory_space<vmem>>) target_semaphore(%arg23 : memref<!tpu.dma_semaphore, #tpu.memory_space<semaphore_mem>>)
      } else {
      }
      %add3A_166 = arith.constant 1 : i32
      %add3A_167 = arith.addi %mul3A_147, %add3A_166 : i32
      %dma_wait3A_168 = arith.constant 0 : i32
      %dma_wait3A_169 = arith.constant 0 : i32
      %dma_wait3A_170 = tpu.memref_slice %arg2[%dma_wait3A_168, %dma_wait3A_169] : memref<10000x128xf32, #tpu.memory_space<hbm>> -> memref<10000x128xf32, #tpu.memory_space<hbm>>
      tpu.wait_indirect_dma semaphore(%arg34 : memref<!tpu.dma_semaphore, #tpu.memory_space<semaphore_mem>>) src(%dma_wait3A_170 : memref<10000x128xf32, #tpu.memory_space<hbm>>) dst(%arg18 : memref<72x128xf32, #tpu.memory_space<vmem>>)
      %dma_wait3A_171 = arith.constant 0 : i32
      %dma_wait3A_172 = tpu.memref_slice %arg4[%add3A, %add3A_167, %dma_wait3A_171] : memref<32x145x72xi32, #tpu.memory_space<hbm>> -> memref<1x1x72xi32, #tpu.memory_space<hbm>>
      %dma_wait3A_173 = tpu.memref_squeeze %dma_wait3A_172 : memref<1x1x72xi32, #tpu.memory_space<hbm>> -> memref<72xi32, #tpu.memory_space<hbm>>
      %dma_wait3A_174 = arith.constant 0 : i32
      %dma_wait3A_175 = tpu.memref_slice %arg4[%add3A, %add3A_167, %dma_wait3A_174] : memref<32x145x72xi32, #tpu.memory_space<hbm>> -> memref<1x1x72xi32, #tpu.memory_space<hbm>>
      %dma_wait3A_176 = tpu.memref_squeeze %dma_wait3A_175 : memref<1x1x72xi32, #tpu.memory_space<hbm>> -> memref<72xi32, #tpu.memory_space<hbm>>
      tpu.wait_dma2 semaphore(%arg29 : memref<!tpu.dma_semaphore, #tpu.memory_space<semaphore_mem>>) src(%dma_wait3A_176 : memref<72xi32, #tpu.memory_space<hbm>>) dst(%arg13 : memref<72xi32, #tpu.memory_space<vmem>>)
      %dma_start3A_177 = arith.constant 0 : i32
      %dma_start3A_178 = arith.constant 0 : i32
      %dma_start3A_179 = tpu.memref_slice %arg22[%dma_start3A_177, %dma_start3A_178] : memref<10112x128xf32, #tpu.memory_space<vmem_shared>> -> memref<10112x128xf32, #tpu.memory_space<vmem_shared>>
      tpu.enqueue_indirect_dma source(%arg18 : memref<72x128xf32, #tpu.memory_space<vmem>>) target(%dma_start3A_179 : memref<10112x128xf32, #tpu.memory_space<vmem_shared>>) offsets(%arg13 : memref<72xi32, #tpu.memory_space<vmem>>) semaphore(%arg39 : memref<!tpu.dma_semaphore, #tpu.memory_space<semaphore_mem>>) {add = true}
      %add3A_180 = arith.constant 5 : i32
      %add3A_181 = arith.addi %add3A_167, %add3A_180 : i32
      %lt3A_182 = arith.constant 145 : i32
      %lt3A_183 = arith.cmpi slt, %add3A_181, %lt3A_182 : i32
      %convert_element_type3A_184 = arith.extui %lt3A_183 : i1 to i32
      %cond3A_185 = arith.constant 0 : i32
      %cond3A_186 = arith.cmpi ne, %convert_element_type3A_184, %cond3A_185 : i32
      scf.if %cond3A_186 {
        %add3A_329 = arith.constant 5 : i32
        %add3A_330 = arith.addi %add3A_167, %add3A_329 : i32
        %dma_start3A_331 = arith.constant 0 : i32
        %dma_start3A_332 = tpu.memref_slice %arg3[%add3A, %add3A_330, %dma_start3A_331] : memref<32x145x72xi32, #tpu.memory_space<hbm>> -> memref<1x1x72xi32, #tpu.memory_space<hbm>>
        %dma_start3A_333 = tpu.memref_squeeze %dma_start3A_332 : memref<1x1x72xi32, #tpu.memory_space<hbm>> -> memref<72xi32, #tpu.memory_space<hbm>>
        %dma_start3A_334 = arith.constant 0 : i32
        %dma_start3A_335 = tpu.memref_slice %arg3[%add3A, %add3A_330, %dma_start3A_334] : memref<32x145x72xi32, #tpu.memory_space<hbm>> -> memref<1x1x72xi32, #tpu.memory_space<hbm>>
        %dma_start3A_336 = tpu.memref_squeeze %dma_start3A_335 : memref<1x1x72xi32, #tpu.memory_space<hbm>> -> memref<72xi32, #tpu.memory_space<hbm>>
        tpu.enqueue_dma source(%dma_start3A_336 : memref<72xi32, #tpu.memory_space<hbm>>) target(%arg8 : memref<72xi32, #tpu.memory_space<vmem>>) target_semaphore(%arg24 : memref<!tpu.dma_semaphore, #tpu.memory_space<semaphore_mem>>)
      } else {
      }
      %add3A_187 = arith.constant 2 : i32
      %add3A_188 = arith.addi %mul3A_147, %add3A_187 : i32
      %dma_wait3A_189 = arith.constant 0 : i32
      %dma_wait3A_190 = arith.constant 0 : i32
      %dma_wait3A_191 = tpu.memref_slice %arg2[%dma_wait3A_189, %dma_wait3A_190] : memref<10000x128xf32, #tpu.memory_space<hbm>> -> memref<10000x128xf32, #tpu.memory_space<hbm>>
      tpu.wait_indirect_dma semaphore(%arg35 : memref<!tpu.dma_semaphore, #tpu.memory_space<semaphore_mem>>) src(%dma_wait3A_191 : memref<10000x128xf32, #tpu.memory_space<hbm>>) dst(%arg19 : memref<72x128xf32, #tpu.memory_space<vmem>>)
      %dma_wait3A_192 = arith.constant 0 : i32
      %dma_wait3A_193 = tpu.memref_slice %arg4[%add3A, %add3A_188, %dma_wait3A_192] : memref<32x145x72xi32, #tpu.memory_space<hbm>> -> memref<1x1x72xi32, #tpu.memory_space<hbm>>
      %dma_wait3A_194 = tpu.memref_squeeze %dma_wait3A_193 : memref<1x1x72xi32, #tpu.memory_space<hbm>> -> memref<72xi32, #tpu.memory_space<hbm>>
      %dma_wait3A_195 = arith.constant 0 : i32
      %dma_wait3A_196 = tpu.memref_slice %arg4[%add3A, %add3A_188, %dma_wait3A_195] : memref<32x145x72xi32, #tpu.memory_space<hbm>> -> memref<1x1x72xi32, #tpu.memory_space<hbm>>
      %dma_wait3A_197 = tpu.memref_squeeze %dma_wait3A_196 : memref<1x1x72xi32, #tpu.memory_space<hbm>> -> memref<72xi32, #tpu.memory_space<hbm>>
      tpu.wait_dma2 semaphore(%arg30 : memref<!tpu.dma_semaphore, #tpu.memory_space<semaphore_mem>>) src(%dma_wait3A_197 : memref<72xi32, #tpu.memory_space<hbm>>) dst(%arg14 : memref<72xi32, #tpu.memory_space<vmem>>)
      %dma_start3A_198 = arith.constant 0 : i32
      %dma_start3A_199 = arith.constant 0 : i32
      %dma_start3A_200 = tpu.memref_slice %arg22[%dma_start3A_198, %dma_start3A_199] : memref<10112x128xf32, #tpu.memory_space<vmem_shared>> -> memref<10112x128xf32, #tpu.memory_space<vmem_shared>>
      tpu.enqueue_indirect_dma source(%arg19 : memref<72x128xf32, #tpu.memory_space<vmem>>) target(%dma_start3A_200 : memref<10112x128xf32, #tpu.memory_space<vmem_shared>>) offsets(%arg14 : memref<72xi32, #tpu.memory_space<vmem>>) semaphore(%arg40 : memref<!tpu.dma_semaphore, #tpu.memory_space<semaphore_mem>>) {add = true}
      %add3A_201 = arith.constant 5 : i32
      %add3A_202 = arith.addi %add3A_188, %add3A_201 : i32
      %lt3A_203 = arith.constant 145 : i32
      %lt3A_204 = arith.cmpi slt, %add3A_202, %lt3A_203 : i32
      %convert_element_type3A_205 = arith.extui %lt3A_204 : i1 to i32
      %cond3A_206 = arith.constant 0 : i32
      %cond3A_207 = arith.cmpi ne, %convert_element_type3A_205, %cond3A_206 : i32
      scf.if %cond3A_207 {
        %add3A_329 = arith.constant 5 : i32
        %add3A_330 = arith.addi %add3A_188, %add3A_329 : i32
        %dma_start3A_331 = arith.constant 0 : i32
        %dma_start3A_332 = tpu.memref_slice %arg3[%add3A, %add3A_330, %dma_start3A_331] : memref<32x145x72xi32, #tpu.memory_space<hbm>> -> memref<1x1x72xi32, #tpu.memory_space<hbm>>
        %dma_start3A_333 = tpu.memref_squeeze %dma_start3A_332 : memref<1x1x72xi32, #tpu.memory_space<hbm>> -> memref<72xi32, #tpu.memory_space<hbm>>
        %dma_start3A_334 = arith.constant 0 : i32
        %dma_start3A_335 = tpu.memref_slice %arg3[%add3A, %add3A_330, %dma_start3A_334] : memref<32x145x72xi32, #tpu.memory_space<hbm>> -> memref<1x1x72xi32, #tpu.memory_space<hbm>>
        %dma_start3A_336 = tpu.memref_squeeze %dma_start3A_335 : memref<1x1x72xi32, #tpu.memory_space<hbm>> -> memref<72xi32, #tpu.memory_space<hbm>>
        tpu.enqueue_dma source(%dma_start3A_336 : memref<72xi32, #tpu.memory_space<hbm>>) target(%arg9 : memref<72xi32, #tpu.memory_space<vmem>>) target_semaphore(%arg25 : memref<!tpu.dma_semaphore, #tpu.memory_space<semaphore_mem>>)
      } else {
      }
      %add3A_208 = arith.constant 3 : i32
      %add3A_209 = arith.addi %mul3A_147, %add3A_208 : i32
      %dma_wait3A_210 = arith.constant 0 : i32
      %dma_wait3A_211 = arith.constant 0 : i32
      %dma_wait3A_212 = tpu.memref_slice %arg2[%dma_wait3A_210, %dma_wait3A_211] : memref<10000x128xf32, #tpu.memory_space<hbm>> -> memref<10000x128xf32, #tpu.memory_space<hbm>>
      tpu.wait_indirect_dma semaphore(%arg36 : memref<!tpu.dma_semaphore, #tpu.memory_space<semaphore_mem>>) src(%dma_wait3A_212 : memref<10000x128xf32, #tpu.memory_space<hbm>>) dst(%arg20 : memref<72x128xf32, #tpu.memory_space<vmem>>)
      %dma_wait3A_213 = arith.constant 0 : i32
      %dma_wait3A_214 = tpu.memref_slice %arg4[%add3A, %add3A_209, %dma_wait3A_213] : memref<32x145x72xi32, #tpu.memory_space<hbm>> -> memref<1x1x72xi32, #tpu.memory_space<hbm>>
      %dma_wait3A_215 = tpu.memref_squeeze %dma_wait3A_214 : memref<1x1x72xi32, #tpu.memory_space<hbm>> -> memref<72xi32, #tpu.memory_space<hbm>>
      %dma_wait3A_216 = arith.constant 0 : i32
      %dma_wait3A_217 = tpu.memref_slice %arg4[%add3A, %add3A_209, %dma_wait3A_216] : memref<32x145x72xi32, #tpu.memory_space<hbm>> -> memref<1x1x72xi32, #tpu.memory_space<hbm>>
      %dma_wait3A_218 = tpu.memref_squeeze %dma_wait3A_217 : memref<1x1x72xi32, #tpu.memory_space<hbm>> -> memref<72xi32, #tpu.memory_space<hbm>>
      tpu.wait_dma2 semaphore(%arg31 : memref<!tpu.dma_semaphore, #tpu.memory_space<semaphore_mem>>) src(%dma_wait3A_218 : memref<72xi32, #tpu.memory_space<hbm>>) dst(%arg15 : memref<72xi32, #tpu.memory_space<vmem>>)
      %dma_start3A_219 = arith.constant 0 : i32
      %dma_start3A_220 = arith.constant 0 : i32
      %dma_start3A_221 = tpu.memref_slice %arg22[%dma_start3A_219, %dma_start3A_220] : memref<10112x128xf32, #tpu.memory_space<vmem_shared>> -> memref<10112x128xf32, #tpu.memory_space<vmem_shared>>
      tpu.enqueue_indirect_dma source(%arg20 : memref<72x128xf32, #tpu.memory_space<vmem>>) target(%dma_start3A_221 : memref<10112x128xf32, #tpu.memory_space<vmem_shared>>) offsets(%arg15 : memref<72xi32, #tpu.memory_space<vmem>>) semaphore(%arg41 : memref<!tpu.dma_semaphore, #tpu.memory_space<semaphore_mem>>) {add = true}
      %add3A_222 = arith.constant 5 : i32
      %add3A_223 = arith.addi %add3A_209, %add3A_222 : i32
      %lt3A_224 = arith.constant 145 : i32
      %lt3A_225 = arith.cmpi slt, %add3A_223, %lt3A_224 : i32
      %convert_element_type3A_226 = arith.extui %lt3A_225 : i1 to i32
      %cond3A_227 = arith.constant 0 : i32
      %cond3A_228 = arith.cmpi ne, %convert_element_type3A_226, %cond3A_227 : i32
      scf.if %cond3A_228 {
        %add3A_329 = arith.constant 5 : i32
        %add3A_330 = arith.addi %add3A_209, %add3A_329 : i32
        %dma_start3A_331 = arith.constant 0 : i32
        %dma_start3A_332 = tpu.memref_slice %arg3[%add3A, %add3A_330, %dma_start3A_331] : memref<32x145x72xi32, #tpu.memory_space<hbm>> -> memref<1x1x72xi32, #tpu.memory_space<hbm>>
        %dma_start3A_333 = tpu.memref_squeeze %dma_start3A_332 : memref<1x1x72xi32, #tpu.memory_space<hbm>> -> memref<72xi32, #tpu.memory_space<hbm>>
        %dma_start3A_334 = arith.constant 0 : i32
        %dma_start3A_335 = tpu.memref_slice %arg3[%add3A, %add3A_330, %dma_start3A_334] : memref<32x145x72xi32, #tpu.memory_space<hbm>> -> memref<1x1x72xi32, #tpu.memory_space<hbm>>
        %dma_start3A_336 = tpu.memref_squeeze %dma_start3A_335 : memref<1x1x72xi32, #tpu.memory_space<hbm>> -> memref<72xi32, #tpu.memory_space<hbm>>
        tpu.enqueue_dma source(%dma_start3A_336 : memref<72xi32, #tpu.memory_space<hbm>>) target(%arg10 : memref<72xi32, #tpu.memory_space<vmem>>) target_semaphore(%arg26 : memref<!tpu.dma_semaphore, #tpu.memory_space<semaphore_mem>>)
      } else {
      }
      %add3A_229 = arith.constant 4 : i32
      %add3A_230 = arith.addi %mul3A_147, %add3A_229 : i32
      %dma_wait3A_231 = arith.constant 0 : i32
      %dma_wait3A_232 = arith.constant 0 : i32
      %dma_wait3A_233 = tpu.memref_slice %arg2[%dma_wait3A_231, %dma_wait3A_232] : memref<10000x128xf32, #tpu.memory_space<hbm>> -> memref<10000x128xf32, #tpu.memory_space<hbm>>
      tpu.wait_indirect_dma semaphore(%arg37 : memref<!tpu.dma_semaphore, #tpu.memory_space<semaphore_mem>>) src(%dma_wait3A_233 : memref<10000x128xf32, #tpu.memory_space<hbm>>) dst(%arg21 : memref<72x128xf32, #tpu.memory_space<vmem>>)
      %dma_wait3A_234 = arith.constant 0 : i32
      %dma_wait3A_235 = tpu.memref_slice %arg4[%add3A, %add3A_230, %dma_wait3A_234] : memref<32x145x72xi32, #tpu.memory_space<hbm>> -> memref<1x1x72xi32, #tpu.memory_space<hbm>>
      %dma_wait3A_236 = tpu.memref_squeeze %dma_wait3A_235 : memref<1x1x72xi32, #tpu.memory_space<hbm>> -> memref<72xi32, #tpu.memory_space<hbm>>
      %dma_wait3A_237 = arith.constant 0 : i32
      %dma_wait3A_238 = tpu.memref_slice %arg4[%add3A, %add3A_230, %dma_wait3A_237] : memref<32x145x72xi32, #tpu.memory_space<hbm>> -> memref<1x1x72xi32, #tpu.memory_space<hbm>>
      %dma_wait3A_239 = tpu.memref_squeeze %dma_wait3A_238 : memref<1x1x72xi32, #tpu.memory_space<hbm>> -> memref<72xi32, #tpu.memory_space<hbm>>
      tpu.wait_dma2 semaphore(%arg32 : memref<!tpu.dma_semaphore, #tpu.memory_space<semaphore_mem>>) src(%dma_wait3A_239 : memref<72xi32, #tpu.memory_space<hbm>>) dst(%arg16 : memref<72xi32, #tpu.memory_space<vmem>>)
      %dma_start3A_240 = arith.constant 0 : i32
      %dma_start3A_241 = arith.constant 0 : i32
      %dma_start3A_242 = tpu.memref_slice %arg22[%dma_start3A_240, %dma_start3A_241] : memref<10112x128xf32, #tpu.memory_space<vmem_shared>> -> memref<10112x128xf32, #tpu.memory_space<vmem_shared>>
      tpu.enqueue_indirect_dma source(%arg21 : memref<72x128xf32, #tpu.memory_space<vmem>>) target(%dma_start3A_242 : memref<10112x128xf32, #tpu.memory_space<vmem_shared>>) offsets(%arg16 : memref<72xi32, #tpu.memory_space<vmem>>) semaphore(%arg42 : memref<!tpu.dma_semaphore, #tpu.memory_space<semaphore_mem>>) {add = true}
      %add3A_243 = arith.constant 5 : i32
      %add3A_244 = arith.addi %add3A_230, %add3A_243 : i32
      %lt3A_245 = arith.constant 145 : i32
      %lt3A_246 = arith.cmpi slt, %add3A_244, %lt3A_245 : i32
      %convert_element_type3A_247 = arith.extui %lt3A_246 : i1 to i32
      %cond3A_248 = arith.constant 0 : i32
      %cond3A_249 = arith.cmpi ne, %convert_element_type3A_247, %cond3A_248 : i32
      scf.if %cond3A_249 {
        %add3A_329 = arith.constant 5 : i32
        %add3A_330 = arith.addi %add3A_230, %add3A_329 : i32
        %dma_start3A_331 = arith.constant 0 : i32
        %dma_start3A_332 = tpu.memref_slice %arg3[%add3A, %add3A_330, %dma_start3A_331] : memref<32x145x72xi32, #tpu.memory_space<hbm>> -> memref<1x1x72xi32, #tpu.memory_space<hbm>>
        %dma_start3A_333 = tpu.memref_squeeze %dma_start3A_332 : memref<1x1x72xi32, #tpu.memory_space<hbm>> -> memref<72xi32, #tpu.memory_space<hbm>>
        %dma_start3A_334 = arith.constant 0 : i32
        %dma_start3A_335 = tpu.memref_slice %arg3[%add3A, %add3A_330, %dma_start3A_334] : memref<32x145x72xi32, #tpu.memory_space<hbm>> -> memref<1x1x72xi32, #tpu.memory_space<hbm>>
        %dma_start3A_336 = tpu.memref_squeeze %dma_start3A_335 : memref<1x1x72xi32, #tpu.memory_space<hbm>> -> memref<72xi32, #tpu.memory_space<hbm>>
        tpu.enqueue_dma source(%dma_start3A_336 : memref<72xi32, #tpu.memory_space<hbm>>) target(%arg11 : memref<72xi32, #tpu.memory_space<vmem>>) target_semaphore(%arg27 : memref<!tpu.dma_semaphore, #tpu.memory_space<semaphore_mem>>)
      } else {
      }
      %add3A_250 = arith.constant 0 : i32
      %add3A_251 = arith.addi %mul3A_147, %add3A_250 : i32
      %add3A_252 = arith.constant 5 : i32
      %add3A_253 = arith.addi %add3A_251, %add3A_252 : i32
      %lt3A_254 = arith.constant 145 : i32
      %lt3A_255 = arith.cmpi slt, %add3A_253, %lt3A_254 : i32
      %convert_element_type3A_256 = arith.extui %lt3A_255 : i1 to i32
      %cond3A_257 = arith.constant 0 : i32
      %cond3A_258 = arith.cmpi ne, %convert_element_type3A_256, %cond3A_257 : i32
      scf.if %cond3A_258 {
        %add3A_329 = arith.constant 5 : i32
        %add3A_330 = arith.addi %add3A_251, %add3A_329 : i32
        %dma_wait3A_331 = arith.constant 0 : i32
        %dma_wait3A_332 = tpu.memref_slice %arg3[%add3A, %add3A_330, %dma_wait3A_331] : memref<32x145x72xi32, #tpu.memory_space<hbm>> -> memref<1x1x72xi32, #tpu.memory_space<hbm>>
        %dma_wait3A_333 = tpu.memref_squeeze %dma_wait3A_332 : memref<1x1x72xi32, #tpu.memory_space<hbm>> -> memref<72xi32, #tpu.memory_space<hbm>>
        %dma_wait3A_334 = arith.constant 0 : i32
        %dma_wait3A_335 = tpu.memref_slice %arg3[%add3A, %add3A_330, %dma_wait3A_334] : memref<32x145x72xi32, #tpu.memory_space<hbm>> -> memref<1x1x72xi32, #tpu.memory_space<hbm>>
        %dma_wait3A_336 = tpu.memref_squeeze %dma_wait3A_335 : memref<1x1x72xi32, #tpu.memory_space<hbm>> -> memref<72xi32, #tpu.memory_space<hbm>>
        tpu.wait_dma2 semaphore(%arg23 : memref<!tpu.dma_semaphore, #tpu.memory_space<semaphore_mem>>) src(%dma_wait3A_336 : memref<72xi32, #tpu.memory_space<hbm>>) dst(%arg7 : memref<72xi32, #tpu.memory_space<vmem>>)
        %dma_wait3A_337 = arith.constant 0 : i32
        %dma_wait3A_338 = arith.constant 0 : i32
        %dma_wait3A_339 = tpu.memref_slice %arg22[%dma_wait3A_337, %dma_wait3A_338] : memref<10112x128xf32, #tpu.memory_space<vmem_shared>> -> memref<10112x128xf32, #tpu.memory_space<vmem_shared>>
        tpu.wait_indirect_dma semaphore(%arg38 : memref<!tpu.dma_semaphore, #tpu.memory_space<semaphore_mem>>) src(%arg17 : memref<72x128xf32, #tpu.memory_space<vmem>>) dst(%dma_wait3A_339 : memref<10112x128xf32, #tpu.memory_space<vmem_shared>>)
        %dma_start3A_340 = arith.constant 0 : i32
        %dma_start3A_341 = arith.constant 0 : i32
        %dma_start3A_342 = tpu.memref_slice %arg2[%dma_start3A_340, %dma_start3A_341] : memref<10000x128xf32, #tpu.memory_space<hbm>> -> memref<10000x128xf32, #tpu.memory_space<hbm>>
        tpu.enqueue_indirect_dma source(%dma_start3A_342 : memref<10000x128xf32, #tpu.memory_space<hbm>>) target(%arg17 : memref<72x128xf32, #tpu.memory_space<vmem>>) offsets(%arg7 : memref<72xi32, #tpu.memory_space<vmem>>) semaphore(%arg33 : memref<!tpu.dma_semaphore, #tpu.memory_space<semaphore_mem>>)
        %add3A_343 = arith.constant 5 : i32
        %add3A_344 = arith.addi %add3A_251, %add3A_343 : i32
        %dma_start3A_345 = arith.constant 0 : i32
        %dma_start3A_346 = tpu.memref_slice %arg4[%add3A, %add3A_344, %dma_start3A_345] : memref<32x145x72xi32, #tpu.memory_space<hbm>> -> memref<1x1x72xi32, #tpu.memory_space<hbm>>
        %dma_start3A_347 = tpu.memref_squeeze %dma_start3A_346 : memref<1x1x72xi32, #tpu.memory_space<hbm>> -> memref<72xi32, #tpu.memory_space<hbm>>
        %dma_start3A_348 = arith.constant 0 : i32
        %dma_start3A_349 = tpu.memref_slice %arg4[%add3A, %add3A_344, %dma_start3A_348] : memref<32x145x72xi32, #tpu.memory_space<hbm>> -> memref<1x1x72xi32, #tpu.memory_space<hbm>>
        %dma_start3A_350 = tpu.memref_squeeze %dma_start3A_349 : memref<1x1x72xi32, #tpu.memory_space<hbm>> -> memref<72xi32, #tpu.memory_space<hbm>>
        tpu.enqueue_dma source(%dma_start3A_350 : memref<72xi32, #tpu.memory_space<hbm>>) target(%arg12 : memref<72xi32, #tpu.memory_space<vmem>>) target_semaphore(%arg28 : memref<!tpu.dma_semaphore, #tpu.memory_space<semaphore_mem>>)
      } else {
      }
      %add3A_259 = arith.constant 5 : i32
      %add3A_260 = arith.addi %add3A_251, %add3A_259 : i32
      %ge3A = arith.constant 145 : i32
      %ge3A_261 = arith.cmpi sge, %add3A_260, %ge3A : i32
      %convert_element_type3A_262 = arith.extui %ge3A_261 : i1 to i32
      %cond3A_263 = arith.constant 0 : i32
      %cond3A_264 = arith.cmpi ne, %convert_element_type3A_262, %cond3A_263 : i32
      scf.if %cond3A_264 {
        %dma_wait3A_329 = arith.constant 0 : i32
        %dma_wait3A_330 = arith.constant 0 : i32
        %dma_wait3A_331 = tpu.memref_slice %arg22[%dma_wait3A_329, %dma_wait3A_330] : memref<10112x128xf32, #tpu.memory_space<vmem_shared>> -> memref<10112x128xf32, #tpu.memory_space<vmem_shared>>
        tpu.wait_indirect_dma semaphore(%arg38 : memref<!tpu.dma_semaphore, #tpu.memory_space<semaphore_mem>>) src(%arg17 : memref<72x128xf32, #tpu.memory_space<vmem>>) dst(%dma_wait3A_331 : memref<10112x128xf32, #tpu.memory_space<vmem_shared>>)
      } else {
      }
      %add3A_265 = arith.constant 1 : i32
      %add3A_266 = arith.addi %mul3A_147, %add3A_265 : i32
      %add3A_267 = arith.constant 5 : i32
      %add3A_268 = arith.addi %add3A_266, %add3A_267 : i32
      %lt3A_269 = arith.constant 145 : i32
      %lt3A_270 = arith.cmpi slt, %add3A_268, %lt3A_269 : i32
      %convert_element_type3A_271 = arith.extui %lt3A_270 : i1 to i32
      %cond3A_272 = arith.constant 0 : i32
      %cond3A_273 = arith.cmpi ne, %convert_element_type3A_271, %cond3A_272 : i32
      scf.if %cond3A_273 {
        %add3A_329 = arith.constant 5 : i32
        %add3A_330 = arith.addi %add3A_266, %add3A_329 : i32
        %dma_wait3A_331 = arith.constant 0 : i32
        %dma_wait3A_332 = tpu.memref_slice %arg3[%add3A, %add3A_330, %dma_wait3A_331] : memref<32x145x72xi32, #tpu.memory_space<hbm>> -> memref<1x1x72xi32, #tpu.memory_space<hbm>>
        %dma_wait3A_333 = tpu.memref_squeeze %dma_wait3A_332 : memref<1x1x72xi32, #tpu.memory_space<hbm>> -> memref<72xi32, #tpu.memory_space<hbm>>
        %dma_wait3A_334 = arith.constant 0 : i32
        %dma_wait3A_335 = tpu.memref_slice %arg3[%add3A, %add3A_330, %dma_wait3A_334] : memref<32x145x72xi32, #tpu.memory_space<hbm>> -> memref<1x1x72xi32, #tpu.memory_space<hbm>>
        %dma_wait3A_336 = tpu.memref_squeeze %dma_wait3A_335 : memref<1x1x72xi32, #tpu.memory_space<hbm>> -> memref<72xi32, #tpu.memory_space<hbm>>
        tpu.wait_dma2 semaphore(%arg24 : memref<!tpu.dma_semaphore, #tpu.memory_space<semaphore_mem>>) src(%dma_wait3A_336 : memref<72xi32, #tpu.memory_space<hbm>>) dst(%arg8 : memref<72xi32, #tpu.memory_space<vmem>>)
        %dma_wait3A_337 = arith.constant 0 : i32
        %dma_wait3A_338 = arith.constant 0 : i32
        %dma_wait3A_339 = tpu.memref_slice %arg22[%dma_wait3A_337, %dma_wait3A_338] : memref<10112x128xf32, #tpu.memory_space<vmem_shared>> -> memref<10112x128xf32, #tpu.memory_space<vmem_shared>>
        tpu.wait_indirect_dma semaphore(%arg39 : memref<!tpu.dma_semaphore, #tpu.memory_space<semaphore_mem>>) src(%arg18 : memref<72x128xf32, #tpu.memory_space<vmem>>) dst(%dma_wait3A_339 : memref<10112x128xf32, #tpu.memory_space<vmem_shared>>)
        %dma_start3A_340 = arith.constant 0 : i32
        %dma_start3A_341 = arith.constant 0 : i32
        %dma_start3A_342 = tpu.memref_slice %arg2[%dma_start3A_340, %dma_start3A_341] : memref<10000x128xf32, #tpu.memory_space<hbm>> -> memref<10000x128xf32, #tpu.memory_space<hbm>>
        tpu.enqueue_indirect_dma source(%dma_start3A_342 : memref<10000x128xf32, #tpu.memory_space<hbm>>) target(%arg18 : memref<72x128xf32, #tpu.memory_space<vmem>>) offsets(%arg8 : memref<72xi32, #tpu.memory_space<vmem>>) semaphore(%arg34 : memref<!tpu.dma_semaphore, #tpu.memory_space<semaphore_mem>>)
        %add3A_343 = arith.constant 5 : i32
        %add3A_344 = arith.addi %add3A_266, %add3A_343 : i32
        %dma_start3A_345 = arith.constant 0 : i32
        %dma_start3A_346 = tpu.memref_slice %arg4[%add3A, %add3A_344, %dma_start3A_345] : memref<32x145x72xi32, #tpu.memory_space<hbm>> -> memref<1x1x72xi32, #tpu.memory_space<hbm>>
        %dma_start3A_347 = tpu.memref_squeeze %dma_start3A_346 : memref<1x1x72xi32, #tpu.memory_space<hbm>> -> memref<72xi32, #tpu.memory_space<hbm>>
        %dma_start3A_348 = arith.constant 0 : i32
        %dma_start3A_349 = tpu.memref_slice %arg4[%add3A, %add3A_344, %dma_start3A_348] : memref<32x145x72xi32, #tpu.memory_space<hbm>> -> memref<1x1x72xi32, #tpu.memory_space<hbm>>
        %dma_start3A_350 = tpu.memref_squeeze %dma_start3A_349 : memref<1x1x72xi32, #tpu.memory_space<hbm>> -> memref<72xi32, #tpu.memory_space<hbm>>
        tpu.enqueue_dma source(%dma_start3A_350 : memref<72xi32, #tpu.memory_space<hbm>>) target(%arg13 : memref<72xi32, #tpu.memory_space<vmem>>) target_semaphore(%arg29 : memref<!tpu.dma_semaphore, #tpu.memory_space<semaphore_mem>>)
      } else {
      }
      %add3A_274 = arith.constant 5 : i32
      %add3A_275 = arith.addi %add3A_266, %add3A_274 : i32
      %ge3A_276 = arith.constant 145 : i32
      %ge3A_277 = arith.cmpi sge, %add3A_275, %ge3A_276 : i32
      %convert_element_type3A_278 = arith.extui %ge3A_277 : i1 to i32
      %cond3A_279 = arith.constant 0 : i32
      %cond3A_280 = arith.cmpi ne, %convert_element_type3A_278, %cond3A_279 : i32
      scf.if %cond3A_280 {
        %dma_wait3A_329 = arith.constant 0 : i32
        %dma_wait3A_330 = arith.constant 0 : i32
        %dma_wait3A_331 = tpu.memref_slice %arg22[%dma_wait3A_329, %dma_wait3A_330] : memref<10112x128xf32, #tpu.memory_space<vmem_shared>> -> memref<10112x128xf32, #tpu.memory_space<vmem_shared>>
        tpu.wait_indirect_dma semaphore(%arg39 : memref<!tpu.dma_semaphore, #tpu.memory_space<semaphore_mem>>) src(%arg18 : memref<72x128xf32, #tpu.memory_space<vmem>>) dst(%dma_wait3A_331 : memref<10112x128xf32, #tpu.memory_space<vmem_shared>>)
      } else {
      }
      %add3A_281 = arith.constant 2 : i32
      %add3A_282 = arith.addi %mul3A_147, %add3A_281 : i32
      %add3A_283 = arith.constant 5 : i32
      %add3A_284 = arith.addi %add3A_282, %add3A_283 : i32
      %lt3A_285 = arith.constant 145 : i32
      %lt3A_286 = arith.cmpi slt, %add3A_284, %lt3A_285 : i32
      %convert_element_type3A_287 = arith.extui %lt3A_286 : i1 to i32
      %cond3A_288 = arith.constant 0 : i32
      %cond3A_289 = arith.cmpi ne, %convert_element_type3A_287, %cond3A_288 : i32
      scf.if %cond3A_289 {
        %add3A_329 = arith.constant 5 : i32
        %add3A_330 = arith.addi %add3A_282, %add3A_329 : i32
        %dma_wait3A_331 = arith.constant 0 : i32
        %dma_wait3A_332 = tpu.memref_slice %arg3[%add3A, %add3A_330, %dma_wait3A_331] : memref<32x145x72xi32, #tpu.memory_space<hbm>> -> memref<1x1x72xi32, #tpu.memory_space<hbm>>
        %dma_wait3A_333 = tpu.memref_squeeze %dma_wait3A_332 : memref<1x1x72xi32, #tpu.memory_space<hbm>> -> memref<72xi32, #tpu.memory_space<hbm>>
        %dma_wait3A_334 = arith.constant 0 : i32
        %dma_wait3A_335 = tpu.memref_slice %arg3[%add3A, %add3A_330, %dma_wait3A_334] : memref<32x145x72xi32, #tpu.memory_space<hbm>> -> memref<1x1x72xi32, #tpu.memory_space<hbm>>
        %dma_wait3A_336 = tpu.memref_squeeze %dma_wait3A_335 : memref<1x1x72xi32, #tpu.memory_space<hbm>> -> memref<72xi32, #tpu.memory_space<hbm>>
        tpu.wait_dma2 semaphore(%arg25 : memref<!tpu.dma_semaphore, #tpu.memory_space<semaphore_mem>>) src(%dma_wait3A_336 : memref<72xi32, #tpu.memory_space<hbm>>) dst(%arg9 : memref<72xi32, #tpu.memory_space<vmem>>)
        %dma_wait3A_337 = arith.constant 0 : i32
        %dma_wait3A_338 = arith.constant 0 : i32
        %dma_wait3A_339 = tpu.memref_slice %arg22[%dma_wait3A_337, %dma_wait3A_338] : memref<10112x128xf32, #tpu.memory_space<vmem_shared>> -> memref<10112x128xf32, #tpu.memory_space<vmem_shared>>
        tpu.wait_indirect_dma semaphore(%arg40 : memref<!tpu.dma_semaphore, #tpu.memory_space<semaphore_mem>>) src(%arg19 : memref<72x128xf32, #tpu.memory_space<vmem>>) dst(%dma_wait3A_339 : memref<10112x128xf32, #tpu.memory_space<vmem_shared>>)
        %dma_start3A_340 = arith.constant 0 : i32
        %dma_start3A_341 = arith.constant 0 : i32
        %dma_start3A_342 = tpu.memref_slice %arg2[%dma_start3A_340, %dma_start3A_341] : memref<10000x128xf32, #tpu.memory_space<hbm>> -> memref<10000x128xf32, #tpu.memory_space<hbm>>
        tpu.enqueue_indirect_dma source(%dma_start3A_342 : memref<10000x128xf32, #tpu.memory_space<hbm>>) target(%arg19 : memref<72x128xf32, #tpu.memory_space<vmem>>) offsets(%arg9 : memref<72xi32, #tpu.memory_space<vmem>>) semaphore(%arg35 : memref<!tpu.dma_semaphore, #tpu.memory_space<semaphore_mem>>)
        %add3A_343 = arith.constant 5 : i32
        %add3A_344 = arith.addi %add3A_282, %add3A_343 : i32
        %dma_start3A_345 = arith.constant 0 : i32
        %dma_start3A_346 = tpu.memref_slice %arg4[%add3A, %add3A_344, %dma_start3A_345] : memref<32x145x72xi32, #tpu.memory_space<hbm>> -> memref<1x1x72xi32, #tpu.memory_space<hbm>>
        %dma_start3A_347 = tpu.memref_squeeze %dma_start3A_346 : memref<1x1x72xi32, #tpu.memory_space<hbm>> -> memref<72xi32, #tpu.memory_space<hbm>>
        %dma_start3A_348 = arith.constant 0 : i32
        %dma_start3A_349 = tpu.memref_slice %arg4[%add3A, %add3A_344, %dma_start3A_348] : memref<32x145x72xi32, #tpu.memory_space<hbm>> -> memref<1x1x72xi32, #tpu.memory_space<hbm>>
        %dma_start3A_350 = tpu.memref_squeeze %dma_start3A_349 : memref<1x1x72xi32, #tpu.memory_space<hbm>> -> memref<72xi32, #tpu.memory_space<hbm>>
        tpu.enqueue_dma source(%dma_start3A_350 : memref<72xi32, #tpu.memory_space<hbm>>) target(%arg14 : memref<72xi32, #tpu.memory_space<vmem>>) target_semaphore(%arg30 : memref<!tpu.dma_semaphore, #tpu.memory_space<semaphore_mem>>)
      } else {
      }
      %add3A_290 = arith.constant 5 : i32
      %add3A_291 = arith.addi %add3A_282, %add3A_290 : i32
      %ge3A_292 = arith.constant 145 : i32
      %ge3A_293 = arith.cmpi sge, %add3A_291, %ge3A_292 : i32
      %convert_element_type3A_294 = arith.extui %ge3A_293 : i1 to i32
      %cond3A_295 = arith.constant 0 : i32
      %cond3A_296 = arith.cmpi ne, %convert_element_type3A_294, %cond3A_295 : i32
      scf.if %cond3A_296 {
        %dma_wait3A_329 = arith.constant 0 : i32
        %dma_wait3A_330 = arith.constant 0 : i32
        %dma_wait3A_331 = tpu.memref_slice %arg22[%dma_wait3A_329, %dma_wait3A_330] : memref<10112x128xf32, #tpu.memory_space<vmem_shared>> -> memref<10112x128xf32, #tpu.memory_space<vmem_shared>>
        tpu.wait_indirect_dma semaphore(%arg40 : memref<!tpu.dma_semaphore, #tpu.memory_space<semaphore_mem>>) src(%arg19 : memref<72x128xf32, #tpu.memory_space<vmem>>) dst(%dma_wait3A_331 : memref<10112x128xf32, #tpu.memory_space<vmem_shared>>)
      } else {
      }
      %add3A_297 = arith.constant 3 : i32
      %add3A_298 = arith.addi %mul3A_147, %add3A_297 : i32
      %add3A_299 = arith.constant 5 : i32
      %add3A_300 = arith.addi %add3A_298, %add3A_299 : i32
      %lt3A_301 = arith.constant 145 : i32
      %lt3A_302 = arith.cmpi slt, %add3A_300, %lt3A_301 : i32
      %convert_element_type3A_303 = arith.extui %lt3A_302 : i1 to i32
      %cond3A_304 = arith.constant 0 : i32
      %cond3A_305 = arith.cmpi ne, %convert_element_type3A_303, %cond3A_304 : i32
      scf.if %cond3A_305 {
        %add3A_329 = arith.constant 5 : i32
        %add3A_330 = arith.addi %add3A_298, %add3A_329 : i32
        %dma_wait3A_331 = arith.constant 0 : i32
        %dma_wait3A_332 = tpu.memref_slice %arg3[%add3A, %add3A_330, %dma_wait3A_331] : memref<32x145x72xi32, #tpu.memory_space<hbm>> -> memref<1x1x72xi32, #tpu.memory_space<hbm>>
        %dma_wait3A_333 = tpu.memref_squeeze %dma_wait3A_332 : memref<1x1x72xi32, #tpu.memory_space<hbm>> -> memref<72xi32, #tpu.memory_space<hbm>>
        %dma_wait3A_334 = arith.constant 0 : i32
        %dma_wait3A_335 = tpu.memref_slice %arg3[%add3A, %add3A_330, %dma_wait3A_334] : memref<32x145x72xi32, #tpu.memory_space<hbm>> -> memref<1x1x72xi32, #tpu.memory_space<hbm>>
        %dma_wait3A_336 = tpu.memref_squeeze %dma_wait3A_335 : memref<1x1x72xi32, #tpu.memory_space<hbm>> -> memref<72xi32, #tpu.memory_space<hbm>>
        tpu.wait_dma2 semaphore(%arg26 : memref<!tpu.dma_semaphore, #tpu.memory_space<semaphore_mem>>) src(%dma_wait3A_336 : memref<72xi32, #tpu.memory_space<hbm>>) dst(%arg10 : memref<72xi32, #tpu.memory_space<vmem>>)
        %dma_wait3A_337 = arith.constant 0 : i32
        %dma_wait3A_338 = arith.constant 0 : i32
        %dma_wait3A_339 = tpu.memref_slice %arg22[%dma_wait3A_337, %dma_wait3A_338] : memref<10112x128xf32, #tpu.memory_space<vmem_shared>> -> memref<10112x128xf32, #tpu.memory_space<vmem_shared>>
        tpu.wait_indirect_dma semaphore(%arg41 : memref<!tpu.dma_semaphore, #tpu.memory_space<semaphore_mem>>) src(%arg20 : memref<72x128xf32, #tpu.memory_space<vmem>>) dst(%dma_wait3A_339 : memref<10112x128xf32, #tpu.memory_space<vmem_shared>>)
        %dma_start3A_340 = arith.constant 0 : i32
        %dma_start3A_341 = arith.constant 0 : i32
        %dma_start3A_342 = tpu.memref_slice %arg2[%dma_start3A_340, %dma_start3A_341] : memref<10000x128xf32, #tpu.memory_space<hbm>> -> memref<10000x128xf32, #tpu.memory_space<hbm>>
        tpu.enqueue_indirect_dma source(%dma_start3A_342 : memref<10000x128xf32, #tpu.memory_space<hbm>>) target(%arg20 : memref<72x128xf32, #tpu.memory_space<vmem>>) offsets(%arg10 : memref<72xi32, #tpu.memory_space<vmem>>) semaphore(%arg36 : memref<!tpu.dma_semaphore, #tpu.memory_space<semaphore_mem>>)
        %add3A_343 = arith.constant 5 : i32
        %add3A_344 = arith.addi %add3A_298, %add3A_343 : i32
        %dma_start3A_345 = arith.constant 0 : i32
        %dma_start3A_346 = tpu.memref_slice %arg4[%add3A, %add3A_344, %dma_start3A_345] : memref<32x145x72xi32, #tpu.memory_space<hbm>> -> memref<1x1x72xi32, #tpu.memory_space<hbm>>
        %dma_start3A_347 = tpu.memref_squeeze %dma_start3A_346 : memref<1x1x72xi32, #tpu.memory_space<hbm>> -> memref<72xi32, #tpu.memory_space<hbm>>
        %dma_start3A_348 = arith.constant 0 : i32
        %dma_start3A_349 = tpu.memref_slice %arg4[%add3A, %add3A_344, %dma_start3A_348] : memref<32x145x72xi32, #tpu.memory_space<hbm>> -> memref<1x1x72xi32, #tpu.memory_space<hbm>>
        %dma_start3A_350 = tpu.memref_squeeze %dma_start3A_349 : memref<1x1x72xi32, #tpu.memory_space<hbm>> -> memref<72xi32, #tpu.memory_space<hbm>>
        tpu.enqueue_dma source(%dma_start3A_350 : memref<72xi32, #tpu.memory_space<hbm>>) target(%arg15 : memref<72xi32, #tpu.memory_space<vmem>>) target_semaphore(%arg31 : memref<!tpu.dma_semaphore, #tpu.memory_space<semaphore_mem>>)
      } else {
      }
      %add3A_306 = arith.constant 5 : i32
      %add3A_307 = arith.addi %add3A_298, %add3A_306 : i32
      %ge3A_308 = arith.constant 145 : i32
      %ge3A_309 = arith.cmpi sge, %add3A_307, %ge3A_308 : i32
      %convert_element_type3A_310 = arith.extui %ge3A_309 : i1 to i32
      %cond3A_311 = arith.constant 0 : i32
      %cond3A_312 = arith.cmpi ne, %convert_element_type3A_310, %cond3A_311 : i32
      scf.if %cond3A_312 {
        %dma_wait3A_329 = arith.constant 0 : i32
        %dma_wait3A_330 = arith.constant 0 : i32
        %dma_wait3A_331 = tpu.memref_slice %arg22[%dma_wait3A_329, %dma_wait3A_330] : memref<10112x128xf32, #tpu.memory_space<vmem_shared>> -> memref<10112x128xf32, #tpu.memory_space<vmem_shared>>
        tpu.wait_indirect_dma semaphore(%arg41 : memref<!tpu.dma_semaphore, #tpu.memory_space<semaphore_mem>>) src(%arg20 : memref<72x128xf32, #tpu.memory_space<vmem>>) dst(%dma_wait3A_331 : memref<10112x128xf32, #tpu.memory_space<vmem_shared>>)
      } else {
      }
      %add3A_313 = arith.constant 4 : i32
      %add3A_314 = arith.addi %mul3A_147, %add3A_313 : i32
      %add3A_315 = arith.constant 5 : i32
      %add3A_316 = arith.addi %add3A_314, %add3A_315 : i32
      %lt3A_317 = arith.constant 145 : i32
      %lt3A_318 = arith.cmpi slt, %add3A_316, %lt3A_317 : i32
      %convert_element_type3A_319 = arith.extui %lt3A_318 : i1 to i32
      %cond3A_320 = arith.constant 0 : i32
      %cond3A_321 = arith.cmpi ne, %convert_element_type3A_319, %cond3A_320 : i32
      scf.if %cond3A_321 {
        %add3A_329 = arith.constant 5 : i32
        %add3A_330 = arith.addi %add3A_314, %add3A_329 : i32
        %dma_wait3A_331 = arith.constant 0 : i32
        %dma_wait3A_332 = tpu.memref_slice %arg3[%add3A, %add3A_330, %dma_wait3A_331] : memref<32x145x72xi32, #tpu.memory_space<hbm>> -> memref<1x1x72xi32, #tpu.memory_space<hbm>>
        %dma_wait3A_333 = tpu.memref_squeeze %dma_wait3A_332 : memref<1x1x72xi32, #tpu.memory_space<hbm>> -> memref<72xi32, #tpu.memory_space<hbm>>
        %dma_wait3A_334 = arith.constant 0 : i32
        %dma_wait3A_335 = tpu.memref_slice %arg3[%add3A, %add3A_330, %dma_wait3A_334] : memref<32x145x72xi32, #tpu.memory_space<hbm>> -> memref<1x1x72xi32, #tpu.memory_space<hbm>>
        %dma_wait3A_336 = tpu.memref_squeeze %dma_wait3A_335 : memref<1x1x72xi32, #tpu.memory_space<hbm>> -> memref<72xi32, #tpu.memory_space<hbm>>
        tpu.wait_dma2 semaphore(%arg27 : memref<!tpu.dma_semaphore, #tpu.memory_space<semaphore_mem>>) src(%dma_wait3A_336 : memref<72xi32, #tpu.memory_space<hbm>>) dst(%arg11 : memref<72xi32, #tpu.memory_space<vmem>>)
        %dma_wait3A_337 = arith.constant 0 : i32
        %dma_wait3A_338 = arith.constant 0 : i32
        %dma_wait3A_339 = tpu.memref_slice %arg22[%dma_wait3A_337, %dma_wait3A_338] : memref<10112x128xf32, #tpu.memory_space<vmem_shared>> -> memref<10112x128xf32, #tpu.memory_space<vmem_shared>>
        tpu.wait_indirect_dma semaphore(%arg42 : memref<!tpu.dma_semaphore, #tpu.memory_space<semaphore_mem>>) src(%arg21 : memref<72x128xf32, #tpu.memory_space<vmem>>) dst(%dma_wait3A_339 : memref<10112x128xf32, #tpu.memory_space<vmem_shared>>)
        %dma_start3A_340 = arith.constant 0 : i32
        %dma_start3A_341 = arith.constant 0 : i32
        %dma_start3A_342 = tpu.memref_slice %arg2[%dma_start3A_340, %dma_start3A_341] : memref<10000x128xf32, #tpu.memory_space<hbm>> -> memref<10000x128xf32, #tpu.memory_space<hbm>>
        tpu.enqueue_indirect_dma source(%dma_start3A_342 : memref<10000x128xf32, #tpu.memory_space<hbm>>) target(%arg21 : memref<72x128xf32, #tpu.memory_space<vmem>>) offsets(%arg11 : memref<72xi32, #tpu.memory_space<vmem>>) semaphore(%arg37 : memref<!tpu.dma_semaphore, #tpu.memory_space<semaphore_mem>>)
        %add3A_343 = arith.constant 5 : i32
        %add3A_344 = arith.addi %add3A_314, %add3A_343 : i32
        %dma_start3A_345 = arith.constant 0 : i32
        %dma_start3A_346 = tpu.memref_slice %arg4[%add3A, %add3A_344, %dma_start3A_345] : memref<32x145x72xi32, #tpu.memory_space<hbm>> -> memref<1x1x72xi32, #tpu.memory_space<hbm>>
        %dma_start3A_347 = tpu.memref_squeeze %dma_start3A_346 : memref<1x1x72xi32, #tpu.memory_space<hbm>> -> memref<72xi32, #tpu.memory_space<hbm>>
        %dma_start3A_348 = arith.constant 0 : i32
        %dma_start3A_349 = tpu.memref_slice %arg4[%add3A, %add3A_344, %dma_start3A_348] : memref<32x145x72xi32, #tpu.memory_space<hbm>> -> memref<1x1x72xi32, #tpu.memory_space<hbm>>
        %dma_start3A_350 = tpu.memref_squeeze %dma_start3A_349 : memref<1x1x72xi32, #tpu.memory_space<hbm>> -> memref<72xi32, #tpu.memory_space<hbm>>
        tpu.enqueue_dma source(%dma_start3A_350 : memref<72xi32, #tpu.memory_space<hbm>>) target(%arg16 : memref<72xi32, #tpu.memory_space<vmem>>) target_semaphore(%arg32 : memref<!tpu.dma_semaphore, #tpu.memory_space<semaphore_mem>>)
      } else {
      }
      %add3A_322 = arith.constant 5 : i32
      %add3A_323 = arith.addi %add3A_314, %add3A_322 : i32
      %ge3A_324 = arith.constant 145 : i32
      %ge3A_325 = arith.cmpi sge, %add3A_323, %ge3A_324 : i32
      %convert_element_type3A_326 = arith.extui %ge3A_325 : i1 to i32
      %cond3A_327 = arith.constant 0 : i32
      %cond3A_328 = arith.cmpi ne, %convert_element_type3A_326, %cond3A_327 : i32
      scf.if %cond3A_328 {
        %dma_wait3A_329 = arith.constant 0 : i32
        %dma_wait3A_330 = arith.constant 0 : i32
        %dma_wait3A_331 = tpu.memref_slice %arg22[%dma_wait3A_329, %dma_wait3A_330] : memref<10112x128xf32, #tpu.memory_space<vmem_shared>> -> memref<10112x128xf32, #tpu.memory_space<vmem_shared>>
        tpu.wait_indirect_dma semaphore(%arg42 : memref<!tpu.dma_semaphore, #tpu.memory_space<semaphore_mem>>) src(%arg21 : memref<72x128xf32, #tpu.memory_space<vmem>>) dst(%dma_wait3A_331 : memref<10112x128xf32, #tpu.memory_space<vmem_shared>>)
      } else {
      }
    }
    %scan3A_143 = arith.constant 29 : i32
    %barrier3A_144 = arith.constant 0 : index
    tpu.barrier barrier_id(%barrier3A_144)
    "tpu.region"() ({
      %run_scoped3A = tpu.sem_alloc : memref<!tpu.dma_semaphore, #tpu.memory_space<semaphore_mem>>
      %dma_start3A_145 = arith.constant 0 : i32
      %dma_start3A_146 = tpu.memref_slice %arg6[%arg0, %mul3A_2, %dma_start3A_145] : memref<2x10112x128xf32, #tpu.memory_space<hbm>> -> memref<1x632x128xf32, #tpu.memory_space<hbm>>
      %dma_start3A_147 = tpu.memref_squeeze %dma_start3A_146 : memref<1x632x128xf32, #tpu.memory_space<hbm>> -> memref<632x128xf32, #tpu.memory_space<hbm>>
      %dma_start3A_148 = arith.constant 0 : i32
      %dma_start3A_149 = tpu.memref_slice %arg22[%mul3A_2, %dma_start3A_148] : memref<10112x128xf32, #tpu.memory_space<vmem_shared>> -> memref<632x128xf32, #tpu.memory_space<vmem_shared>>
      tpu.enqueue_dma source(%dma_start3A_149 : memref<632x128xf32, #tpu.memory_space<vmem_shared>>) target(%dma_start3A_147 : memref<632x128xf32, #tpu.memory_space<hbm>>) target_semaphore(%run_scoped3A : memref<!tpu.dma_semaphore, #tpu.memory_space<semaphore_mem>>)
      %dma_wait3A_150 = arith.constant 0 : i32
      %dma_wait3A_151 = tpu.memref_slice %arg6[%arg0, %mul3A_2, %dma_wait3A_150] : memref<2x10112x128xf32, #tpu.memory_space<hbm>> -> memref<1x632x128xf32, #tpu.memory_space<hbm>>
      %dma_wait3A_152 = tpu.memref_squeeze %dma_wait3A_151 : memref<1x632x128xf32, #tpu.memory_space<hbm>> -> memref<632x128xf32, #tpu.memory_space<hbm>>
      %dma_wait3A_153 = arith.constant 0 : i32
      %dma_wait3A_154 = tpu.memref_slice %arg22[%mul3A_2, %dma_wait3A_153] : memref<10112x128xf32, #tpu.memory_space<vmem_shared>> -> memref<632x128xf32, #tpu.memory_space<vmem_shared>>
      tpu.wait_dma2 semaphore(%run_scoped3A : memref<!tpu.dma_semaphore, #tpu.memory_space<semaphore_mem>>) src(%dma_wait3A_154 : memref<632x128xf32, #tpu.memory_space<vmem_shared>>) dst(%dma_wait3A_152 : memref<632x128xf32, #tpu.memory_space<hbm>>)
      tpu.yield
    }) : () -> ()
    return
  }
}

#map = affine_map<(d0, d1) -> (0, 0)>
#map1 = affine_map<(d0, d1) -> (0, 0, 0)>
module attributes {stable_mosaic.version = 14 : i64} {
  func.func @_seg_body(%arg0: i32, %arg1: i32, %arg2: memref<10000x128xf32, #tpu.memory_space<hbm>>, %arg3: memref<32x145x72xi32, #tpu.memory_space<hbm>>, %arg4: memref<32x145x72xi32, #tpu.memory_space<hbm>>, %arg5: memref<72x128xf32, #tpu.memory_space<hbm>>, %arg6: memref<2x10112x128xf32, #tpu.memory_space<hbm>>, %arg7: memref<72xi32, #tpu.memory_space<vmem>>, %arg8: memref<72xi32, #tpu.memory_space<vmem>>, %arg9: memref<72xi32, #tpu.memory_space<vmem>>, %arg10: memref<72xi32, #tpu.memory_space<vmem>>, %arg11: memref<72xi32, #tpu.memory_space<vmem>>, %arg12: memref<72xi32, #tpu.memory_space<vmem>>, %arg13: memref<72xi32, #tpu.memory_space<vmem>>, %arg14: memref<72xi32, #tpu.memory_space<vmem>>, %arg15: memref<72xi32, #tpu.memory_space<vmem>>, %arg16: memref<72xi32, #tpu.memory_space<vmem>>, %arg17: memref<72x128xf32, #tpu.memory_space<vmem>>, %arg18: memref<72x128xf32, #tpu.memory_space<vmem>>, %arg19: memref<72x128xf32, #tpu.memory_space<vmem>>, %arg20: memref<72x128xf32, #tpu.memory_space<vmem>>, %arg21: memref<72x128xf32, #tpu.memory_space<vmem>>, %arg22: memref<10112x128xf32, #tpu.memory_space<vmem_shared>>, %arg23: memref<!tpu.dma_semaphore, #tpu.memory_space<semaphore_mem>>, %arg24: memref<!tpu.dma_semaphore, #tpu.memory_space<semaphore_mem>>, %arg25: memref<!tpu.dma_semaphore, #tpu.memory_space<semaphore_mem>>, %arg26: memref<!tpu.dma_semaphore, #tpu.memory_space<semaphore_mem>>, %arg27: memref<!tpu.dma_semaphore, #tpu.memory_space<semaphore_mem>>, %arg28: memref<!tpu.dma_semaphore, #tpu.memory_space<semaphore_mem>>, %arg29: memref<!tpu.dma_semaphore, #tpu.memory_space<semaphore_mem>>, %arg30: memref<!tpu.dma_semaphore, #tpu.memory_space<semaphore_mem>>, %arg31: memref<!tpu.dma_semaphore, #tpu.memory_space<semaphore_mem>>, %arg32: memref<!tpu.dma_semaphore, #tpu.memory_space<semaphore_mem>>, %arg33: memref<!tpu.dma_semaphore, #tpu.memory_space<semaphore_mem>>, %arg34: memref<!tpu.dma_semaphore, #tpu.memory_space<semaphore_mem>>, %arg35: memref<!tpu.dma_semaphore, #tpu.memory_space<semaphore_mem>>, %arg36: memref<!tpu.dma_semaphore, #tpu.memory_space<semaphore_mem>>, %arg37: memref<!tpu.dma_semaphore, #tpu.memory_space<semaphore_mem>>, %arg38: memref<!tpu.dma_semaphore, #tpu.memory_space<semaphore_mem>>, %arg39: memref<!tpu.dma_semaphore, #tpu.memory_space<semaphore_mem>>, %arg40: memref<!tpu.dma_semaphore, #tpu.memory_space<semaphore_mem>>, %arg41: memref<!tpu.dma_semaphore, #tpu.memory_space<semaphore_mem>>, %arg42: memref<!tpu.dma_semaphore, #tpu.memory_space<semaphore_mem>>) attributes {dimension_semantics = [#tpu.dimension_semantics<core_parallel>, #tpu.dimension_semantics<subcore_parallel>], iteration_bounds = array<i64: 2, 16>, scalar_prefetch = 0 : i64, scratch_operands = 36 : i64, tpu.core_type = #tpu.core_type<sc_vector_subcore>, window_params = [{transform_indices = #map}, {transform_indices = #map1}, {transform_indices = #map1}, {transform_indices = #map}, {transform_indices = #map1}]} {
    %mul3A = arith.constant 16 : i32
    %mul3A_0 = arith.muli %arg0, %mul3A : i32
    %add3A = arith.addi %mul3A_0, %arg1 : i32
    "tpu.region"() ({
      %run_scoped3A = tpu.sem_alloc : memref<!tpu.dma_semaphore, #tpu.memory_space<semaphore_mem>>
      tpu.enqueue_dma source(%arg5 : memref<72x128xf32, #tpu.memory_space<hbm>>) target(%arg17 : memref<72x128xf32, #tpu.memory_space<vmem>>) target_semaphore(%run_scoped3A : memref<!tpu.dma_semaphore, #tpu.memory_space<semaphore_mem>>)
      tpu.wait_dma2 semaphore(%run_scoped3A : memref<!tpu.dma_semaphore, #tpu.memory_space<semaphore_mem>>) src(%arg5 : memref<72x128xf32, #tpu.memory_space<hbm>>) dst(%arg17 : memref<72x128xf32, #tpu.memory_space<vmem>>)
      tpu.yield
    }) : () -> ()
    %mul3A_1 = arith.constant 632 : i32
    %mul3A_2 = arith.muli %arg1, %mul3A_1 : i32
    %add3A_3 = arith.constant 0 : i32
    %add3A_4 = arith.addi %mul3A_2, %add3A_3 : i32
    "tpu.region"() ({
      %run_scoped3A = tpu.sem_alloc : memref<!tpu.dma_semaphore, #tpu.memory_space<semaphore_mem>>
      %dma_start3A_145 = arith.constant 0 : i32
      %dma_start3A_146 = tpu.memref_slice %arg22[%add3A_4, %dma_start3A_145] : memref<10112x128xf32, #tpu.memory_space<vmem_shared>> -> memref<72x128xf32, #tpu.memory_space<vmem_shared>>
      %dma_start3A_147 = arith.constant 0 : i32
      %dma_start3A_148 = tpu.memref_slice %arg22[%add3A_4, %dma_start3A_147] : memref<10112x128xf32, #tpu.memory_space<vmem_shared>> -> memref<72x128xf32, #tpu.memory_space<vmem_shared>>
      tpu.enqueue_dma source(%arg17 : memref<72x128xf32, #tpu.memory_space<vmem>>) target(%dma_start3A_148 : memref<72x128xf32, #tpu.memory_space<vmem_shared>>) target_semaphore(%run_scoped3A : memref<!tpu.dma_semaphore, #tpu.memory_space<semaphore_mem>>)
      %dma_wait3A_149 = arith.constant 0 : i32
      %dma_wait3A_150 = tpu.memref_slice %arg22[%add3A_4, %dma_wait3A_149] : memref<10112x128xf32, #tpu.memory_space<vmem_shared>> -> memref<72x128xf32, #tpu.memory_space<vmem_shared>>
      %dma_wait3A_151 = arith.constant 0 : i32
      %dma_wait3A_152 = tpu.memref_slice %arg22[%add3A_4, %dma_wait3A_151] : memref<10112x128xf32, #tpu.memory_space<vmem_shared>> -> memref<72x128xf32, #tpu.memory_space<vmem_shared>>
      tpu.wait_dma2 semaphore(%run_scoped3A : memref<!tpu.dma_semaphore, #tpu.memory_space<semaphore_mem>>) src(%arg17 : memref<72x128xf32, #tpu.memory_space<vmem>>) dst(%dma_wait3A_152 : memref<72x128xf32, #tpu.memory_space<vmem_shared>>)
      tpu.yield
    }) : () -> ()
    %add3A_5 = arith.constant 72 : i32
    %add3A_6 = arith.addi %mul3A_2, %add3A_5 : i32
    "tpu.region"() ({
      %run_scoped3A = tpu.sem_alloc : memref<!tpu.dma_semaphore, #tpu.memory_space<semaphore_mem>>
      %dma_start3A_145 = arith.constant 0 : i32
      %dma_start3A_146 = tpu.memref_slice %arg22[%add3A_6, %dma_start3A_145] : memref<10112x128xf32, #tpu.memory_space<vmem_shared>> -> memref<72x128xf32, #tpu.memory_space<vmem_shared>>
      %dma_start3A_147 = arith.constant 0 : i32
      %dma_start3A_148 = tpu.memref_slice %arg22[%add3A_6, %dma_start3A_147] : memref<10112x128xf32, #tpu.memory_space<vmem_shared>> -> memref<72x128xf32, #tpu.memory_space<vmem_shared>>
      tpu.enqueue_dma source(%arg17 : memref<72x128xf32, #tpu.memory_space<vmem>>) target(%dma_start3A_148 : memref<72x128xf32, #tpu.memory_space<vmem_shared>>) target_semaphore(%run_scoped3A : memref<!tpu.dma_semaphore, #tpu.memory_space<semaphore_mem>>)
      %dma_wait3A_149 = arith.constant 0 : i32
      %dma_wait3A_150 = tpu.memref_slice %arg22[%add3A_6, %dma_wait3A_149] : memref<10112x128xf32, #tpu.memory_space<vmem_shared>> -> memref<72x128xf32, #tpu.memory_space<vmem_shared>>
      %dma_wait3A_151 = arith.constant 0 : i32
      %dma_wait3A_152 = tpu.memref_slice %arg22[%add3A_6, %dma_wait3A_151] : memref<10112x128xf32, #tpu.memory_space<vmem_shared>> -> memref<72x128xf32, #tpu.memory_space<vmem_shared>>
      tpu.wait_dma2 semaphore(%run_scoped3A : memref<!tpu.dma_semaphore, #tpu.memory_space<semaphore_mem>>) src(%arg17 : memref<72x128xf32, #tpu.memory_space<vmem>>) dst(%dma_wait3A_152 : memref<72x128xf32, #tpu.memory_space<vmem_shared>>)
      tpu.yield
    }) : () -> ()
    %add3A_7 = arith.constant 144 : i32
    %add3A_8 = arith.addi %mul3A_2, %add3A_7 : i32
    "tpu.region"() ({
      %run_scoped3A = tpu.sem_alloc : memref<!tpu.dma_semaphore, #tpu.memory_space<semaphore_mem>>
      %dma_start3A_145 = arith.constant 0 : i32
      %dma_start3A_146 = tpu.memref_slice %arg22[%add3A_8, %dma_start3A_145] : memref<10112x128xf32, #tpu.memory_space<vmem_shared>> -> memref<72x128xf32, #tpu.memory_space<vmem_shared>>
      %dma_start3A_147 = arith.constant 0 : i32
      %dma_start3A_148 = tpu.memref_slice %arg22[%add3A_8, %dma_start3A_147] : memref<10112x128xf32, #tpu.memory_space<vmem_shared>> -> memref<72x128xf32, #tpu.memory_space<vmem_shared>>
      tpu.enqueue_dma source(%arg17 : memref<72x128xf32, #tpu.memory_space<vmem>>) target(%dma_start3A_148 : memref<72x128xf32, #tpu.memory_space<vmem_shared>>) target_semaphore(%run_scoped3A : memref<!tpu.dma_semaphore, #tpu.memory_space<semaphore_mem>>)
      %dma_wait3A_149 = arith.constant 0 : i32
      %dma_wait3A_150 = tpu.memref_slice %arg22[%add3A_8, %dma_wait3A_149] : memref<10112x128xf32, #tpu.memory_space<vmem_shared>> -> memref<72x128xf32, #tpu.memory_space<vmem_shared>>
      %dma_wait3A_151 = arith.constant 0 : i32
      %dma_wait3A_152 = tpu.memref_slice %arg22[%add3A_8, %dma_wait3A_151] : memref<10112x128xf32, #tpu.memory_space<vmem_shared>> -> memref<72x128xf32, #tpu.memory_space<vmem_shared>>
      tpu.wait_dma2 semaphore(%run_scoped3A : memref<!tpu.dma_semaphore, #tpu.memory_space<semaphore_mem>>) src(%arg17 : memref<72x128xf32, #tpu.memory_space<vmem>>) dst(%dma_wait3A_152 : memref<72x128xf32, #tpu.memory_space<vmem_shared>>)
      tpu.yield
    }) : () -> ()
    %add3A_9 = arith.constant 216 : i32
    %add3A_10 = arith.addi %mul3A_2, %add3A_9 : i32
    "tpu.region"() ({
      %run_scoped3A = tpu.sem_alloc : memref<!tpu.dma_semaphore, #tpu.memory_space<semaphore_mem>>
      %dma_start3A_145 = arith.constant 0 : i32
      %dma_start3A_146 = tpu.memref_slice %arg22[%add3A_10, %dma_start3A_145] : memref<10112x128xf32, #tpu.memory_space<vmem_shared>> -> memref<72x128xf32, #tpu.memory_space<vmem_shared>>
      %dma_start3A_147 = arith.constant 0 : i32
      %dma_start3A_148 = tpu.memref_slice %arg22[%add3A_10, %dma_start3A_147] : memref<10112x128xf32, #tpu.memory_space<vmem_shared>> -> memref<72x128xf32, #tpu.memory_space<vmem_shared>>
      tpu.enqueue_dma source(%arg17 : memref<72x128xf32, #tpu.memory_space<vmem>>) target(%dma_start3A_148 : memref<72x128xf32, #tpu.memory_space<vmem_shared>>) target_semaphore(%run_scoped3A : memref<!tpu.dma_semaphore, #tpu.memory_space<semaphore_mem>>)
      %dma_wait3A_149 = arith.constant 0 : i32
      %dma_wait3A_150 = tpu.memref_slice %arg22[%add3A_10, %dma_wait3A_149] : memref<10112x128xf32, #tpu.memory_space<vmem_shared>> -> memref<72x128xf32, #tpu.memory_space<vmem_shared>>
      %dma_wait3A_151 = arith.constant 0 : i32
      %dma_wait3A_152 = tpu.memref_slice %arg22[%add3A_10, %dma_wait3A_151] : memref<10112x128xf32, #tpu.memory_space<vmem_shared>> -> memref<72x128xf32, #tpu.memory_space<vmem_shared>>
      tpu.wait_dma2 semaphore(%run_scoped3A : memref<!tpu.dma_semaphore, #tpu.memory_space<semaphore_mem>>) src(%arg17 : memref<72x128xf32, #tpu.memory_space<vmem>>) dst(%dma_wait3A_152 : memref<72x128xf32, #tpu.memory_space<vmem_shared>>)
      tpu.yield
    }) : () -> ()
    %add3A_11 = arith.constant 288 : i32
    %add3A_12 = arith.addi %mul3A_2, %add3A_11 : i32
    "tpu.region"() ({
      %run_scoped3A = tpu.sem_alloc : memref<!tpu.dma_semaphore, #tpu.memory_space<semaphore_mem>>
      %dma_start3A_145 = arith.constant 0 : i32
      %dma_start3A_146 = tpu.memref_slice %arg22[%add3A_12, %dma_start3A_145] : memref<10112x128xf32, #tpu.memory_space<vmem_shared>> -> memref<72x128xf32, #tpu.memory_space<vmem_shared>>
      %dma_start3A_147 = arith.constant 0 : i32
      %dma_start3A_148 = tpu.memref_slice %arg22[%add3A_12, %dma_start3A_147] : memref<10112x128xf32, #tpu.memory_space<vmem_shared>> -> memref<72x128xf32, #tpu.memory_space<vmem_shared>>
      tpu.enqueue_dma source(%arg17 : memref<72x128xf32, #tpu.memory_space<vmem>>) target(%dma_start3A_148 : memref<72x128xf32, #tpu.memory_space<vmem_shared>>) target_semaphore(%run_scoped3A : memref<!tpu.dma_semaphore, #tpu.memory_space<semaphore_mem>>)
      %dma_wait3A_149 = arith.constant 0 : i32
      %dma_wait3A_150 = tpu.memref_slice %arg22[%add3A_12, %dma_wait3A_149] : memref<10112x128xf32, #tpu.memory_space<vmem_shared>> -> memref<72x128xf32, #tpu.memory_space<vmem_shared>>
      %dma_wait3A_151 = arith.constant 0 : i32
      %dma_wait3A_152 = tpu.memref_slice %arg22[%add3A_12, %dma_wait3A_151] : memref<10112x128xf32, #tpu.memory_space<vmem_shared>> -> memref<72x128xf32, #tpu.memory_space<vmem_shared>>
      tpu.wait_dma2 semaphore(%run_scoped3A : memref<!tpu.dma_semaphore, #tpu.memory_space<semaphore_mem>>) src(%arg17 : memref<72x128xf32, #tpu.memory_space<vmem>>) dst(%dma_wait3A_152 : memref<72x128xf32, #tpu.memory_space<vmem_shared>>)
      tpu.yield
    }) : () -> ()
    %add3A_13 = arith.constant 360 : i32
    %add3A_14 = arith.addi %mul3A_2, %add3A_13 : i32
    "tpu.region"() ({
      %run_scoped3A = tpu.sem_alloc : memref<!tpu.dma_semaphore, #tpu.memory_space<semaphore_mem>>
      %dma_start3A_145 = arith.constant 0 : i32
      %dma_start3A_146 = tpu.memref_slice %arg22[%add3A_14, %dma_start3A_145] : memref<10112x128xf32, #tpu.memory_space<vmem_shared>> -> memref<72x128xf32, #tpu.memory_space<vmem_shared>>
      %dma_start3A_147 = arith.constant 0 : i32
      %dma_start3A_148 = tpu.memref_slice %arg22[%add3A_14, %dma_start3A_147] : memref<10112x128xf32, #tpu.memory_space<vmem_shared>> -> memref<72x128xf32, #tpu.memory_space<vmem_shared>>
      tpu.enqueue_dma source(%arg17 : memref<72x128xf32, #tpu.memory_space<vmem>>) target(%dma_start3A_148 : memref<72x128xf32, #tpu.memory_space<vmem_shared>>) target_semaphore(%run_scoped3A : memref<!tpu.dma_semaphore, #tpu.memory_space<semaphore_mem>>)
      %dma_wait3A_149 = arith.constant 0 : i32
      %dma_wait3A_150 = tpu.memref_slice %arg22[%add3A_14, %dma_wait3A_149] : memref<10112x128xf32, #tpu.memory_space<vmem_shared>> -> memref<72x128xf32, #tpu.memory_space<vmem_shared>>
      %dma_wait3A_151 = arith.constant 0 : i32
      %dma_wait3A_152 = tpu.memref_slice %arg22[%add3A_14, %dma_wait3A_151] : memref<10112x128xf32, #tpu.memory_space<vmem_shared>> -> memref<72x128xf32, #tpu.memory_space<vmem_shared>>
      tpu.wait_dma2 semaphore(%run_scoped3A : memref<!tpu.dma_semaphore, #tpu.memory_space<semaphore_mem>>) src(%arg17 : memref<72x128xf32, #tpu.memory_space<vmem>>) dst(%dma_wait3A_152 : memref<72x128xf32, #tpu.memory_space<vmem_shared>>)
      tpu.yield
    }) : () -> ()
    %add3A_15 = arith.constant 432 : i32
    %add3A_16 = arith.addi %mul3A_2, %add3A_15 : i32
    "tpu.region"() ({
      %run_scoped3A = tpu.sem_alloc : memref<!tpu.dma_semaphore, #tpu.memory_space<semaphore_mem>>
      %dma_start3A_145 = arith.constant 0 : i32
      %dma_start3A_146 = tpu.memref_slice %arg22[%add3A_16, %dma_start3A_145] : memref<10112x128xf32, #tpu.memory_space<vmem_shared>> -> memref<72x128xf32, #tpu.memory_space<vmem_shared>>
      %dma_start3A_147 = arith.constant 0 : i32
      %dma_start3A_148 = tpu.memref_slice %arg22[%add3A_16, %dma_start3A_147] : memref<10112x128xf32, #tpu.memory_space<vmem_shared>> -> memref<72x128xf32, #tpu.memory_space<vmem_shared>>
      tpu.enqueue_dma source(%arg17 : memref<72x128xf32, #tpu.memory_space<vmem>>) target(%dma_start3A_148 : memref<72x128xf32, #tpu.memory_space<vmem_shared>>) target_semaphore(%run_scoped3A : memref<!tpu.dma_semaphore, #tpu.memory_space<semaphore_mem>>)
      %dma_wait3A_149 = arith.constant 0 : i32
      %dma_wait3A_150 = tpu.memref_slice %arg22[%add3A_16, %dma_wait3A_149] : memref<10112x128xf32, #tpu.memory_space<vmem_shared>> -> memref<72x128xf32, #tpu.memory_space<vmem_shared>>
      %dma_wait3A_151 = arith.constant 0 : i32
      %dma_wait3A_152 = tpu.memref_slice %arg22[%add3A_16, %dma_wait3A_151] : memref<10112x128xf32, #tpu.memory_space<vmem_shared>> -> memref<72x128xf32, #tpu.memory_space<vmem_shared>>
      tpu.wait_dma2 semaphore(%run_scoped3A : memref<!tpu.dma_semaphore, #tpu.memory_space<semaphore_mem>>) src(%arg17 : memref<72x128xf32, #tpu.memory_space<vmem>>) dst(%dma_wait3A_152 : memref<72x128xf32, #tpu.memory_space<vmem_shared>>)
      tpu.yield
    }) : () -> ()
    %add3A_17 = arith.constant 504 : i32
    %add3A_18 = arith.addi %mul3A_2, %add3A_17 : i32
    "tpu.region"() ({
      %run_scoped3A = tpu.sem_alloc : memref<!tpu.dma_semaphore, #tpu.memory_space<semaphore_mem>>
      %dma_start3A_145 = arith.constant 0 : i32
      %dma_start3A_146 = tpu.memref_slice %arg22[%add3A_18, %dma_start3A_145] : memref<10112x128xf32, #tpu.memory_space<vmem_shared>> -> memref<72x128xf32, #tpu.memory_space<vmem_shared>>
      %dma_start3A_147 = arith.constant 0 : i32
      %dma_start3A_148 = tpu.memref_slice %arg22[%add3A_18, %dma_start3A_147] : memref<10112x128xf32, #tpu.memory_space<vmem_shared>> -> memref<72x128xf32, #tpu.memory_space<vmem_shared>>
      tpu.enqueue_dma source(%arg17 : memref<72x128xf32, #tpu.memory_space<vmem>>) target(%dma_start3A_148 : memref<72x128xf32, #tpu.memory_space<vmem_shared>>) target_semaphore(%run_scoped3A : memref<!tpu.dma_semaphore, #tpu.memory_space<semaphore_mem>>)
      %dma_wait3A_149 = arith.constant 0 : i32
      %dma_wait3A_150 = tpu.memref_slice %arg22[%add3A_18, %dma_wait3A_149] : memref<10112x128xf32, #tpu.memory_space<vmem_shared>> -> memref<72x128xf32, #tpu.memory_space<vmem_shared>>
      %dma_wait3A_151 = arith.constant 0 : i32
      %dma_wait3A_152 = tpu.memref_slice %arg22[%add3A_18, %dma_wait3A_151] : memref<10112x128xf32, #tpu.memory_space<vmem_shared>> -> memref<72x128xf32, #tpu.memory_space<vmem_shared>>
      tpu.wait_dma2 semaphore(%run_scoped3A : memref<!tpu.dma_semaphore, #tpu.memory_space<semaphore_mem>>) src(%arg17 : memref<72x128xf32, #tpu.memory_space<vmem>>) dst(%dma_wait3A_152 : memref<72x128xf32, #tpu.memory_space<vmem_shared>>)
      tpu.yield
    }) : () -> ()
    %add3A_19 = arith.constant 576 : i32
    %add3A_20 = arith.addi %mul3A_2, %add3A_19 : i32
    "tpu.region"() ({
      %run_scoped3A = tpu.sem_alloc : memref<!tpu.dma_semaphore, #tpu.memory_space<semaphore_mem>>
      %dma_start3A_145 = arith.constant 0 : i32
      %dma_start3A_146 = arith.constant 0 : i32
      %dma_start3A_147 = tpu.memref_slice %arg17[%dma_start3A_145, %dma_start3A_146] : memref<72x128xf32, #tpu.memory_space<vmem>> -> memref<56x128xf32, #tpu.memory_space<vmem>>
      %dma_start3A_148 = arith.constant 0 : i32
      %dma_start3A_149 = tpu.memref_slice %arg22[%add3A_20, %dma_start3A_148] : memref<10112x128xf32, #tpu.memory_space<vmem_shared>> -> memref<56x128xf32, #tpu.memory_space<vmem_shared>>
      %dma_start3A_150 = arith.constant 0 : i32
      %dma_start3A_151 = tpu.memref_slice %arg22[%add3A_20, %dma_start3A_150] : memref<10112x128xf32, #tpu.memory_space<vmem_shared>> -> memref<56x128xf32, #tpu.memory_space<vmem_shared>>
      %dma_start3A_152 = arith.constant 0 : i32
      %dma_start3A_153 = arith.constant 0 : i32
      %dma_start3A_154 = tpu.memref_slice %arg17[%dma_start3A_152, %dma_start3A_153] : memref<72x128xf32, #tpu.memory_space<vmem>> -> memref<56x128xf32, #tpu.memory_space<vmem>>
      tpu.enqueue_dma source(%dma_start3A_154 : memref<56x128xf32, #tpu.memory_space<vmem>>) target(%dma_start3A_151 : memref<56x128xf32, #tpu.memory_space<vmem_shared>>) target_semaphore(%run_scoped3A : memref<!tpu.dma_semaphore, #tpu.memory_space<semaphore_mem>>)
      %dma_wait3A_155 = arith.constant 0 : i32
      %dma_wait3A_156 = arith.constant 0 : i32
      %dma_wait3A_157 = tpu.memref_slice %arg17[%dma_wait3A_155, %dma_wait3A_156] : memref<72x128xf32, #tpu.memory_space<vmem>> -> memref<56x128xf32, #tpu.memory_space<vmem>>
      %dma_wait3A_158 = arith.constant 0 : i32
      %dma_wait3A_159 = tpu.memref_slice %arg22[%add3A_20, %dma_wait3A_158] : memref<10112x128xf32, #tpu.memory_space<vmem_shared>> -> memref<56x128xf32, #tpu.memory_space<vmem_shared>>
      %dma_wait3A_160 = arith.constant 0 : i32
      %dma_wait3A_161 = tpu.memref_slice %arg22[%add3A_20, %dma_wait3A_160] : memref<10112x128xf32, #tpu.memory_space<vmem_shared>> -> memref<56x128xf32, #tpu.memory_space<vmem_shared>>
      %dma_wait3A_162 = arith.constant 0 : i32
      %dma_wait3A_163 = arith.constant 0 : i32
      %dma_wait3A_164 = tpu.memref_slice %arg17[%dma_wait3A_162, %dma_wait3A_163] : memref<72x128xf32, #tpu.memory_space<vmem>> -> memref<56x128xf32, #tpu.memory_space<vmem>>
      tpu.wait_dma2 semaphore(%run_scoped3A : memref<!tpu.dma_semaphore, #tpu.memory_space<semaphore_mem>>) src(%dma_wait3A_164 : memref<56x128xf32, #tpu.memory_space<vmem>>) dst(%dma_wait3A_161 : memref<56x128xf32, #tpu.memory_space<vmem_shared>>)
      tpu.yield
    }) : () -> ()
    %dma_start3A = arith.constant 0 : i32
    %dma_start3A_21 = arith.constant 0 : i32
    %dma_start3A_22 = tpu.memref_slice %arg3[%add3A, %dma_start3A, %dma_start3A_21] : memref<32x145x72xi32, #tpu.memory_space<hbm>> -> memref<1x1x72xi32, #tpu.memory_space<hbm>>
    %dma_start3A_23 = tpu.memref_squeeze %dma_start3A_22 : memref<1x1x72xi32, #tpu.memory_space<hbm>> -> memref<72xi32, #tpu.memory_space<hbm>>
    %dma_start3A_24 = arith.constant 0 : i32
    %dma_start3A_25 = tpu.memref_slice %arg3[%add3A, %dma_start3A, %dma_start3A_24] : memref<32x145x72xi32, #tpu.memory_space<hbm>> -> memref<1x1x72xi32, #tpu.memory_space<hbm>>
    %dma_start3A_26 = tpu.memref_squeeze %dma_start3A_25 : memref<1x1x72xi32, #tpu.memory_space<hbm>> -> memref<72xi32, #tpu.memory_space<hbm>>
    tpu.enqueue_dma source(%dma_start3A_26 : memref<72xi32, #tpu.memory_space<hbm>>) target(%arg7 : memref<72xi32, #tpu.memory_space<vmem>>) target_semaphore(%arg23 : memref<!tpu.dma_semaphore, #tpu.memory_space<semaphore_mem>>)
    %dma_start3A_27 = arith.constant 1 : i32
    %dma_start3A_28 = arith.constant 0 : i32
    %dma_start3A_29 = tpu.memref_slice %arg3[%add3A, %dma_start3A_27, %dma_start3A_28] : memref<32x145x72xi32, #tpu.memory_space<hbm>> -> memref<1x1x72xi32, #tpu.memory_space<hbm>>
    %dma_start3A_30 = tpu.memref_squeeze %dma_start3A_29 : memref<1x1x72xi32, #tpu.memory_space<hbm>> -> memref<72xi32, #tpu.memory_space<hbm>>
    %dma_start3A_31 = arith.constant 0 : i32
    %dma_start3A_32 = tpu.memref_slice %arg3[%add3A, %dma_start3A_27, %dma_start3A_31] : memref<32x145x72xi32, #tpu.memory_space<hbm>> -> memref<1x1x72xi32, #tpu.memory_space<hbm>>
    %dma_start3A_33 = tpu.memref_squeeze %dma_start3A_32 : memref<1x1x72xi32, #tpu.memory_space<hbm>> -> memref<72xi32, #tpu.memory_space<hbm>>
    tpu.enqueue_dma source(%dma_start3A_33 : memref<72xi32, #tpu.memory_space<hbm>>) target(%arg8 : memref<72xi32, #tpu.memory_space<vmem>>) target_semaphore(%arg24 : memref<!tpu.dma_semaphore, #tpu.memory_space<semaphore_mem>>)
    %dma_start3A_34 = arith.constant 2 : i32
    %dma_start3A_35 = arith.constant 0 : i32
    %dma_start3A_36 = tpu.memref_slice %arg3[%add3A, %dma_start3A_34, %dma_start3A_35] : memref<32x145x72xi32, #tpu.memory_space<hbm>> -> memref<1x1x72xi32, #tpu.memory_space<hbm>>
    %dma_start3A_37 = tpu.memref_squeeze %dma_start3A_36 : memref<1x1x72xi32, #tpu.memory_space<hbm>> -> memref<72xi32, #tpu.memory_space<hbm>>
    %dma_start3A_38 = arith.constant 0 : i32
    %dma_start3A_39 = tpu.memref_slice %arg3[%add3A, %dma_start3A_34, %dma_start3A_38] : memref<32x145x72xi32, #tpu.memory_space<hbm>> -> memref<1x1x72xi32, #tpu.memory_space<hbm>>
    %dma_start3A_40 = tpu.memref_squeeze %dma_start3A_39 : memref<1x1x72xi32, #tpu.memory_space<hbm>> -> memref<72xi32, #tpu.memory_space<hbm>>
    tpu.enqueue_dma source(%dma_start3A_40 : memref<72xi32, #tpu.memory_space<hbm>>) target(%arg9 : memref<72xi32, #tpu.memory_space<vmem>>) target_semaphore(%arg25 : memref<!tpu.dma_semaphore, #tpu.memory_space<semaphore_mem>>)
    %dma_start3A_41 = arith.constant 3 : i32
    %dma_start3A_42 = arith.constant 0 : i32
    %dma_start3A_43 = tpu.memref_slice %arg3[%add3A, %dma_start3A_41, %dma_start3A_42] : memref<32x145x72xi32, #tpu.memory_space<hbm>> -> memref<1x1x72xi32, #tpu.memory_space<hbm>>
    %dma_start3A_44 = tpu.memref_squeeze %dma_start3A_43 : memref<1x1x72xi32, #tpu.memory_space<hbm>> -> memref<72xi32, #tpu.memory_space<hbm>>
    %dma_start3A_45 = arith.constant 0 : i32
    %dma_start3A_46 = tpu.memref_slice %arg3[%add3A, %dma_start3A_41, %dma_start3A_45] : memref<32x145x72xi32, #tpu.memory_space<hbm>> -> memref<1x1x72xi32, #tpu.memory_space<hbm>>
    %dma_start3A_47 = tpu.memref_squeeze %dma_start3A_46 : memref<1x1x72xi32, #tpu.memory_space<hbm>> -> memref<72xi32, #tpu.memory_space<hbm>>
    tpu.enqueue_dma source(%dma_start3A_47 : memref<72xi32, #tpu.memory_space<hbm>>) target(%arg10 : memref<72xi32, #tpu.memory_space<vmem>>) target_semaphore(%arg26 : memref<!tpu.dma_semaphore, #tpu.memory_space<semaphore_mem>>)
    %dma_start3A_48 = arith.constant 4 : i32
    %dma_start3A_49 = arith.constant 0 : i32
    %dma_start3A_50 = tpu.memref_slice %arg3[%add3A, %dma_start3A_48, %dma_start3A_49] : memref<32x145x72xi32, #tpu.memory_space<hbm>> -> memref<1x1x72xi32, #tpu.memory_space<hbm>>
    %dma_start3A_51 = tpu.memref_squeeze %dma_start3A_50 : memref<1x1x72xi32, #tpu.memory_space<hbm>> -> memref<72xi32, #tpu.memory_space<hbm>>
    %dma_start3A_52 = arith.constant 0 : i32
    %dma_start3A_53 = tpu.memref_slice %arg3[%add3A, %dma_start3A_48, %dma_start3A_52] : memref<32x145x72xi32, #tpu.memory_space<hbm>> -> memref<1x1x72xi32, #tpu.memory_space<hbm>>
    %dma_start3A_54 = tpu.memref_squeeze %dma_start3A_53 : memref<1x1x72xi32, #tpu.memory_space<hbm>> -> memref<72xi32, #tpu.memory_space<hbm>>
    tpu.enqueue_dma source(%dma_start3A_54 : memref<72xi32, #tpu.memory_space<hbm>>) target(%arg11 : memref<72xi32, #tpu.memory_space<vmem>>) target_semaphore(%arg27 : memref<!tpu.dma_semaphore, #tpu.memory_space<semaphore_mem>>)
    %dma_wait3A = arith.constant 0 : i32
    %dma_wait3A_55 = arith.constant 0 : i32
    %dma_wait3A_56 = tpu.memref_slice %arg3[%add3A, %dma_wait3A, %dma_wait3A_55] : memref<32x145x72xi32, #tpu.memory_space<hbm>> -> memref<1x1x72xi32, #tpu.memory_space<hbm>>
    %dma_wait3A_57 = tpu.memref_squeeze %dma_wait3A_56 : memref<1x1x72xi32, #tpu.memory_space<hbm>> -> memref<72xi32, #tpu.memory_space<hbm>>
    %dma_wait3A_58 = arith.constant 0 : i32
    %dma_wait3A_59 = tpu.memref_slice %arg3[%add3A, %dma_wait3A, %dma_wait3A_58] : memref<32x145x72xi32, #tpu.memory_space<hbm>> -> memref<1x1x72xi32, #tpu.memory_space<hbm>>
    %dma_wait3A_60 = tpu.memref_squeeze %dma_wait3A_59 : memref<1x1x72xi32, #tpu.memory_space<hbm>> -> memref<72xi32, #tpu.memory_space<hbm>>
    tpu.wait_dma2 semaphore(%arg23 : memref<!tpu.dma_semaphore, #tpu.memory_space<semaphore_mem>>) src(%dma_wait3A_60 : memref<72xi32, #tpu.memory_space<hbm>>) dst(%arg7 : memref<72xi32, #tpu.memory_space<vmem>>)
    %dma_start3A_61 = arith.constant 0 : i32
    %dma_start3A_62 = arith.constant 0 : i32
    %dma_start3A_63 = tpu.memref_slice %arg2[%dma_start3A_61, %dma_start3A_62] : memref<10000x128xf32, #tpu.memory_space<hbm>> -> memref<10000x128xf32, #tpu.memory_space<hbm>>
    tpu.enqueue_indirect_dma source(%dma_start3A_63 : memref<10000x128xf32, #tpu.memory_space<hbm>>) target(%arg17 : memref<72x128xf32, #tpu.memory_space<vmem>>) offsets(%arg7 : memref<72xi32, #tpu.memory_space<vmem>>) semaphore(%arg33 : memref<!tpu.dma_semaphore, #tpu.memory_space<semaphore_mem>>)
    %dma_start3A_64 = arith.constant 0 : i32
    %dma_start3A_65 = arith.constant 0 : i32
    %dma_start3A_66 = tpu.memref_slice %arg4[%add3A, %dma_start3A_64, %dma_start3A_65] : memref<32x145x72xi32, #tpu.memory_space<hbm>> -> memref<1x1x72xi32, #tpu.memory_space<hbm>>
    %dma_start3A_67 = tpu.memref_squeeze %dma_start3A_66 : memref<1x1x72xi32, #tpu.memory_space<hbm>> -> memref<72xi32, #tpu.memory_space<hbm>>
    %dma_start3A_68 = arith.constant 0 : i32
    %dma_start3A_69 = tpu.memref_slice %arg4[%add3A, %dma_start3A_64, %dma_start3A_68] : memref<32x145x72xi32, #tpu.memory_space<hbm>> -> memref<1x1x72xi32, #tpu.memory_space<hbm>>
    %dma_start3A_70 = tpu.memref_squeeze %dma_start3A_69 : memref<1x1x72xi32, #tpu.memory_space<hbm>> -> memref<72xi32, #tpu.memory_space<hbm>>
    tpu.enqueue_dma source(%dma_start3A_70 : memref<72xi32, #tpu.memory_space<hbm>>) target(%arg12 : memref<72xi32, #tpu.memory_space<vmem>>) target_semaphore(%arg28 : memref<!tpu.dma_semaphore, #tpu.memory_space<semaphore_mem>>)
    %dma_wait3A_71 = arith.constant 1 : i32
    %dma_wait3A_72 = arith.constant 0 : i32
    %dma_wait3A_73 = tpu.memref_slice %arg3[%add3A, %dma_wait3A_71, %dma_wait3A_72] : memref<32x145x72xi32, #tpu.memory_space<hbm>> -> memref<1x1x72xi32, #tpu.memory_space<hbm>>
    %dma_wait3A_74 = tpu.memref_squeeze %dma_wait3A_73 : memref<1x1x72xi32, #tpu.memory_space<hbm>> -> memref<72xi32, #tpu.memory_space<hbm>>
    %dma_wait3A_75 = arith.constant 0 : i32
    %dma_wait3A_76 = tpu.memref_slice %arg3[%add3A, %dma_wait3A_71, %dma_wait3A_75] : memref<32x145x72xi32, #tpu.memory_space<hbm>> -> memref<1x1x72xi32, #tpu.memory_space<hbm>>
    %dma_wait3A_77 = tpu.memref_squeeze %dma_wait3A_76 : memref<1x1x72xi32, #tpu.memory_space<hbm>> -> memref<72xi32, #tpu.memory_space<hbm>>
    tpu.wait_dma2 semaphore(%arg24 : memref<!tpu.dma_semaphore, #tpu.memory_space<semaphore_mem>>) src(%dma_wait3A_77 : memref<72xi32, #tpu.memory_space<hbm>>) dst(%arg8 : memref<72xi32, #tpu.memory_space<vmem>>)
    %dma_start3A_78 = arith.constant 0 : i32
    %dma_start3A_79 = arith.constant 0 : i32
    %dma_start3A_80 = tpu.memref_slice %arg2[%dma_start3A_78, %dma_start3A_79] : memref<10000x128xf32, #tpu.memory_space<hbm>> -> memref<10000x128xf32, #tpu.memory_space<hbm>>
    tpu.enqueue_indirect_dma source(%dma_start3A_80 : memref<10000x128xf32, #tpu.memory_space<hbm>>) target(%arg18 : memref<72x128xf32, #tpu.memory_space<vmem>>) offsets(%arg8 : memref<72xi32, #tpu.memory_space<vmem>>) semaphore(%arg34 : memref<!tpu.dma_semaphore, #tpu.memory_space<semaphore_mem>>)
    %dma_start3A_81 = arith.constant 1 : i32
    %dma_start3A_82 = arith.constant 0 : i32
    %dma_start3A_83 = tpu.memref_slice %arg4[%add3A, %dma_start3A_81, %dma_start3A_82] : memref<32x145x72xi32, #tpu.memory_space<hbm>> -> memref<1x1x72xi32, #tpu.memory_space<hbm>>
    %dma_start3A_84 = tpu.memref_squeeze %dma_start3A_83 : memref<1x1x72xi32, #tpu.memory_space<hbm>> -> memref<72xi32, #tpu.memory_space<hbm>>
    %dma_start3A_85 = arith.constant 0 : i32
    %dma_start3A_86 = tpu.memref_slice %arg4[%add3A, %dma_start3A_81, %dma_start3A_85] : memref<32x145x72xi32, #tpu.memory_space<hbm>> -> memref<1x1x72xi32, #tpu.memory_space<hbm>>
    %dma_start3A_87 = tpu.memref_squeeze %dma_start3A_86 : memref<1x1x72xi32, #tpu.memory_space<hbm>> -> memref<72xi32, #tpu.memory_space<hbm>>
    tpu.enqueue_dma source(%dma_start3A_87 : memref<72xi32, #tpu.memory_space<hbm>>) target(%arg13 : memref<72xi32, #tpu.memory_space<vmem>>) target_semaphore(%arg29 : memref<!tpu.dma_semaphore, #tpu.memory_space<semaphore_mem>>)
    %dma_wait3A_88 = arith.constant 2 : i32
    %dma_wait3A_89 = arith.constant 0 : i32
    %dma_wait3A_90 = tpu.memref_slice %arg3[%add3A, %dma_wait3A_88, %dma_wait3A_89] : memref<32x145x72xi32, #tpu.memory_space<hbm>> -> memref<1x1x72xi32, #tpu.memory_space<hbm>>
    %dma_wait3A_91 = tpu.memref_squeeze %dma_wait3A_90 : memref<1x1x72xi32, #tpu.memory_space<hbm>> -> memref<72xi32, #tpu.memory_space<hbm>>
    %dma_wait3A_92 = arith.constant 0 : i32
    %dma_wait3A_93 = tpu.memref_slice %arg3[%add3A, %dma_wait3A_88, %dma_wait3A_92] : memref<32x145x72xi32, #tpu.memory_space<hbm>> -> memref<1x1x72xi32, #tpu.memory_space<hbm>>
    %dma_wait3A_94 = tpu.memref_squeeze %dma_wait3A_93 : memref<1x1x72xi32, #tpu.memory_space<hbm>> -> memref<72xi32, #tpu.memory_space<hbm>>
    tpu.wait_dma2 semaphore(%arg25 : memref<!tpu.dma_semaphore, #tpu.memory_space<semaphore_mem>>) src(%dma_wait3A_94 : memref<72xi32, #tpu.memory_space<hbm>>) dst(%arg9 : memref<72xi32, #tpu.memory_space<vmem>>)
    %dma_start3A_95 = arith.constant 0 : i32
    %dma_start3A_96 = arith.constant 0 : i32
    %dma_start3A_97 = tpu.memref_slice %arg2[%dma_start3A_95, %dma_start3A_96] : memref<10000x128xf32, #tpu.memory_space<hbm>> -> memref<10000x128xf32, #tpu.memory_space<hbm>>
    tpu.enqueue_indirect_dma source(%dma_start3A_97 : memref<10000x128xf32, #tpu.memory_space<hbm>>) target(%arg19 : memref<72x128xf32, #tpu.memory_space<vmem>>) offsets(%arg9 : memref<72xi32, #tpu.memory_space<vmem>>) semaphore(%arg35 : memref<!tpu.dma_semaphore, #tpu.memory_space<semaphore_mem>>)
    %dma_start3A_98 = arith.constant 2 : i32
    %dma_start3A_99 = arith.constant 0 : i32
    %dma_start3A_100 = tpu.memref_slice %arg4[%add3A, %dma_start3A_98, %dma_start3A_99] : memref<32x145x72xi32, #tpu.memory_space<hbm>> -> memref<1x1x72xi32, #tpu.memory_space<hbm>>
    %dma_start3A_101 = tpu.memref_squeeze %dma_start3A_100 : memref<1x1x72xi32, #tpu.memory_space<hbm>> -> memref<72xi32, #tpu.memory_space<hbm>>
    %dma_start3A_102 = arith.constant 0 : i32
    %dma_start3A_103 = tpu.memref_slice %arg4[%add3A, %dma_start3A_98, %dma_start3A_102] : memref<32x145x72xi32, #tpu.memory_space<hbm>> -> memref<1x1x72xi32, #tpu.memory_space<hbm>>
    %dma_start3A_104 = tpu.memref_squeeze %dma_start3A_103 : memref<1x1x72xi32, #tpu.memory_space<hbm>> -> memref<72xi32, #tpu.memory_space<hbm>>
    tpu.enqueue_dma source(%dma_start3A_104 : memref<72xi32, #tpu.memory_space<hbm>>) target(%arg14 : memref<72xi32, #tpu.memory_space<vmem>>) target_semaphore(%arg30 : memref<!tpu.dma_semaphore, #tpu.memory_space<semaphore_mem>>)
    %dma_wait3A_105 = arith.constant 3 : i32
    %dma_wait3A_106 = arith.constant 0 : i32
    %dma_wait3A_107 = tpu.memref_slice %arg3[%add3A, %dma_wait3A_105, %dma_wait3A_106] : memref<32x145x72xi32, #tpu.memory_space<hbm>> -> memref<1x1x72xi32, #tpu.memory_space<hbm>>
    %dma_wait3A_108 = tpu.memref_squeeze %dma_wait3A_107 : memref<1x1x72xi32, #tpu.memory_space<hbm>> -> memref<72xi32, #tpu.memory_space<hbm>>
    %dma_wait3A_109 = arith.constant 0 : i32
    %dma_wait3A_110 = tpu.memref_slice %arg3[%add3A, %dma_wait3A_105, %dma_wait3A_109] : memref<32x145x72xi32, #tpu.memory_space<hbm>> -> memref<1x1x72xi32, #tpu.memory_space<hbm>>
    %dma_wait3A_111 = tpu.memref_squeeze %dma_wait3A_110 : memref<1x1x72xi32, #tpu.memory_space<hbm>> -> memref<72xi32, #tpu.memory_space<hbm>>
    tpu.wait_dma2 semaphore(%arg26 : memref<!tpu.dma_semaphore, #tpu.memory_space<semaphore_mem>>) src(%dma_wait3A_111 : memref<72xi32, #tpu.memory_space<hbm>>) dst(%arg10 : memref<72xi32, #tpu.memory_space<vmem>>)
    %dma_start3A_112 = arith.constant 0 : i32
    %dma_start3A_113 = arith.constant 0 : i32
    %dma_start3A_114 = tpu.memref_slice %arg2[%dma_start3A_112, %dma_start3A_113] : memref<10000x128xf32, #tpu.memory_space<hbm>> -> memref<10000x128xf32, #tpu.memory_space<hbm>>
    tpu.enqueue_indirect_dma source(%dma_start3A_114 : memref<10000x128xf32, #tpu.memory_space<hbm>>) target(%arg20 : memref<72x128xf32, #tpu.memory_space<vmem>>) offsets(%arg10 : memref<72xi32, #tpu.memory_space<vmem>>) semaphore(%arg36 : memref<!tpu.dma_semaphore, #tpu.memory_space<semaphore_mem>>)
    %dma_start3A_115 = arith.constant 3 : i32
    %dma_start3A_116 = arith.constant 0 : i32
    %dma_start3A_117 = tpu.memref_slice %arg4[%add3A, %dma_start3A_115, %dma_start3A_116] : memref<32x145x72xi32, #tpu.memory_space<hbm>> -> memref<1x1x72xi32, #tpu.memory_space<hbm>>
    %dma_start3A_118 = tpu.memref_squeeze %dma_start3A_117 : memref<1x1x72xi32, #tpu.memory_space<hbm>> -> memref<72xi32, #tpu.memory_space<hbm>>
    %dma_start3A_119 = arith.constant 0 : i32
    %dma_start3A_120 = tpu.memref_slice %arg4[%add3A, %dma_start3A_115, %dma_start3A_119] : memref<32x145x72xi32, #tpu.memory_space<hbm>> -> memref<1x1x72xi32, #tpu.memory_space<hbm>>
    %dma_start3A_121 = tpu.memref_squeeze %dma_start3A_120 : memref<1x1x72xi32, #tpu.memory_space<hbm>> -> memref<72xi32, #tpu.memory_space<hbm>>
    tpu.enqueue_dma source(%dma_start3A_121 : memref<72xi32, #tpu.memory_space<hbm>>) target(%arg15 : memref<72xi32, #tpu.memory_space<vmem>>) target_semaphore(%arg31 : memref<!tpu.dma_semaphore, #tpu.memory_space<semaphore_mem>>)
    %dma_wait3A_122 = arith.constant 4 : i32
    %dma_wait3A_123 = arith.constant 0 : i32
    %dma_wait3A_124 = tpu.memref_slice %arg3[%add3A, %dma_wait3A_122, %dma_wait3A_123] : memref<32x145x72xi32, #tpu.memory_space<hbm>> -> memref<1x1x72xi32, #tpu.memory_space<hbm>>
    %dma_wait3A_125 = tpu.memref_squeeze %dma_wait3A_124 : memref<1x1x72xi32, #tpu.memory_space<hbm>> -> memref<72xi32, #tpu.memory_space<hbm>>
    %dma_wait3A_126 = arith.constant 0 : i32
    %dma_wait3A_127 = tpu.memref_slice %arg3[%add3A, %dma_wait3A_122, %dma_wait3A_126] : memref<32x145x72xi32, #tpu.memory_space<hbm>> -> memref<1x1x72xi32, #tpu.memory_space<hbm>>
    %dma_wait3A_128 = tpu.memref_squeeze %dma_wait3A_127 : memref<1x1x72xi32, #tpu.memory_space<hbm>> -> memref<72xi32, #tpu.memory_space<hbm>>
    tpu.wait_dma2 semaphore(%arg27 : memref<!tpu.dma_semaphore, #tpu.memory_space<semaphore_mem>>) src(%dma_wait3A_128 : memref<72xi32, #tpu.memory_space<hbm>>) dst(%arg11 : memref<72xi32, #tpu.memory_space<vmem>>)
    %dma_start3A_129 = arith.constant 0 : i32
    %dma_start3A_130 = arith.constant 0 : i32
    %dma_start3A_131 = tpu.memref_slice %arg2[%dma_start3A_129, %dma_start3A_130] : memref<10000x128xf32, #tpu.memory_space<hbm>> -> memref<10000x128xf32, #tpu.memory_space<hbm>>
    tpu.enqueue_indirect_dma source(%dma_start3A_131 : memref<10000x128xf32, #tpu.memory_space<hbm>>) target(%arg21 : memref<72x128xf32, #tpu.memory_space<vmem>>) offsets(%arg11 : memref<72xi32, #tpu.memory_space<vmem>>) semaphore(%arg37 : memref<!tpu.dma_semaphore, #tpu.memory_space<semaphore_mem>>)
    %dma_start3A_132 = arith.constant 4 : i32
    %dma_start3A_133 = arith.constant 0 : i32
    %dma_start3A_134 = tpu.memref_slice %arg4[%add3A, %dma_start3A_132, %dma_start3A_133] : memref<32x145x72xi32, #tpu.memory_space<hbm>> -> memref<1x1x72xi32, #tpu.memory_space<hbm>>
    %dma_start3A_135 = tpu.memref_squeeze %dma_start3A_134 : memref<1x1x72xi32, #tpu.memory_space<hbm>> -> memref<72xi32, #tpu.memory_space<hbm>>
    %dma_start3A_136 = arith.constant 0 : i32
    %dma_start3A_137 = tpu.memref_slice %arg4[%add3A, %dma_start3A_132, %dma_start3A_136] : memref<32x145x72xi32, #tpu.memory_space<hbm>> -> memref<1x1x72xi32, #tpu.memory_space<hbm>>
    %dma_start3A_138 = tpu.memref_squeeze %dma_start3A_137 : memref<1x1x72xi32, #tpu.memory_space<hbm>> -> memref<72xi32, #tpu.memory_space<hbm>>
    tpu.enqueue_dma source(%dma_start3A_138 : memref<72xi32, #tpu.memory_space<hbm>>) target(%arg16 : memref<72xi32, #tpu.memory_space<vmem>>) target_semaphore(%arg32 : memref<!tpu.dma_semaphore, #tpu.memory_space<semaphore_mem>>)
    %barrier3A = arith.constant 0 : index
    tpu.barrier barrier_id(%barrier3A)
    %scan3A = arith.constant 0 : i32
    %scan3A_139 = arith.constant 0 : i32
    %scan3A_140 = arith.constant 29 : i32
    %scan3A_141 = arith.addi %scan3A_139, %scan3A_140 : i32
    %scan3A_142 = arith.constant 1 : i32
    scf.for %scan3A_145 = %scan3A_139 to %scan3A_141 step %scan3A_142  : i32 {
      %mul3A_146 = arith.constant 5 : i32
      %mul3A_147 = arith.muli %scan3A_145, %mul3A_146 : i32
      %add3A_148 = arith.constant 0 : i32
      %add3A_149 = arith.addi %mul3A_147, %add3A_148 : i32
      %dma_wait3A_150 = arith.constant 0 : i32
      %dma_wait3A_151 = arith.constant 0 : i32
      %dma_wait3A_152 = tpu.memref_slice %arg2[%dma_wait3A_150, %dma_wait3A_151] : memref<10000x128xf32, #tpu.memory_space<hbm>> -> memref<10000x128xf32, #tpu.memory_space<hbm>>
      tpu.wait_indirect_dma semaphore(%arg33 : memref<!tpu.dma_semaphore, #tpu.memory_space<semaphore_mem>>) src(%dma_wait3A_152 : memref<10000x128xf32, #tpu.memory_space<hbm>>) dst(%arg17 : memref<72x128xf32, #tpu.memory_space<vmem>>)
      %dma_wait3A_153 = arith.constant 0 : i32
      %dma_wait3A_154 = tpu.memref_slice %arg4[%add3A, %add3A_149, %dma_wait3A_153] : memref<32x145x72xi32, #tpu.memory_space<hbm>> -> memref<1x1x72xi32, #tpu.memory_space<hbm>>
      %dma_wait3A_155 = tpu.memref_squeeze %dma_wait3A_154 : memref<1x1x72xi32, #tpu.memory_space<hbm>> -> memref<72xi32, #tpu.memory_space<hbm>>
      %dma_wait3A_156 = arith.constant 0 : i32
      %dma_wait3A_157 = tpu.memref_slice %arg4[%add3A, %add3A_149, %dma_wait3A_156] : memref<32x145x72xi32, #tpu.memory_space<hbm>> -> memref<1x1x72xi32, #tpu.memory_space<hbm>>
      %dma_wait3A_158 = tpu.memref_squeeze %dma_wait3A_157 : memref<1x1x72xi32, #tpu.memory_space<hbm>> -> memref<72xi32, #tpu.memory_space<hbm>>
      tpu.wait_dma2 semaphore(%arg28 : memref<!tpu.dma_semaphore, #tpu.memory_space<semaphore_mem>>) src(%dma_wait3A_158 : memref<72xi32, #tpu.memory_space<hbm>>) dst(%arg12 : memref<72xi32, #tpu.memory_space<vmem>>)
      %dma_start3A_159 = arith.constant 0 : i32
      %dma_start3A_160 = arith.constant 0 : i32
      %dma_start3A_161 = tpu.memref_slice %arg22[%dma_start3A_159, %dma_start3A_160] : memref<10112x128xf32, #tpu.memory_space<vmem_shared>> -> memref<10112x128xf32, #tpu.memory_space<vmem_shared>>
      tpu.enqueue_indirect_dma source(%arg17 : memref<72x128xf32, #tpu.memory_space<vmem>>) target(%dma_start3A_161 : memref<10112x128xf32, #tpu.memory_space<vmem_shared>>) offsets(%arg12 : memref<72xi32, #tpu.memory_space<vmem>>) semaphore(%arg38 : memref<!tpu.dma_semaphore, #tpu.memory_space<semaphore_mem>>) {add = true}
      %add3A_162 = arith.constant 5 : i32
      %add3A_163 = arith.addi %add3A_149, %add3A_162 : i32
      %lt3A = arith.constant 145 : i32
      %lt3A_164 = arith.cmpi slt, %add3A_163, %lt3A : i32
      %convert_element_type3A = arith.extui %lt3A_164 : i1 to i32
      %cond3A = arith.constant 0 : i32
      %cond3A_165 = arith.cmpi ne, %convert_element_type3A, %cond3A : i32
      scf.if %cond3A_165 {
        %add3A_329 = arith.constant 5 : i32
        %add3A_330 = arith.addi %add3A_149, %add3A_329 : i32
        %dma_start3A_331 = arith.constant 0 : i32
        %dma_start3A_332 = tpu.memref_slice %arg3[%add3A, %add3A_330, %dma_start3A_331] : memref<32x145x72xi32, #tpu.memory_space<hbm>> -> memref<1x1x72xi32, #tpu.memory_space<hbm>>
        %dma_start3A_333 = tpu.memref_squeeze %dma_start3A_332 : memref<1x1x72xi32, #tpu.memory_space<hbm>> -> memref<72xi32, #tpu.memory_space<hbm>>
        %dma_start3A_334 = arith.constant 0 : i32
        %dma_start3A_335 = tpu.memref_slice %arg3[%add3A, %add3A_330, %dma_start3A_334] : memref<32x145x72xi32, #tpu.memory_space<hbm>> -> memref<1x1x72xi32, #tpu.memory_space<hbm>>
        %dma_start3A_336 = tpu.memref_squeeze %dma_start3A_335 : memref<1x1x72xi32, #tpu.memory_space<hbm>> -> memref<72xi32, #tpu.memory_space<hbm>>
        tpu.enqueue_dma source(%dma_start3A_336 : memref<72xi32, #tpu.memory_space<hbm>>) target(%arg7 : memref<72xi32, #tpu.memory_space<vmem>>) target_semaphore(%arg23 : memref<!tpu.dma_semaphore, #tpu.memory_space<semaphore_mem>>)
      } else {
      }
      %add3A_166 = arith.constant 1 : i32
      %add3A_167 = arith.addi %mul3A_147, %add3A_166 : i32
      %dma_wait3A_168 = arith.constant 0 : i32
      %dma_wait3A_169 = arith.constant 0 : i32
      %dma_wait3A_170 = tpu.memref_slice %arg2[%dma_wait3A_168, %dma_wait3A_169] : memref<10000x128xf32, #tpu.memory_space<hbm>> -> memref<10000x128xf32, #tpu.memory_space<hbm>>
      tpu.wait_indirect_dma semaphore(%arg34 : memref<!tpu.dma_semaphore, #tpu.memory_space<semaphore_mem>>) src(%dma_wait3A_170 : memref<10000x128xf32, #tpu.memory_space<hbm>>) dst(%arg18 : memref<72x128xf32, #tpu.memory_space<vmem>>)
      %dma_wait3A_171 = arith.constant 0 : i32
      %dma_wait3A_172 = tpu.memref_slice %arg4[%add3A, %add3A_167, %dma_wait3A_171] : memref<32x145x72xi32, #tpu.memory_space<hbm>> -> memref<1x1x72xi32, #tpu.memory_space<hbm>>
      %dma_wait3A_173 = tpu.memref_squeeze %dma_wait3A_172 : memref<1x1x72xi32, #tpu.memory_space<hbm>> -> memref<72xi32, #tpu.memory_space<hbm>>
      %dma_wait3A_174 = arith.constant 0 : i32
      %dma_wait3A_175 = tpu.memref_slice %arg4[%add3A, %add3A_167, %dma_wait3A_174] : memref<32x145x72xi32, #tpu.memory_space<hbm>> -> memref<1x1x72xi32, #tpu.memory_space<hbm>>
      %dma_wait3A_176 = tpu.memref_squeeze %dma_wait3A_175 : memref<1x1x72xi32, #tpu.memory_space<hbm>> -> memref<72xi32, #tpu.memory_space<hbm>>
      tpu.wait_dma2 semaphore(%arg29 : memref<!tpu.dma_semaphore, #tpu.memory_space<semaphore_mem>>) src(%dma_wait3A_176 : memref<72xi32, #tpu.memory_space<hbm>>) dst(%arg13 : memref<72xi32, #tpu.memory_space<vmem>>)
      %dma_start3A_177 = arith.constant 0 : i32
      %dma_start3A_178 = arith.constant 0 : i32
      %dma_start3A_179 = tpu.memref_slice %arg22[%dma_start3A_177, %dma_start3A_178] : memref<10112x128xf32, #tpu.memory_space<vmem_shared>> -> memref<10112x128xf32, #tpu.memory_space<vmem_shared>>
      tpu.enqueue_indirect_dma source(%arg18 : memref<72x128xf32, #tpu.memory_space<vmem>>) target(%dma_start3A_179 : memref<10112x128xf32, #tpu.memory_space<vmem_shared>>) offsets(%arg13 : memref<72xi32, #tpu.memory_space<vmem>>) semaphore(%arg39 : memref<!tpu.dma_semaphore, #tpu.memory_space<semaphore_mem>>) {add = true}
      %add3A_180 = arith.constant 5 : i32
      %add3A_181 = arith.addi %add3A_167, %add3A_180 : i32
      %lt3A_182 = arith.constant 145 : i32
      %lt3A_183 = arith.cmpi slt, %add3A_181, %lt3A_182 : i32
      %convert_element_type3A_184 = arith.extui %lt3A_183 : i1 to i32
      %cond3A_185 = arith.constant 0 : i32
      %cond3A_186 = arith.cmpi ne, %convert_element_type3A_184, %cond3A_185 : i32
      scf.if %cond3A_186 {
        %add3A_329 = arith.constant 5 : i32
        %add3A_330 = arith.addi %add3A_167, %add3A_329 : i32
        %dma_start3A_331 = arith.constant 0 : i32
        %dma_start3A_332 = tpu.memref_slice %arg3[%add3A, %add3A_330, %dma_start3A_331] : memref<32x145x72xi32, #tpu.memory_space<hbm>> -> memref<1x1x72xi32, #tpu.memory_space<hbm>>
        %dma_start3A_333 = tpu.memref_squeeze %dma_start3A_332 : memref<1x1x72xi32, #tpu.memory_space<hbm>> -> memref<72xi32, #tpu.memory_space<hbm>>
        %dma_start3A_334 = arith.constant 0 : i32
        %dma_start3A_335 = tpu.memref_slice %arg3[%add3A, %add3A_330, %dma_start3A_334] : memref<32x145x72xi32, #tpu.memory_space<hbm>> -> memref<1x1x72xi32, #tpu.memory_space<hbm>>
        %dma_start3A_336 = tpu.memref_squeeze %dma_start3A_335 : memref<1x1x72xi32, #tpu.memory_space<hbm>> -> memref<72xi32, #tpu.memory_space<hbm>>
        tpu.enqueue_dma source(%dma_start3A_336 : memref<72xi32, #tpu.memory_space<hbm>>) target(%arg8 : memref<72xi32, #tpu.memory_space<vmem>>) target_semaphore(%arg24 : memref<!tpu.dma_semaphore, #tpu.memory_space<semaphore_mem>>)
      } else {
      }
      %add3A_187 = arith.constant 2 : i32
      %add3A_188 = arith.addi %mul3A_147, %add3A_187 : i32
      %dma_wait3A_189 = arith.constant 0 : i32
      %dma_wait3A_190 = arith.constant 0 : i32
      %dma_wait3A_191 = tpu.memref_slice %arg2[%dma_wait3A_189, %dma_wait3A_190] : memref<10000x128xf32, #tpu.memory_space<hbm>> -> memref<10000x128xf32, #tpu.memory_space<hbm>>
      tpu.wait_indirect_dma semaphore(%arg35 : memref<!tpu.dma_semaphore, #tpu.memory_space<semaphore_mem>>) src(%dma_wait3A_191 : memref<10000x128xf32, #tpu.memory_space<hbm>>) dst(%arg19 : memref<72x128xf32, #tpu.memory_space<vmem>>)
      %dma_wait3A_192 = arith.constant 0 : i32
      %dma_wait3A_193 = tpu.memref_slice %arg4[%add3A, %add3A_188, %dma_wait3A_192] : memref<32x145x72xi32, #tpu.memory_space<hbm>> -> memref<1x1x72xi32, #tpu.memory_space<hbm>>
      %dma_wait3A_194 = tpu.memref_squeeze %dma_wait3A_193 : memref<1x1x72xi32, #tpu.memory_space<hbm>> -> memref<72xi32, #tpu.memory_space<hbm>>
      %dma_wait3A_195 = arith.constant 0 : i32
      %dma_wait3A_196 = tpu.memref_slice %arg4[%add3A, %add3A_188, %dma_wait3A_195] : memref<32x145x72xi32, #tpu.memory_space<hbm>> -> memref<1x1x72xi32, #tpu.memory_space<hbm>>
      %dma_wait3A_197 = tpu.memref_squeeze %dma_wait3A_196 : memref<1x1x72xi32, #tpu.memory_space<hbm>> -> memref<72xi32, #tpu.memory_space<hbm>>
      tpu.wait_dma2 semaphore(%arg30 : memref<!tpu.dma_semaphore, #tpu.memory_space<semaphore_mem>>) src(%dma_wait3A_197 : memref<72xi32, #tpu.memory_space<hbm>>) dst(%arg14 : memref<72xi32, #tpu.memory_space<vmem>>)
      %dma_start3A_198 = arith.constant 0 : i32
      %dma_start3A_199 = arith.constant 0 : i32
      %dma_start3A_200 = tpu.memref_slice %arg22[%dma_start3A_198, %dma_start3A_199] : memref<10112x128xf32, #tpu.memory_space<vmem_shared>> -> memref<10112x128xf32, #tpu.memory_space<vmem_shared>>
      tpu.enqueue_indirect_dma source(%arg19 : memref<72x128xf32, #tpu.memory_space<vmem>>) target(%dma_start3A_200 : memref<10112x128xf32, #tpu.memory_space<vmem_shared>>) offsets(%arg14 : memref<72xi32, #tpu.memory_space<vmem>>) semaphore(%arg40 : memref<!tpu.dma_semaphore, #tpu.memory_space<semaphore_mem>>) {add = true}
      %add3A_201 = arith.constant 5 : i32
      %add3A_202 = arith.addi %add3A_188, %add3A_201 : i32
      %lt3A_203 = arith.constant 145 : i32
      %lt3A_204 = arith.cmpi slt, %add3A_202, %lt3A_203 : i32
      %convert_element_type3A_205 = arith.extui %lt3A_204 : i1 to i32
      %cond3A_206 = arith.constant 0 : i32
      %cond3A_207 = arith.cmpi ne, %convert_element_type3A_205, %cond3A_206 : i32
      scf.if %cond3A_207 {
        %add3A_329 = arith.constant 5 : i32
        %add3A_330 = arith.addi %add3A_188, %add3A_329 : i32
        %dma_start3A_331 = arith.constant 0 : i32
        %dma_start3A_332 = tpu.memref_slice %arg3[%add3A, %add3A_330, %dma_start3A_331] : memref<32x145x72xi32, #tpu.memory_space<hbm>> -> memref<1x1x72xi32, #tpu.memory_space<hbm>>
        %dma_start3A_333 = tpu.memref_squeeze %dma_start3A_332 : memref<1x1x72xi32, #tpu.memory_space<hbm>> -> memref<72xi32, #tpu.memory_space<hbm>>
        %dma_start3A_334 = arith.constant 0 : i32
        %dma_start3A_335 = tpu.memref_slice %arg3[%add3A, %add3A_330, %dma_start3A_334] : memref<32x145x72xi32, #tpu.memory_space<hbm>> -> memref<1x1x72xi32, #tpu.memory_space<hbm>>
        %dma_start3A_336 = tpu.memref_squeeze %dma_start3A_335 : memref<1x1x72xi32, #tpu.memory_space<hbm>> -> memref<72xi32, #tpu.memory_space<hbm>>
        tpu.enqueue_dma source(%dma_start3A_336 : memref<72xi32, #tpu.memory_space<hbm>>) target(%arg9 : memref<72xi32, #tpu.memory_space<vmem>>) target_semaphore(%arg25 : memref<!tpu.dma_semaphore, #tpu.memory_space<semaphore_mem>>)
      } else {
      }
      %add3A_208 = arith.constant 3 : i32
      %add3A_209 = arith.addi %mul3A_147, %add3A_208 : i32
      %dma_wait3A_210 = arith.constant 0 : i32
      %dma_wait3A_211 = arith.constant 0 : i32
      %dma_wait3A_212 = tpu.memref_slice %arg2[%dma_wait3A_210, %dma_wait3A_211] : memref<10000x128xf32, #tpu.memory_space<hbm>> -> memref<10000x128xf32, #tpu.memory_space<hbm>>
      tpu.wait_indirect_dma semaphore(%arg36 : memref<!tpu.dma_semaphore, #tpu.memory_space<semaphore_mem>>) src(%dma_wait3A_212 : memref<10000x128xf32, #tpu.memory_space<hbm>>) dst(%arg20 : memref<72x128xf32, #tpu.memory_space<vmem>>)
      %dma_wait3A_213 = arith.constant 0 : i32
      %dma_wait3A_214 = tpu.memref_slice %arg4[%add3A, %add3A_209, %dma_wait3A_213] : memref<32x145x72xi32, #tpu.memory_space<hbm>> -> memref<1x1x72xi32, #tpu.memory_space<hbm>>
      %dma_wait3A_215 = tpu.memref_squeeze %dma_wait3A_214 : memref<1x1x72xi32, #tpu.memory_space<hbm>> -> memref<72xi32, #tpu.memory_space<hbm>>
      %dma_wait3A_216 = arith.constant 0 : i32
      %dma_wait3A_217 = tpu.memref_slice %arg4[%add3A, %add3A_209, %dma_wait3A_216] : memref<32x145x72xi32, #tpu.memory_space<hbm>> -> memref<1x1x72xi32, #tpu.memory_space<hbm>>
      %dma_wait3A_218 = tpu.memref_squeeze %dma_wait3A_217 : memref<1x1x72xi32, #tpu.memory_space<hbm>> -> memref<72xi32, #tpu.memory_space<hbm>>
      tpu.wait_dma2 semaphore(%arg31 : memref<!tpu.dma_semaphore, #tpu.memory_space<semaphore_mem>>) src(%dma_wait3A_218 : memref<72xi32, #tpu.memory_space<hbm>>) dst(%arg15 : memref<72xi32, #tpu.memory_space<vmem>>)
      %dma_start3A_219 = arith.constant 0 : i32
      %dma_start3A_220 = arith.constant 0 : i32
      %dma_start3A_221 = tpu.memref_slice %arg22[%dma_start3A_219, %dma_start3A_220] : memref<10112x128xf32, #tpu.memory_space<vmem_shared>> -> memref<10112x128xf32, #tpu.memory_space<vmem_shared>>
      tpu.enqueue_indirect_dma source(%arg20 : memref<72x128xf32, #tpu.memory_space<vmem>>) target(%dma_start3A_221 : memref<10112x128xf32, #tpu.memory_space<vmem_shared>>) offsets(%arg15 : memref<72xi32, #tpu.memory_space<vmem>>) semaphore(%arg41 : memref<!tpu.dma_semaphore, #tpu.memory_space<semaphore_mem>>) {add = true}
      %add3A_222 = arith.constant 5 : i32
      %add3A_223 = arith.addi %add3A_209, %add3A_222 : i32
      %lt3A_224 = arith.constant 145 : i32
      %lt3A_225 = arith.cmpi slt, %add3A_223, %lt3A_224 : i32
      %convert_element_type3A_226 = arith.extui %lt3A_225 : i1 to i32
      %cond3A_227 = arith.constant 0 : i32
      %cond3A_228 = arith.cmpi ne, %convert_element_type3A_226, %cond3A_227 : i32
      scf.if %cond3A_228 {
        %add3A_329 = arith.constant 5 : i32
        %add3A_330 = arith.addi %add3A_209, %add3A_329 : i32
        %dma_start3A_331 = arith.constant 0 : i32
        %dma_start3A_332 = tpu.memref_slice %arg3[%add3A, %add3A_330, %dma_start3A_331] : memref<32x145x72xi32, #tpu.memory_space<hbm>> -> memref<1x1x72xi32, #tpu.memory_space<hbm>>
        %dma_start3A_333 = tpu.memref_squeeze %dma_start3A_332 : memref<1x1x72xi32, #tpu.memory_space<hbm>> -> memref<72xi32, #tpu.memory_space<hbm>>
        %dma_start3A_334 = arith.constant 0 : i32
        %dma_start3A_335 = tpu.memref_slice %arg3[%add3A, %add3A_330, %dma_start3A_334] : memref<32x145x72xi32, #tpu.memory_space<hbm>> -> memref<1x1x72xi32, #tpu.memory_space<hbm>>
        %dma_start3A_336 = tpu.memref_squeeze %dma_start3A_335 : memref<1x1x72xi32, #tpu.memory_space<hbm>> -> memref<72xi32, #tpu.memory_space<hbm>>
        tpu.enqueue_dma source(%dma_start3A_336 : memref<72xi32, #tpu.memory_space<hbm>>) target(%arg10 : memref<72xi32, #tpu.memory_space<vmem>>) target_semaphore(%arg26 : memref<!tpu.dma_semaphore, #tpu.memory_space<semaphore_mem>>)
      } else {
      }
      %add3A_229 = arith.constant 4 : i32
      %add3A_230 = arith.addi %mul3A_147, %add3A_229 : i32
      %dma_wait3A_231 = arith.constant 0 : i32
      %dma_wait3A_232 = arith.constant 0 : i32
      %dma_wait3A_233 = tpu.memref_slice %arg2[%dma_wait3A_231, %dma_wait3A_232] : memref<10000x128xf32, #tpu.memory_space<hbm>> -> memref<10000x128xf32, #tpu.memory_space<hbm>>
      tpu.wait_indirect_dma semaphore(%arg37 : memref<!tpu.dma_semaphore, #tpu.memory_space<semaphore_mem>>) src(%dma_wait3A_233 : memref<10000x128xf32, #tpu.memory_space<hbm>>) dst(%arg21 : memref<72x128xf32, #tpu.memory_space<vmem>>)
      %dma_wait3A_234 = arith.constant 0 : i32
      %dma_wait3A_235 = tpu.memref_slice %arg4[%add3A, %add3A_230, %dma_wait3A_234] : memref<32x145x72xi32, #tpu.memory_space<hbm>> -> memref<1x1x72xi32, #tpu.memory_space<hbm>>
      %dma_wait3A_236 = tpu.memref_squeeze %dma_wait3A_235 : memref<1x1x72xi32, #tpu.memory_space<hbm>> -> memref<72xi32, #tpu.memory_space<hbm>>
      %dma_wait3A_237 = arith.constant 0 : i32
      %dma_wait3A_238 = tpu.memref_slice %arg4[%add3A, %add3A_230, %dma_wait3A_237] : memref<32x145x72xi32, #tpu.memory_space<hbm>> -> memref<1x1x72xi32, #tpu.memory_space<hbm>>
      %dma_wait3A_239 = tpu.memref_squeeze %dma_wait3A_238 : memref<1x1x72xi32, #tpu.memory_space<hbm>> -> memref<72xi32, #tpu.memory_space<hbm>>
      tpu.wait_dma2 semaphore(%arg32 : memref<!tpu.dma_semaphore, #tpu.memory_space<semaphore_mem>>) src(%dma_wait3A_239 : memref<72xi32, #tpu.memory_space<hbm>>) dst(%arg16 : memref<72xi32, #tpu.memory_space<vmem>>)
      %dma_start3A_240 = arith.constant 0 : i32
      %dma_start3A_241 = arith.constant 0 : i32
      %dma_start3A_242 = tpu.memref_slice %arg22[%dma_start3A_240, %dma_start3A_241] : memref<10112x128xf32, #tpu.memory_space<vmem_shared>> -> memref<10112x128xf32, #tpu.memory_space<vmem_shared>>
      tpu.enqueue_indirect_dma source(%arg21 : memref<72x128xf32, #tpu.memory_space<vmem>>) target(%dma_start3A_242 : memref<10112x128xf32, #tpu.memory_space<vmem_shared>>) offsets(%arg16 : memref<72xi32, #tpu.memory_space<vmem>>) semaphore(%arg42 : memref<!tpu.dma_semaphore, #tpu.memory_space<semaphore_mem>>) {add = true}
      %add3A_243 = arith.constant 5 : i32
      %add3A_244 = arith.addi %add3A_230, %add3A_243 : i32
      %lt3A_245 = arith.constant 145 : i32
      %lt3A_246 = arith.cmpi slt, %add3A_244, %lt3A_245 : i32
      %convert_element_type3A_247 = arith.extui %lt3A_246 : i1 to i32
      %cond3A_248 = arith.constant 0 : i32
      %cond3A_249 = arith.cmpi ne, %convert_element_type3A_247, %cond3A_248 : i32
      scf.if %cond3A_249 {
        %add3A_329 = arith.constant 5 : i32
        %add3A_330 = arith.addi %add3A_230, %add3A_329 : i32
        %dma_start3A_331 = arith.constant 0 : i32
        %dma_start3A_332 = tpu.memref_slice %arg3[%add3A, %add3A_330, %dma_start3A_331] : memref<32x145x72xi32, #tpu.memory_space<hbm>> -> memref<1x1x72xi32, #tpu.memory_space<hbm>>
        %dma_start3A_333 = tpu.memref_squeeze %dma_start3A_332 : memref<1x1x72xi32, #tpu.memory_space<hbm>> -> memref<72xi32, #tpu.memory_space<hbm>>
        %dma_start3A_334 = arith.constant 0 : i32
        %dma_start3A_335 = tpu.memref_slice %arg3[%add3A, %add3A_330, %dma_start3A_334] : memref<32x145x72xi32, #tpu.memory_space<hbm>> -> memref<1x1x72xi32, #tpu.memory_space<hbm>>
        %dma_start3A_336 = tpu.memref_squeeze %dma_start3A_335 : memref<1x1x72xi32, #tpu.memory_space<hbm>> -> memref<72xi32, #tpu.memory_space<hbm>>
        tpu.enqueue_dma source(%dma_start3A_336 : memref<72xi32, #tpu.memory_space<hbm>>) target(%arg11 : memref<72xi32, #tpu.memory_space<vmem>>) target_semaphore(%arg27 : memref<!tpu.dma_semaphore, #tpu.memory_space<semaphore_mem>>)
      } else {
      }
      %add3A_250 = arith.constant 0 : i32
      %add3A_251 = arith.addi %mul3A_147, %add3A_250 : i32
      %add3A_252 = arith.constant 5 : i32
      %add3A_253 = arith.addi %add3A_251, %add3A_252 : i32
      %lt3A_254 = arith.constant 145 : i32
      %lt3A_255 = arith.cmpi slt, %add3A_253, %lt3A_254 : i32
      %convert_element_type3A_256 = arith.extui %lt3A_255 : i1 to i32
      %cond3A_257 = arith.constant 0 : i32
      %cond3A_258 = arith.cmpi ne, %convert_element_type3A_256, %cond3A_257 : i32
      scf.if %cond3A_258 {
        %add3A_329 = arith.constant 5 : i32
        %add3A_330 = arith.addi %add3A_251, %add3A_329 : i32
        %dma_wait3A_331 = arith.constant 0 : i32
        %dma_wait3A_332 = tpu.memref_slice %arg3[%add3A, %add3A_330, %dma_wait3A_331] : memref<32x145x72xi32, #tpu.memory_space<hbm>> -> memref<1x1x72xi32, #tpu.memory_space<hbm>>
        %dma_wait3A_333 = tpu.memref_squeeze %dma_wait3A_332 : memref<1x1x72xi32, #tpu.memory_space<hbm>> -> memref<72xi32, #tpu.memory_space<hbm>>
        %dma_wait3A_334 = arith.constant 0 : i32
        %dma_wait3A_335 = tpu.memref_slice %arg3[%add3A, %add3A_330, %dma_wait3A_334] : memref<32x145x72xi32, #tpu.memory_space<hbm>> -> memref<1x1x72xi32, #tpu.memory_space<hbm>>
        %dma_wait3A_336 = tpu.memref_squeeze %dma_wait3A_335 : memref<1x1x72xi32, #tpu.memory_space<hbm>> -> memref<72xi32, #tpu.memory_space<hbm>>
        tpu.wait_dma2 semaphore(%arg23 : memref<!tpu.dma_semaphore, #tpu.memory_space<semaphore_mem>>) src(%dma_wait3A_336 : memref<72xi32, #tpu.memory_space<hbm>>) dst(%arg7 : memref<72xi32, #tpu.memory_space<vmem>>)
        %dma_wait3A_337 = arith.constant 0 : i32
        %dma_wait3A_338 = arith.constant 0 : i32
        %dma_wait3A_339 = tpu.memref_slice %arg22[%dma_wait3A_337, %dma_wait3A_338] : memref<10112x128xf32, #tpu.memory_space<vmem_shared>> -> memref<10112x128xf32, #tpu.memory_space<vmem_shared>>
        tpu.wait_indirect_dma semaphore(%arg38 : memref<!tpu.dma_semaphore, #tpu.memory_space<semaphore_mem>>) src(%arg17 : memref<72x128xf32, #tpu.memory_space<vmem>>) dst(%dma_wait3A_339 : memref<10112x128xf32, #tpu.memory_space<vmem_shared>>)
        %dma_start3A_340 = arith.constant 0 : i32
        %dma_start3A_341 = arith.constant 0 : i32
        %dma_start3A_342 = tpu.memref_slice %arg2[%dma_start3A_340, %dma_start3A_341] : memref<10000x128xf32, #tpu.memory_space<hbm>> -> memref<10000x128xf32, #tpu.memory_space<hbm>>
        tpu.enqueue_indirect_dma source(%dma_start3A_342 : memref<10000x128xf32, #tpu.memory_space<hbm>>) target(%arg17 : memref<72x128xf32, #tpu.memory_space<vmem>>) offsets(%arg7 : memref<72xi32, #tpu.memory_space<vmem>>) semaphore(%arg33 : memref<!tpu.dma_semaphore, #tpu.memory_space<semaphore_mem>>)
        %add3A_343 = arith.constant 5 : i32
        %add3A_344 = arith.addi %add3A_251, %add3A_343 : i32
        %dma_start3A_345 = arith.constant 0 : i32
        %dma_start3A_346 = tpu.memref_slice %arg4[%add3A, %add3A_344, %dma_start3A_345] : memref<32x145x72xi32, #tpu.memory_space<hbm>> -> memref<1x1x72xi32, #tpu.memory_space<hbm>>
        %dma_start3A_347 = tpu.memref_squeeze %dma_start3A_346 : memref<1x1x72xi32, #tpu.memory_space<hbm>> -> memref<72xi32, #tpu.memory_space<hbm>>
        %dma_start3A_348 = arith.constant 0 : i32
        %dma_start3A_349 = tpu.memref_slice %arg4[%add3A, %add3A_344, %dma_start3A_348] : memref<32x145x72xi32, #tpu.memory_space<hbm>> -> memref<1x1x72xi32, #tpu.memory_space<hbm>>
        %dma_start3A_350 = tpu.memref_squeeze %dma_start3A_349 : memref<1x1x72xi32, #tpu.memory_space<hbm>> -> memref<72xi32, #tpu.memory_space<hbm>>
        tpu.enqueue_dma source(%dma_start3A_350 : memref<72xi32, #tpu.memory_space<hbm>>) target(%arg12 : memref<72xi32, #tpu.memory_space<vmem>>) target_semaphore(%arg28 : memref<!tpu.dma_semaphore, #tpu.memory_space<semaphore_mem>>)
      } else {
      }
      %add3A_259 = arith.constant 5 : i32
      %add3A_260 = arith.addi %add3A_251, %add3A_259 : i32
      %ge3A = arith.constant 145 : i32
      %ge3A_261 = arith.cmpi sge, %add3A_260, %ge3A : i32
      %convert_element_type3A_262 = arith.extui %ge3A_261 : i1 to i32
      %cond3A_263 = arith.constant 0 : i32
      %cond3A_264 = arith.cmpi ne, %convert_element_type3A_262, %cond3A_263 : i32
      scf.if %cond3A_264 {
        %dma_wait3A_329 = arith.constant 0 : i32
        %dma_wait3A_330 = arith.constant 0 : i32
        %dma_wait3A_331 = tpu.memref_slice %arg22[%dma_wait3A_329, %dma_wait3A_330] : memref<10112x128xf32, #tpu.memory_space<vmem_shared>> -> memref<10112x128xf32, #tpu.memory_space<vmem_shared>>
        tpu.wait_indirect_dma semaphore(%arg38 : memref<!tpu.dma_semaphore, #tpu.memory_space<semaphore_mem>>) src(%arg17 : memref<72x128xf32, #tpu.memory_space<vmem>>) dst(%dma_wait3A_331 : memref<10112x128xf32, #tpu.memory_space<vmem_shared>>)
      } else {
      }
      %add3A_265 = arith.constant 1 : i32
      %add3A_266 = arith.addi %mul3A_147, %add3A_265 : i32
      %add3A_267 = arith.constant 5 : i32
      %add3A_268 = arith.addi %add3A_266, %add3A_267 : i32
      %lt3A_269 = arith.constant 145 : i32
      %lt3A_270 = arith.cmpi slt, %add3A_268, %lt3A_269 : i32
      %convert_element_type3A_271 = arith.extui %lt3A_270 : i1 to i32
      %cond3A_272 = arith.constant 0 : i32
      %cond3A_273 = arith.cmpi ne, %convert_element_type3A_271, %cond3A_272 : i32
      scf.if %cond3A_273 {
        %add3A_329 = arith.constant 5 : i32
        %add3A_330 = arith.addi %add3A_266, %add3A_329 : i32
        %dma_wait3A_331 = arith.constant 0 : i32
        %dma_wait3A_332 = tpu.memref_slice %arg3[%add3A, %add3A_330, %dma_wait3A_331] : memref<32x145x72xi32, #tpu.memory_space<hbm>> -> memref<1x1x72xi32, #tpu.memory_space<hbm>>
        %dma_wait3A_333 = tpu.memref_squeeze %dma_wait3A_332 : memref<1x1x72xi32, #tpu.memory_space<hbm>> -> memref<72xi32, #tpu.memory_space<hbm>>
        %dma_wait3A_334 = arith.constant 0 : i32
        %dma_wait3A_335 = tpu.memref_slice %arg3[%add3A, %add3A_330, %dma_wait3A_334] : memref<32x145x72xi32, #tpu.memory_space<hbm>> -> memref<1x1x72xi32, #tpu.memory_space<hbm>>
        %dma_wait3A_336 = tpu.memref_squeeze %dma_wait3A_335 : memref<1x1x72xi32, #tpu.memory_space<hbm>> -> memref<72xi32, #tpu.memory_space<hbm>>
        tpu.wait_dma2 semaphore(%arg24 : memref<!tpu.dma_semaphore, #tpu.memory_space<semaphore_mem>>) src(%dma_wait3A_336 : memref<72xi32, #tpu.memory_space<hbm>>) dst(%arg8 : memref<72xi32, #tpu.memory_space<vmem>>)
        %dma_wait3A_337 = arith.constant 0 : i32
        %dma_wait3A_338 = arith.constant 0 : i32
        %dma_wait3A_339 = tpu.memref_slice %arg22[%dma_wait3A_337, %dma_wait3A_338] : memref<10112x128xf32, #tpu.memory_space<vmem_shared>> -> memref<10112x128xf32, #tpu.memory_space<vmem_shared>>
        tpu.wait_indirect_dma semaphore(%arg39 : memref<!tpu.dma_semaphore, #tpu.memory_space<semaphore_mem>>) src(%arg18 : memref<72x128xf32, #tpu.memory_space<vmem>>) dst(%dma_wait3A_339 : memref<10112x128xf32, #tpu.memory_space<vmem_shared>>)
        %dma_start3A_340 = arith.constant 0 : i32
        %dma_start3A_341 = arith.constant 0 : i32
        %dma_start3A_342 = tpu.memref_slice %arg2[%dma_start3A_340, %dma_start3A_341] : memref<10000x128xf32, #tpu.memory_space<hbm>> -> memref<10000x128xf32, #tpu.memory_space<hbm>>
        tpu.enqueue_indirect_dma source(%dma_start3A_342 : memref<10000x128xf32, #tpu.memory_space<hbm>>) target(%arg18 : memref<72x128xf32, #tpu.memory_space<vmem>>) offsets(%arg8 : memref<72xi32, #tpu.memory_space<vmem>>) semaphore(%arg34 : memref<!tpu.dma_semaphore, #tpu.memory_space<semaphore_mem>>)
        %add3A_343 = arith.constant 5 : i32
        %add3A_344 = arith.addi %add3A_266, %add3A_343 : i32
        %dma_start3A_345 = arith.constant 0 : i32
        %dma_start3A_346 = tpu.memref_slice %arg4[%add3A, %add3A_344, %dma_start3A_345] : memref<32x145x72xi32, #tpu.memory_space<hbm>> -> memref<1x1x72xi32, #tpu.memory_space<hbm>>
        %dma_start3A_347 = tpu.memref_squeeze %dma_start3A_346 : memref<1x1x72xi32, #tpu.memory_space<hbm>> -> memref<72xi32, #tpu.memory_space<hbm>>
        %dma_start3A_348 = arith.constant 0 : i32
        %dma_start3A_349 = tpu.memref_slice %arg4[%add3A, %add3A_344, %dma_start3A_348] : memref<32x145x72xi32, #tpu.memory_space<hbm>> -> memref<1x1x72xi32, #tpu.memory_space<hbm>>
        %dma_start3A_350 = tpu.memref_squeeze %dma_start3A_349 : memref<1x1x72xi32, #tpu.memory_space<hbm>> -> memref<72xi32, #tpu.memory_space<hbm>>
        tpu.enqueue_dma source(%dma_start3A_350 : memref<72xi32, #tpu.memory_space<hbm>>) target(%arg13 : memref<72xi32, #tpu.memory_space<vmem>>) target_semaphore(%arg29 : memref<!tpu.dma_semaphore, #tpu.memory_space<semaphore_mem>>)
      } else {
      }
      %add3A_274 = arith.constant 5 : i32
      %add3A_275 = arith.addi %add3A_266, %add3A_274 : i32
      %ge3A_276 = arith.constant 145 : i32
      %ge3A_277 = arith.cmpi sge, %add3A_275, %ge3A_276 : i32
      %convert_element_type3A_278 = arith.extui %ge3A_277 : i1 to i32
      %cond3A_279 = arith.constant 0 : i32
      %cond3A_280 = arith.cmpi ne, %convert_element_type3A_278, %cond3A_279 : i32
      scf.if %cond3A_280 {
        %dma_wait3A_329 = arith.constant 0 : i32
        %dma_wait3A_330 = arith.constant 0 : i32
        %dma_wait3A_331 = tpu.memref_slice %arg22[%dma_wait3A_329, %dma_wait3A_330] : memref<10112x128xf32, #tpu.memory_space<vmem_shared>> -> memref<10112x128xf32, #tpu.memory_space<vmem_shared>>
        tpu.wait_indirect_dma semaphore(%arg39 : memref<!tpu.dma_semaphore, #tpu.memory_space<semaphore_mem>>) src(%arg18 : memref<72x128xf32, #tpu.memory_space<vmem>>) dst(%dma_wait3A_331 : memref<10112x128xf32, #tpu.memory_space<vmem_shared>>)
      } else {
      }
      %add3A_281 = arith.constant 2 : i32
      %add3A_282 = arith.addi %mul3A_147, %add3A_281 : i32
      %add3A_283 = arith.constant 5 : i32
      %add3A_284 = arith.addi %add3A_282, %add3A_283 : i32
      %lt3A_285 = arith.constant 145 : i32
      %lt3A_286 = arith.cmpi slt, %add3A_284, %lt3A_285 : i32
      %convert_element_type3A_287 = arith.extui %lt3A_286 : i1 to i32
      %cond3A_288 = arith.constant 0 : i32
      %cond3A_289 = arith.cmpi ne, %convert_element_type3A_287, %cond3A_288 : i32
      scf.if %cond3A_289 {
        %add3A_329 = arith.constant 5 : i32
        %add3A_330 = arith.addi %add3A_282, %add3A_329 : i32
        %dma_wait3A_331 = arith.constant 0 : i32
        %dma_wait3A_332 = tpu.memref_slice %arg3[%add3A, %add3A_330, %dma_wait3A_331] : memref<32x145x72xi32, #tpu.memory_space<hbm>> -> memref<1x1x72xi32, #tpu.memory_space<hbm>>
        %dma_wait3A_333 = tpu.memref_squeeze %dma_wait3A_332 : memref<1x1x72xi32, #tpu.memory_space<hbm>> -> memref<72xi32, #tpu.memory_space<hbm>>
        %dma_wait3A_334 = arith.constant 0 : i32
        %dma_wait3A_335 = tpu.memref_slice %arg3[%add3A, %add3A_330, %dma_wait3A_334] : memref<32x145x72xi32, #tpu.memory_space<hbm>> -> memref<1x1x72xi32, #tpu.memory_space<hbm>>
        %dma_wait3A_336 = tpu.memref_squeeze %dma_wait3A_335 : memref<1x1x72xi32, #tpu.memory_space<hbm>> -> memref<72xi32, #tpu.memory_space<hbm>>
        tpu.wait_dma2 semaphore(%arg25 : memref<!tpu.dma_semaphore, #tpu.memory_space<semaphore_mem>>) src(%dma_wait3A_336 : memref<72xi32, #tpu.memory_space<hbm>>) dst(%arg9 : memref<72xi32, #tpu.memory_space<vmem>>)
        %dma_wait3A_337 = arith.constant 0 : i32
        %dma_wait3A_338 = arith.constant 0 : i32
        %dma_wait3A_339 = tpu.memref_slice %arg22[%dma_wait3A_337, %dma_wait3A_338] : memref<10112x128xf32, #tpu.memory_space<vmem_shared>> -> memref<10112x128xf32, #tpu.memory_space<vmem_shared>>
        tpu.wait_indirect_dma semaphore(%arg40 : memref<!tpu.dma_semaphore, #tpu.memory_space<semaphore_mem>>) src(%arg19 : memref<72x128xf32, #tpu.memory_space<vmem>>) dst(%dma_wait3A_339 : memref<10112x128xf32, #tpu.memory_space<vmem_shared>>)
        %dma_start3A_340 = arith.constant 0 : i32
        %dma_start3A_341 = arith.constant 0 : i32
        %dma_start3A_342 = tpu.memref_slice %arg2[%dma_start3A_340, %dma_start3A_341] : memref<10000x128xf32, #tpu.memory_space<hbm>> -> memref<10000x128xf32, #tpu.memory_space<hbm>>
        tpu.enqueue_indirect_dma source(%dma_start3A_342 : memref<10000x128xf32, #tpu.memory_space<hbm>>) target(%arg19 : memref<72x128xf32, #tpu.memory_space<vmem>>) offsets(%arg9 : memref<72xi32, #tpu.memory_space<vmem>>) semaphore(%arg35 : memref<!tpu.dma_semaphore, #tpu.memory_space<semaphore_mem>>)
        %add3A_343 = arith.constant 5 : i32
        %add3A_344 = arith.addi %add3A_282, %add3A_343 : i32
        %dma_start3A_345 = arith.constant 0 : i32
        %dma_start3A_346 = tpu.memref_slice %arg4[%add3A, %add3A_344, %dma_start3A_345] : memref<32x145x72xi32, #tpu.memory_space<hbm>> -> memref<1x1x72xi32, #tpu.memory_space<hbm>>
        %dma_start3A_347 = tpu.memref_squeeze %dma_start3A_346 : memref<1x1x72xi32, #tpu.memory_space<hbm>> -> memref<72xi32, #tpu.memory_space<hbm>>
        %dma_start3A_348 = arith.constant 0 : i32
        %dma_start3A_349 = tpu.memref_slice %arg4[%add3A, %add3A_344, %dma_start3A_348] : memref<32x145x72xi32, #tpu.memory_space<hbm>> -> memref<1x1x72xi32, #tpu.memory_space<hbm>>
        %dma_start3A_350 = tpu.memref_squeeze %dma_start3A_349 : memref<1x1x72xi32, #tpu.memory_space<hbm>> -> memref<72xi32, #tpu.memory_space<hbm>>
        tpu.enqueue_dma source(%dma_start3A_350 : memref<72xi32, #tpu.memory_space<hbm>>) target(%arg14 : memref<72xi32, #tpu.memory_space<vmem>>) target_semaphore(%arg30 : memref<!tpu.dma_semaphore, #tpu.memory_space<semaphore_mem>>)
      } else {
      }
      %add3A_290 = arith.constant 5 : i32
      %add3A_291 = arith.addi %add3A_282, %add3A_290 : i32
      %ge3A_292 = arith.constant 145 : i32
      %ge3A_293 = arith.cmpi sge, %add3A_291, %ge3A_292 : i32
      %convert_element_type3A_294 = arith.extui %ge3A_293 : i1 to i32
      %cond3A_295 = arith.constant 0 : i32
      %cond3A_296 = arith.cmpi ne, %convert_element_type3A_294, %cond3A_295 : i32
      scf.if %cond3A_296 {
        %dma_wait3A_329 = arith.constant 0 : i32
        %dma_wait3A_330 = arith.constant 0 : i32
        %dma_wait3A_331 = tpu.memref_slice %arg22[%dma_wait3A_329, %dma_wait3A_330] : memref<10112x128xf32, #tpu.memory_space<vmem_shared>> -> memref<10112x128xf32, #tpu.memory_space<vmem_shared>>
        tpu.wait_indirect_dma semaphore(%arg40 : memref<!tpu.dma_semaphore, #tpu.memory_space<semaphore_mem>>) src(%arg19 : memref<72x128xf32, #tpu.memory_space<vmem>>) dst(%dma_wait3A_331 : memref<10112x128xf32, #tpu.memory_space<vmem_shared>>)
      } else {
      }
      %add3A_297 = arith.constant 3 : i32
      %add3A_298 = arith.addi %mul3A_147, %add3A_297 : i32
      %add3A_299 = arith.constant 5 : i32
      %add3A_300 = arith.addi %add3A_298, %add3A_299 : i32
      %lt3A_301 = arith.constant 145 : i32
      %lt3A_302 = arith.cmpi slt, %add3A_300, %lt3A_301 : i32
      %convert_element_type3A_303 = arith.extui %lt3A_302 : i1 to i32
      %cond3A_304 = arith.constant 0 : i32
      %cond3A_305 = arith.cmpi ne, %convert_element_type3A_303, %cond3A_304 : i32
      scf.if %cond3A_305 {
        %add3A_329 = arith.constant 5 : i32
        %add3A_330 = arith.addi %add3A_298, %add3A_329 : i32
        %dma_wait3A_331 = arith.constant 0 : i32
        %dma_wait3A_332 = tpu.memref_slice %arg3[%add3A, %add3A_330, %dma_wait3A_331] : memref<32x145x72xi32, #tpu.memory_space<hbm>> -> memref<1x1x72xi32, #tpu.memory_space<hbm>>
        %dma_wait3A_333 = tpu.memref_squeeze %dma_wait3A_332 : memref<1x1x72xi32, #tpu.memory_space<hbm>> -> memref<72xi32, #tpu.memory_space<hbm>>
        %dma_wait3A_334 = arith.constant 0 : i32
        %dma_wait3A_335 = tpu.memref_slice %arg3[%add3A, %add3A_330, %dma_wait3A_334] : memref<32x145x72xi32, #tpu.memory_space<hbm>> -> memref<1x1x72xi32, #tpu.memory_space<hbm>>
        %dma_wait3A_336 = tpu.memref_squeeze %dma_wait3A_335 : memref<1x1x72xi32, #tpu.memory_space<hbm>> -> memref<72xi32, #tpu.memory_space<hbm>>
        tpu.wait_dma2 semaphore(%arg26 : memref<!tpu.dma_semaphore, #tpu.memory_space<semaphore_mem>>) src(%dma_wait3A_336 : memref<72xi32, #tpu.memory_space<hbm>>) dst(%arg10 : memref<72xi32, #tpu.memory_space<vmem>>)
        %dma_wait3A_337 = arith.constant 0 : i32
        %dma_wait3A_338 = arith.constant 0 : i32
        %dma_wait3A_339 = tpu.memref_slice %arg22[%dma_wait3A_337, %dma_wait3A_338] : memref<10112x128xf32, #tpu.memory_space<vmem_shared>> -> memref<10112x128xf32, #tpu.memory_space<vmem_shared>>
        tpu.wait_indirect_dma semaphore(%arg41 : memref<!tpu.dma_semaphore, #tpu.memory_space<semaphore_mem>>) src(%arg20 : memref<72x128xf32, #tpu.memory_space<vmem>>) dst(%dma_wait3A_339 : memref<10112x128xf32, #tpu.memory_space<vmem_shared>>)
        %dma_start3A_340 = arith.constant 0 : i32
        %dma_start3A_341 = arith.constant 0 : i32
        %dma_start3A_342 = tpu.memref_slice %arg2[%dma_start3A_340, %dma_start3A_341] : memref<10000x128xf32, #tpu.memory_space<hbm>> -> memref<10000x128xf32, #tpu.memory_space<hbm>>
        tpu.enqueue_indirect_dma source(%dma_start3A_342 : memref<10000x128xf32, #tpu.memory_space<hbm>>) target(%arg20 : memref<72x128xf32, #tpu.memory_space<vmem>>) offsets(%arg10 : memref<72xi32, #tpu.memory_space<vmem>>) semaphore(%arg36 : memref<!tpu.dma_semaphore, #tpu.memory_space<semaphore_mem>>)
        %add3A_343 = arith.constant 5 : i32
        %add3A_344 = arith.addi %add3A_298, %add3A_343 : i32
        %dma_start3A_345 = arith.constant 0 : i32
        %dma_start3A_346 = tpu.memref_slice %arg4[%add3A, %add3A_344, %dma_start3A_345] : memref<32x145x72xi32, #tpu.memory_space<hbm>> -> memref<1x1x72xi32, #tpu.memory_space<hbm>>
        %dma_start3A_347 = tpu.memref_squeeze %dma_start3A_346 : memref<1x1x72xi32, #tpu.memory_space<hbm>> -> memref<72xi32, #tpu.memory_space<hbm>>
        %dma_start3A_348 = arith.constant 0 : i32
        %dma_start3A_349 = tpu.memref_slice %arg4[%add3A, %add3A_344, %dma_start3A_348] : memref<32x145x72xi32, #tpu.memory_space<hbm>> -> memref<1x1x72xi32, #tpu.memory_space<hbm>>
        %dma_start3A_350 = tpu.memref_squeeze %dma_start3A_349 : memref<1x1x72xi32, #tpu.memory_space<hbm>> -> memref<72xi32, #tpu.memory_space<hbm>>
        tpu.enqueue_dma source(%dma_start3A_350 : memref<72xi32, #tpu.memory_space<hbm>>) target(%arg15 : memref<72xi32, #tpu.memory_space<vmem>>) target_semaphore(%arg31 : memref<!tpu.dma_semaphore, #tpu.memory_space<semaphore_mem>>)
      } else {
      }
      %add3A_306 = arith.constant 5 : i32
      %add3A_307 = arith.addi %add3A_298, %add3A_306 : i32
      %ge3A_308 = arith.constant 145 : i32
      %ge3A_309 = arith.cmpi sge, %add3A_307, %ge3A_308 : i32
      %convert_element_type3A_310 = arith.extui %ge3A_309 : i1 to i32
      %cond3A_311 = arith.constant 0 : i32
      %cond3A_312 = arith.cmpi ne, %convert_element_type3A_310, %cond3A_311 : i32
      scf.if %cond3A_312 {
        %dma_wait3A_329 = arith.constant 0 : i32
        %dma_wait3A_330 = arith.constant 0 : i32
        %dma_wait3A_331 = tpu.memref_slice %arg22[%dma_wait3A_329, %dma_wait3A_330] : memref<10112x128xf32, #tpu.memory_space<vmem_shared>> -> memref<10112x128xf32, #tpu.memory_space<vmem_shared>>
        tpu.wait_indirect_dma semaphore(%arg41 : memref<!tpu.dma_semaphore, #tpu.memory_space<semaphore_mem>>) src(%arg20 : memref<72x128xf32, #tpu.memory_space<vmem>>) dst(%dma_wait3A_331 : memref<10112x128xf32, #tpu.memory_space<vmem_shared>>)
      } else {
      }
      %add3A_313 = arith.constant 4 : i32
      %add3A_314 = arith.addi %mul3A_147, %add3A_313 : i32
      %add3A_315 = arith.constant 5 : i32
      %add3A_316 = arith.addi %add3A_314, %add3A_315 : i32
      %lt3A_317 = arith.constant 145 : i32
      %lt3A_318 = arith.cmpi slt, %add3A_316, %lt3A_317 : i32
      %convert_element_type3A_319 = arith.extui %lt3A_318 : i1 to i32
      %cond3A_320 = arith.constant 0 : i32
      %cond3A_321 = arith.cmpi ne, %convert_element_type3A_319, %cond3A_320 : i32
      scf.if %cond3A_321 {
        %add3A_329 = arith.constant 5 : i32
        %add3A_330 = arith.addi %add3A_314, %add3A_329 : i32
        %dma_wait3A_331 = arith.constant 0 : i32
        %dma_wait3A_332 = tpu.memref_slice %arg3[%add3A, %add3A_330, %dma_wait3A_331] : memref<32x145x72xi32, #tpu.memory_space<hbm>> -> memref<1x1x72xi32, #tpu.memory_space<hbm>>
        %dma_wait3A_333 = tpu.memref_squeeze %dma_wait3A_332 : memref<1x1x72xi32, #tpu.memory_space<hbm>> -> memref<72xi32, #tpu.memory_space<hbm>>
        %dma_wait3A_334 = arith.constant 0 : i32
        %dma_wait3A_335 = tpu.memref_slice %arg3[%add3A, %add3A_330, %dma_wait3A_334] : memref<32x145x72xi32, #tpu.memory_space<hbm>> -> memref<1x1x72xi32, #tpu.memory_space<hbm>>
        %dma_wait3A_336 = tpu.memref_squeeze %dma_wait3A_335 : memref<1x1x72xi32, #tpu.memory_space<hbm>> -> memref<72xi32, #tpu.memory_space<hbm>>
        tpu.wait_dma2 semaphore(%arg27 : memref<!tpu.dma_semaphore, #tpu.memory_space<semaphore_mem>>) src(%dma_wait3A_336 : memref<72xi32, #tpu.memory_space<hbm>>) dst(%arg11 : memref<72xi32, #tpu.memory_space<vmem>>)
        %dma_wait3A_337 = arith.constant 0 : i32
        %dma_wait3A_338 = arith.constant 0 : i32
        %dma_wait3A_339 = tpu.memref_slice %arg22[%dma_wait3A_337, %dma_wait3A_338] : memref<10112x128xf32, #tpu.memory_space<vmem_shared>> -> memref<10112x128xf32, #tpu.memory_space<vmem_shared>>
        tpu.wait_indirect_dma semaphore(%arg42 : memref<!tpu.dma_semaphore, #tpu.memory_space<semaphore_mem>>) src(%arg21 : memref<72x128xf32, #tpu.memory_space<vmem>>) dst(%dma_wait3A_339 : memref<10112x128xf32, #tpu.memory_space<vmem_shared>>)
        %dma_start3A_340 = arith.constant 0 : i32
        %dma_start3A_341 = arith.constant 0 : i32
        %dma_start3A_342 = tpu.memref_slice %arg2[%dma_start3A_340, %dma_start3A_341] : memref<10000x128xf32, #tpu.memory_space<hbm>> -> memref<10000x128xf32, #tpu.memory_space<hbm>>
        tpu.enqueue_indirect_dma source(%dma_start3A_342 : memref<10000x128xf32, #tpu.memory_space<hbm>>) target(%arg21 : memref<72x128xf32, #tpu.memory_space<vmem>>) offsets(%arg11 : memref<72xi32, #tpu.memory_space<vmem>>) semaphore(%arg37 : memref<!tpu.dma_semaphore, #tpu.memory_space<semaphore_mem>>)
        %add3A_343 = arith.constant 5 : i32
        %add3A_344 = arith.addi %add3A_314, %add3A_343 : i32
        %dma_start3A_345 = arith.constant 0 : i32
        %dma_start3A_346 = tpu.memref_slice %arg4[%add3A, %add3A_344, %dma_start3A_345] : memref<32x145x72xi32, #tpu.memory_space<hbm>> -> memref<1x1x72xi32, #tpu.memory_space<hbm>>
        %dma_start3A_347 = tpu.memref_squeeze %dma_start3A_346 : memref<1x1x72xi32, #tpu.memory_space<hbm>> -> memref<72xi32, #tpu.memory_space<hbm>>
        %dma_start3A_348 = arith.constant 0 : i32
        %dma_start3A_349 = tpu.memref_slice %arg4[%add3A, %add3A_344, %dma_start3A_348] : memref<32x145x72xi32, #tpu.memory_space<hbm>> -> memref<1x1x72xi32, #tpu.memory_space<hbm>>
        %dma_start3A_350 = tpu.memref_squeeze %dma_start3A_349 : memref<1x1x72xi32, #tpu.memory_space<hbm>> -> memref<72xi32, #tpu.memory_space<hbm>>
        tpu.enqueue_dma source(%dma_start3A_350 : memref<72xi32, #tpu.memory_space<hbm>>) target(%arg16 : memref<72xi32, #tpu.memory_space<vmem>>) target_semaphore(%arg32 : memref<!tpu.dma_semaphore, #tpu.memory_space<semaphore_mem>>)
      } else {
      }
      %add3A_322 = arith.constant 5 : i32
      %add3A_323 = arith.addi %add3A_314, %add3A_322 : i32
      %ge3A_324 = arith.constant 145 : i32
      %ge3A_325 = arith.cmpi sge, %add3A_323, %ge3A_324 : i32
      %convert_element_type3A_326 = arith.extui %ge3A_325 : i1 to i32
      %cond3A_327 = arith.constant 0 : i32
      %cond3A_328 = arith.cmpi ne, %convert_element_type3A_326, %cond3A_327 : i32
      scf.if %cond3A_328 {
        %dma_wait3A_329 = arith.constant 0 : i32
        %dma_wait3A_330 = arith.constant 0 : i32
        %dma_wait3A_331 = tpu.memref_slice %arg22[%dma_wait3A_329, %dma_wait3A_330] : memref<10112x128xf32, #tpu.memory_space<vmem_shared>> -> memref<10112x128xf32, #tpu.memory_space<vmem_shared>>
        tpu.wait_indirect_dma semaphore(%arg42 : memref<!tpu.dma_semaphore, #tpu.memory_space<semaphore_mem>>) src(%arg21 : memref<72x128xf32, #tpu.memory_space<vmem>>) dst(%dma_wait3A_331 : memref<10112x128xf32, #tpu.memory_space<vmem_shared>>)
      } else {
      }
    }
    %scan3A_143 = arith.constant 29 : i32
    %barrier3A_144 = arith.constant 0 : index
    tpu.barrier barrier_id(%barrier3A_144)
    "tpu.region"() ({
      %run_scoped3A = tpu.sem_alloc : memref<!tpu.dma_semaphore, #tpu.memory_space<semaphore_mem>>
      %dma_start3A_145 = arith.constant 0 : i32
      %dma_start3A_146 = tpu.memref_slice %arg6[%arg0, %mul3A_2, %dma_start3A_145] : memref<2x10112x128xf32, #tpu.memory_space<hbm>> -> memref<1x632x128xf32, #tpu.memory_space<hbm>>
      %dma_start3A_147 = tpu.memref_squeeze %dma_start3A_146 : memref<1x632x128xf32, #tpu.memory_space<hbm>> -> memref<632x128xf32, #tpu.memory_space<hbm>>
      %dma_start3A_148 = arith.constant 0 : i32
      %dma_start3A_149 = tpu.memref_slice %arg22[%mul3A_2, %dma_start3A_148] : memref<10112x128xf32, #tpu.memory_space<vmem_shared>> -> memref<632x128xf32, #tpu.memory_space<vmem_shared>>
      tpu.enqueue_dma source(%dma_start3A_149 : memref<632x128xf32, #tpu.memory_space<vmem_shared>>) target(%dma_start3A_147 : memref<632x128xf32, #tpu.memory_space<hbm>>) target_semaphore(%run_scoped3A : memref<!tpu.dma_semaphore, #tpu.memory_space<semaphore_mem>>)
      %dma_wait3A_150 = arith.constant 0 : i32
      %dma_wait3A_151 = tpu.memref_slice %arg6[%arg0, %mul3A_2, %dma_wait3A_150] : memref<2x10112x128xf32, #tpu.memory_space<hbm>> -> memref<1x632x128xf32, #tpu.memory_space<hbm>>
      %dma_wait3A_152 = tpu.memref_squeeze %dma_wait3A_151 : memref<1x632x128xf32, #tpu.memory_space<hbm>> -> memref<632x128xf32, #tpu.memory_space<hbm>>
      %dma_wait3A_153 = arith.constant 0 : i32
      %dma_wait3A_154 = tpu.memref_slice %arg22[%mul3A_2, %dma_wait3A_153] : memref<10112x128xf32, #tpu.memory_space<vmem_shared>> -> memref<632x128xf32, #tpu.memory_space<vmem_shared>>
      tpu.wait_dma2 semaphore(%run_scoped3A : memref<!tpu.dma_semaphore, #tpu.memory_space<semaphore_mem>>) src(%dma_wait3A_154 : memref<632x128xf32, #tpu.memory_space<vmem_shared>>) dst(%dma_wait3A_152 : memref<632x128xf32, #tpu.memory_space<hbm>>)
      tpu.yield
    }) : () -> ()
    return
  }
}

module attributes {stable_mosaic.version = 14 : i64} {
  func.func @_mlp_body(%arg0: i32, %arg1: memref<1000x128xf32, #tpu.memory_space<vmem>>, %arg2: memref<2x1000x128xf32, #tpu.memory_space<vmem>>, %arg3: memref<128x128xf32, #tpu.memory_space<vmem>>, %arg4: memref<1x128xf32, #tpu.memory_space<vmem>>, %arg5: memref<128x128xf32, #tpu.memory_space<vmem>>, %arg6: memref<1x128xf32, #tpu.memory_space<vmem>>, %arg7: memref<1000x128xf32, #tpu.memory_space<vmem>>) attributes {dimension_semantics = [#tpu.dimension_semantics<arbitrary>], iteration_bounds = array<i64: 10>, scalar_prefetch = 0 : i64, scratch_operands = 0 : i64, tpu.core_type = #tpu.core_type<tc>, window_params = [{transform_indices = @transform_0, window_bounds = array<i64: 1000, 128>}, {transform_indices = @transform_1, window_bounds = array<i64: 2, 1000, 128>}, {pipeline_mode = #tpu.pipeline_mode<synchronous>, transform_indices = @transform_2, window_bounds = array<i64: 128, 128>}, {pipeline_mode = #tpu.pipeline_mode<synchronous>, transform_indices = @transform_3, window_bounds = array<i64: 1, 128>}, {pipeline_mode = #tpu.pipeline_mode<synchronous>, transform_indices = @transform_4, window_bounds = array<i64: 128, 128>}, {pipeline_mode = #tpu.pipeline_mode<synchronous>, transform_indices = @transform_5, window_bounds = array<i64: 1, 128>}, {transform_indices = @transform_6, window_bounds = array<i64: 1000, 128>}]} {
    %get3A = arith.constant 0 : index
    %get3A_0 = arith.constant 0 : index
    %get3A_1 = vector.load %arg1[%get3A, %get3A_0] : memref<1000x128xf32, #tpu.memory_space<vmem>>, vector<1000x128xf32>
    %get3A_2 = arith.constant 0 : index
    %get3A_3 = arith.constant 0 : index
    %get3A_4 = arith.constant 0 : index
    %get3A_5 = vector.load %arg2[%get3A_2, %get3A_3, %get3A_4] : memref<2x1000x128xf32, #tpu.memory_space<vmem>>, vector<1x1000x128xf32>
    %get3A_6 = vector.shape_cast %get3A_5 : vector<1x1000x128xf32> to vector<1000x128xf32>
    %add3A = arith.addf %get3A_1, %get3A_6 : vector<1000x128xf32>
    %get3A_7 = arith.constant 1 : index
    %get3A_8 = arith.constant 0 : index
    %get3A_9 = arith.constant 0 : index
    %get3A_10 = vector.load %arg2[%get3A_7, %get3A_8, %get3A_9] : memref<2x1000x128xf32, #tpu.memory_space<vmem>>, vector<1x1000x128xf32>
    %get3A_11 = vector.shape_cast %get3A_10 : vector<1x1000x128xf32> to vector<1000x128xf32>
    %add3A_12 = arith.addf %add3A, %get3A_11 : vector<1000x128xf32>
    %get3A_13 = arith.constant 0 : index
    %get3A_14 = arith.constant 0 : index
    %get3A_15 = vector.load %arg3[%get3A_13, %get3A_14] : memref<128x128xf32, #tpu.memory_space<vmem>>, vector<128x128xf32>
    %dot_general3A = arith.constant dense<0.000000e+00> : vector<1000x128xf32>
    %dot_general3A_16 = tpu.matmul %add3A_12, %get3A_15, %dot_general3A {dimension_numbers = #tpu.dot_dimension_numbers<[1], [0], [0], [1], [0, 0, 1, 1], [], []>, transpose_lhs_hint = false} : vector<1000x128xf32>, vector<128x128xf32>, vector<1000x128xf32> -> vector<1000x128xf32>
    %get3A_17 = arith.constant 0 : index
    %get3A_18 = arith.constant 0 : index
    %get3A_19 = vector.load %arg4[%get3A_17, %get3A_18] : memref<1x128xf32, #tpu.memory_space<vmem>>, vector<1x128xf32>
    %add3A_20 = vector.broadcast %get3A_19 : vector<1x128xf32> to vector<1000x128xf32>
    %add3A_21 = arith.addf %dot_general3A_16, %add3A_20 : vector<1000x128xf32>
    %max3A = arith.constant 0.000000e+00 : f32
    %max3A_22 = vector.broadcast %max3A : f32 to vector<1000x128xf32>
    %max3A_23 = arith.maximumf %add3A_21, %max3A_22 : vector<1000x128xf32>
    %get3A_24 = arith.constant 0 : index
    %get3A_25 = arith.constant 0 : index
    %get3A_26 = vector.load %arg5[%get3A_24, %get3A_25] : memref<128x128xf32, #tpu.memory_space<vmem>>, vector<128x128xf32>
    %dot_general3A_27 = arith.constant dense<0.000000e+00> : vector<1000x128xf32>
    %dot_general3A_28 = tpu.matmul %max3A_23, %get3A_26, %dot_general3A_27 {dimension_numbers = #tpu.dot_dimension_numbers<[1], [0], [0], [1], [0, 0, 1, 1], [], []>, transpose_lhs_hint = false} : vector<1000x128xf32>, vector<128x128xf32>, vector<1000x128xf32> -> vector<1000x128xf32>
    %get3A_29 = arith.constant 0 : index
    %get3A_30 = arith.constant 0 : index
    %get3A_31 = vector.load %arg6[%get3A_29, %get3A_30] : memref<1x128xf32, #tpu.memory_space<vmem>>, vector<1x128xf32>
    %add3A_32 = vector.broadcast %get3A_31 : vector<1x128xf32> to vector<1000x128xf32>
    %add3A_33 = arith.addf %dot_general3A_28, %add3A_32 : vector<1000x128xf32>
    %max3A_34 = arith.constant 0.000000e+00 : f32
    %max3A_35 = vector.broadcast %max3A_34 : f32 to vector<1000x128xf32>
    %max3A_36 = arith.maximumf %add3A_33, %max3A_35 : vector<1000x128xf32>
    %swap3A = arith.constant 0 : index
    %swap3A_37 = arith.constant 0 : index
    %swap3A_38 = vector.load %arg7[%swap3A, %swap3A_37] : memref<1000x128xf32, #tpu.memory_space<vmem>>, vector<1000x128xf32>
    tpu.vector_store %arg7[%swap3A, %swap3A_37], %max3A_36 {strides = array<i32>} : memref<1000x128xf32, #tpu.memory_space<vmem>>, vector<1000x128xf32>,
    return
  }
  func.func @transform_0(%arg0: i32) -> (i32, i32) {
    %c0_i32 = arith.constant 0 : i32
    %c0_i32_0 = arith.constant 0 : i32
    return %arg0, %c0_i32 : i32, i32
  }
  func.func @transform_1(%arg0: i32) -> (i32, i32, i32) {
    %c0_i32 = arith.constant 0 : i32
    %c0_i32_0 = arith.constant 0 : i32
    %c0_i32_1 = arith.constant 0 : i32
    return %c0_i32, %arg0, %c0_i32_0 : i32, i32, i32
  }
  func.func @transform_2(%arg0: i32) -> (i32, i32) {
    %c0_i32 = arith.constant 0 : i32
    %c0_i32_0 = arith.constant 0 : i32
    %c0_i32_1 = arith.constant 0 : i32
    return %c0_i32, %c0_i32_0 : i32, i32
  }
  func.func @transform_3(%arg0: i32) -> (i32, i32) {
    %c0_i32 = arith.constant 0 : i32
    %c0_i32_0 = arith.constant 0 : i32
    %c0_i32_1 = arith.constant 0 : i32
    return %c0_i32, %c0_i32_0 : i32, i32
  }
  func.func @transform_4(%arg0: i32) -> (i32, i32) {
    %c0_i32 = arith.constant 0 : i32
    %c0_i32_0 = arith.constant 0 : i32
    %c0_i32_1 = arith.constant 0 : i32
    return %c0_i32, %c0_i32_0 : i32, i32
  }
  func.func @transform_5(%arg0: i32) -> (i32, i32) {
    %c0_i32 = arith.constant 0 : i32
    %c0_i32_0 = arith.constant 0 : i32
    %c0_i32_1 = arith.constant 0 : i32
    return %c0_i32, %c0_i32_0 : i32, i32
  }
  func.func @transform_6(%arg0: i32) -> (i32, i32) {
    %c0_i32 = arith.constant 0 : i32
    %c0_i32_0 = arith.constant 0 : i32
    return %arg0, %c0_i32 : i32, i32
  }
}

module attributes {stable_mosaic.version = 14 : i64} {
  func.func @_mlp_body(%arg0: i32, %arg1: memref<1000x128xf32, #tpu.memory_space<vmem>>, %arg2: memref<2x1000x128xf32, #tpu.memory_space<vmem>>, %arg3: memref<128x128xf32, #tpu.memory_space<vmem>>, %arg4: memref<1x128xf32, #tpu.memory_space<vmem>>, %arg5: memref<128x128xf32, #tpu.memory_space<vmem>>, %arg6: memref<1x128xf32, #tpu.memory_space<vmem>>, %arg7: memref<1000x128xf32, #tpu.memory_space<vmem>>) attributes {dimension_semantics = [#tpu.dimension_semantics<arbitrary>], iteration_bounds = array<i64: 10>, scalar_prefetch = 0 : i64, scratch_operands = 0 : i64, tpu.core_type = #tpu.core_type<tc>, window_params = [{transform_indices = @transform_0, window_bounds = array<i64: 1000, 128>}, {transform_indices = @transform_1, window_bounds = array<i64: 2, 1000, 128>}, {pipeline_mode = #tpu.pipeline_mode<synchronous>, transform_indices = @transform_2, window_bounds = array<i64: 128, 128>}, {pipeline_mode = #tpu.pipeline_mode<synchronous>, transform_indices = @transform_3, window_bounds = array<i64: 1, 128>}, {pipeline_mode = #tpu.pipeline_mode<synchronous>, transform_indices = @transform_4, window_bounds = array<i64: 128, 128>}, {pipeline_mode = #tpu.pipeline_mode<synchronous>, transform_indices = @transform_5, window_bounds = array<i64: 1, 128>}, {transform_indices = @transform_6, window_bounds = array<i64: 1000, 128>}]} {
    %get3A = arith.constant 0 : index
    %get3A_0 = arith.constant 0 : index
    %get3A_1 = vector.load %arg1[%get3A, %get3A_0] : memref<1000x128xf32, #tpu.memory_space<vmem>>, vector<1000x128xf32>
    %get3A_2 = arith.constant 0 : index
    %get3A_3 = arith.constant 0 : index
    %get3A_4 = arith.constant 0 : index
    %get3A_5 = vector.load %arg2[%get3A_2, %get3A_3, %get3A_4] : memref<2x1000x128xf32, #tpu.memory_space<vmem>>, vector<1x1000x128xf32>
    %get3A_6 = vector.shape_cast %get3A_5 : vector<1x1000x128xf32> to vector<1000x128xf32>
    %add3A = arith.addf %get3A_1, %get3A_6 : vector<1000x128xf32>
    %get3A_7 = arith.constant 1 : index
    %get3A_8 = arith.constant 0 : index
    %get3A_9 = arith.constant 0 : index
    %get3A_10 = vector.load %arg2[%get3A_7, %get3A_8, %get3A_9] : memref<2x1000x128xf32, #tpu.memory_space<vmem>>, vector<1x1000x128xf32>
    %get3A_11 = vector.shape_cast %get3A_10 : vector<1x1000x128xf32> to vector<1000x128xf32>
    %add3A_12 = arith.addf %add3A, %get3A_11 : vector<1000x128xf32>
    %get3A_13 = arith.constant 0 : index
    %get3A_14 = arith.constant 0 : index
    %get3A_15 = vector.load %arg3[%get3A_13, %get3A_14] : memref<128x128xf32, #tpu.memory_space<vmem>>, vector<128x128xf32>
    %dot_general3A = arith.constant dense<0.000000e+00> : vector<1000x128xf32>
    %dot_general3A_16 = tpu.matmul %add3A_12, %get3A_15, %dot_general3A {dimension_numbers = #tpu.dot_dimension_numbers<[1], [0], [0], [1], [0, 0, 1, 1], [], []>, transpose_lhs_hint = false} : vector<1000x128xf32>, vector<128x128xf32>, vector<1000x128xf32> -> vector<1000x128xf32>
    %get3A_17 = arith.constant 0 : index
    %get3A_18 = arith.constant 0 : index
    %get3A_19 = vector.load %arg4[%get3A_17, %get3A_18] : memref<1x128xf32, #tpu.memory_space<vmem>>, vector<1x128xf32>
    %add3A_20 = vector.broadcast %get3A_19 : vector<1x128xf32> to vector<1000x128xf32>
    %add3A_21 = arith.addf %dot_general3A_16, %add3A_20 : vector<1000x128xf32>
    %max3A = arith.constant 0.000000e+00 : f32
    %max3A_22 = vector.broadcast %max3A : f32 to vector<1000x128xf32>
    %max3A_23 = arith.maximumf %add3A_21, %max3A_22 : vector<1000x128xf32>
    %get3A_24 = arith.constant 0 : index
    %get3A_25 = arith.constant 0 : index
    %get3A_26 = vector.load %arg5[%get3A_24, %get3A_25] : memref<128x128xf32, #tpu.memory_space<vmem>>, vector<128x128xf32>
    %dot_general3A_27 = arith.constant dense<0.000000e+00> : vector<1000x128xf32>
    %dot_general3A_28 = tpu.matmul %max3A_23, %get3A_26, %dot_general3A_27 {dimension_numbers = #tpu.dot_dimension_numbers<[1], [0], [0], [1], [0, 0, 1, 1], [], []>, transpose_lhs_hint = false} : vector<1000x128xf32>, vector<128x128xf32>, vector<1000x128xf32> -> vector<1000x128xf32>
    %get3A_29 = arith.constant 0 : index
    %get3A_30 = arith.constant 0 : index
    %get3A_31 = vector.load %arg6[%get3A_29, %get3A_30] : memref<1x128xf32, #tpu.memory_space<vmem>>, vector<1x128xf32>
    %add3A_32 = vector.broadcast %get3A_31 : vector<1x128xf32> to vector<1000x128xf32>
    %add3A_33 = arith.addf %dot_general3A_28, %add3A_32 : vector<1000x128xf32>
    %max3A_34 = arith.constant 0.000000e+00 : f32
    %max3A_35 = vector.broadcast %max3A_34 : f32 to vector<1000x128xf32>
    %max3A_36 = arith.maximumf %add3A_33, %max3A_35 : vector<1000x128xf32>
    %swap3A = arith.constant 0 : index
    %swap3A_37 = arith.constant 0 : index
    %swap3A_38 = vector.load %arg7[%swap3A, %swap3A_37] : memref<1000x128xf32, #tpu.memory_space<vmem>>, vector<1000x128xf32>
    tpu.vector_store %arg7[%swap3A, %swap3A_37], %max3A_36 {strides = array<i32>} : memref<1000x128xf32, #tpu.memory_space<vmem>>, vector<1000x128xf32>,
    return
  }
  func.func @transform_0(%arg0: i32) -> (i32, i32) {
    %c0_i32 = arith.constant 0 : i32
    %c0_i32_0 = arith.constant 0 : i32
    return %arg0, %c0_i32 : i32, i32
  }
  func.func @transform_1(%arg0: i32) -> (i32, i32, i32) {
    %c0_i32 = arith.constant 0 : i32
    %c0_i32_0 = arith.constant 0 : i32
    %c0_i32_1 = arith.constant 0 : i32
    return %c0_i32, %arg0, %c0_i32_0 : i32, i32, i32
  }
  func.func @transform_2(%arg0: i32) -> (i32, i32) {
    %c0_i32 = arith.constant 0 : i32
    %c0_i32_0 = arith.constant 0 : i32
    %c0_i32_1 = arith.constant 0 : i32
    return %c0_i32, %c0_i32_0 : i32, i32
  }
  func.func @transform_3(%arg0: i32) -> (i32, i32) {
    %c0_i32 = arith.constant 0 : i32
    %c0_i32_0 = arith.constant 0 : i32
    %c0_i32_1 = arith.constant 0 : i32
    return %c0_i32, %c0_i32_0 : i32, i32
  }
  func.func @transform_4(%arg0: i32) -> (i32, i32) {
    %c0_i32 = arith.constant 0 : i32
    %c0_i32_0 = arith.constant 0 : i32
    %c0_i32_1 = arith.constant 0 : i32
    return %c0_i32, %c0_i32_0 : i32, i32
  }
  func.func @transform_5(%arg0: i32) -> (i32, i32) {
    %c0_i32 = arith.constant 0 : i32
    %c0_i32_0 = arith.constant 0 : i32
    %c0_i32_1 = arith.constant 0 : i32
    return %c0_i32, %c0_i32_0 : i32, i32
  }
  func.func @transform_6(%arg0: i32) -> (i32, i32) {
    %c0_i32 = arith.constant 0 : i32
    %c0_i32_0 = arith.constant 0 : i32
    return %arg0, %c0_i32 : i32, i32
  }
}

</mosaic_0001>

<sc_bundles>
// kernel: kernel.6.cloned.1.call-start
scs
__scs_entry_jumppad:
0x0: {  	(pc) =	sbr.rel $0x88, $3  }
0x1: {  	(tag) =	ssettag $0x0;
	lr =	simm.s32 $0x1  }
0x2: {  	[smem:$0x3F97] =	sst lr;
	_ =	strace $0xD0000000  }
0x3: {  	_ = 	snop  }
0x4: {  	_ = 	snop  }
0x5: {  	_ = 	snop  }
0x6: {  	_ = 	snop  }
0x7: {  	_ = 	snop  }
__scs_overlays_trampoline_lowered:
0x8: {  	[smem:$0x3FA6] =	sst s0  }
0x9: {  	[smem:$0x3FA7] =	sst s1  }
0xa: {  	[smem:$0x3FA8] =	sst s2  }
0xb: {  	[smem:$0x3FA9] =	sst s3  }
0xc: {  	[smem:$0x3FAA] =	sst s4  }
0xd: {  	[smem:$0x3FAB] =	sst s5  }
0xe: {  	[smem:$0x3FAC] =	sst s6  }
0xf: {  	[smem:$0x3FAD] =	sst s7  }
0x10: {  	[smem:$0x3FAE] =	sst s8  }
0x11: {  	[smem:$0x3FAF] =	sst s9;
	s0 =	simm.s32 @!p0 $0x0  }
0x12: {  	s1 =	sld [smem:$0x3F95];
	s0 =	simm.s32 @p0 $0x1  }
0x13: {  	[smem:$0x3FB0] =	sst s0;
	s0 =	simm.s32 @!p1 $0x0  }
0x14: {  	s2 =	sld [smem:$0x3F94];
	s0 =	simm.s32 @p1 $0x1  }
0x15: {  	[smem:$0x3FB1] =	sst s0;
	s0 =	simm.s32 @!p2 $0x0  }
0x16: {  	s3 =	sld [smem:$0x3FDB];
	s0 =	simm.s32 @p2 $0x1  }
0x17: {  	s4 =	simm.s32 $0x1BF5;
	[smem:$0x3FB3] =	sst s0  }
0x18: {  	s0 =	sld [smem:$0x3F96];
	_ =	swait.ge [sflag:s4], $0x0  }
0x19: {  	s7 =	sld [smem:$0x3F97]  }
0x1a: {  	s8 =	sadd.s32 $0xFFFFE003, lr  }
0x1b: {  	s9 =	sadd.s32 $0xFFFFFEF7, lr;
	s5 =	simm.s32 $0xFFFFFFFF;
	p2 =	slt.u32 s8, $0xFFFFF086  }
0x1c: {  	p1 =	slt.u32 s9, $0xF7A;
	s5 =	simm.s32 @!p2 $0x0  }
0x1d: {  	s5 =	simm.s32 @p1 $0x1;
	p0 =	seq.s32 s7, s2  }
0x1e: {  	s7 =	smul.u32 @!p0 $0xF7A, s2;
	p2 =	seq.s32 @!p0 s5, $0x0  }
0x1f: {  	s9 =	smul.u32 $0xF7A, s1;
	s8 =	simm.s32 @!p0 $0x1BF5;
	p2 =	por !p2, p0  }
0x20: {  	[sflag:s8] =	ssyncset.s32 @!p0 $0xFFFFF086;
	s6 =	sadd.s32 @!p0 s3, s7;
	s7 =	simm.s32 @!p0 $0x108  }
0x21: {  	s3 =	sadd.s32 s3, s9;
	s6 =	sadd.s32 @!p0 $0x88, s6;
	s7 =	simm.s32 @p2 $0x1082  }
0x22: {  	[simem:s7], [sflag:s8] =	dma.local @!p0 [hbm:s6], $0xF7A  }
0x23: {  	s9 =	sor.u32 $0xD0000000, s2;
	s6 =	simm.s32 $0x108;
	_ =	swait.ge @!p0 [sflag:s8], $0x0  }
0x24: {  	s3 =	sadd.s32 $0x88, s3;
	s6 =	simm.s32 @!p1 $0x1082;
	[sflag:s4] =	ssyncset.s32 $0xFFFFF086  }
0x25: {  	[simem:s6], [sflag:s4] =	dma.local [hbm:s3], $0xF7A  }
0x26: {  	[smem:$0x3F97] =	sst s1;
	(tag) =	ssettag s2;
	_ =	strace s9  }
0x27: {  	s1 =	sld [smem:$0x3FA7]  }
0x28: {  	s2 =	sld [smem:$0x3FA8]  }
0x29: {  	s4 =	sld [smem:$0x3FAA]  }
0x2a: {  	p0 =	seq.s32 s5, $0x0;
	s5 =	sld [smem:$0x3FAB]  }
0x2b: {  	s6 =	sld [smem:$0x3FAC]  }
0x2c: {  	s7 =	sld [smem:$0x3FAD]  }
0x2d: {  	s3 =	simm.s32 $0x108;
	s8 =	sld [smem:$0x3FAE]  }
0x2e: {  	s3 =	simm.s32 @!p0 $0x1082;
	s9 =	sld [smem:$0x3FAF]  }
0x2f: {  	lr =	sadd.s32 s0, s3;
	s0 =	sld [smem:$0x3FA6]  }
0x30: {  	s3 =	sld [smem:$0x3FA9]  }
0x31: {  	[smem:$0x3FB2] =	sst s10  }
0x32: {  	s10 =	sld [smem:$0x3FB0];
	_ =	sdelay $0x3  }
0x33: {  	p0 =	seq.s32 s10, $0x1;
	s10 =	sld [smem:$0x3FB2];
	_ =	sdelay $0x3  }
0x34: {  	[smem:$0x3FB2] =	sst s10  }
0x35: {  	s10 =	sld [smem:$0x3FB1];
	_ =	sdelay $0x3  }
0x36: {  	p1 =	seq.s32 s10, $0x1;
	s10 =	sld [smem:$0x3FB2];
	_ =	sdelay $0x3  }
0x37: {  	[smem:$0x3FB2] =	sst s10  }
0x38: {  	s10 =	sld [smem:$0x3FB3]  }
0x39: {  	_ = 	snop;
	(pc) =	sbr.ind lr, $3  }
0x3a: {  	_ = 	snop  }
0x3b: {  	_ = 	snop  }
0x3c: {  	p2 =	seq.s32 s10, $0x1;
	s10 =	sld [smem:$0x3FB2]  }
0x3d: {  	_ =	shalt  }
0x3e: {  	_ =	shalt  }
0x3f: {  	_ =	shalt  }
0x40: {  	_ =	shalt  }
0x41: {  	_ =	shalt  }
0x42: {  	_ =	shalt  }
0x43: {  	_ =	shalt  }
0x44: {  	_ =	shalt  }
0x45: {  	_ =	shalt  }
0x46: {  	_ =	shalt  }
0x47: {  	_ =	shalt  }
0x48: {  	_ =	shalt  }
0x49: {  	_ =	shalt  }
0x4a: {  	_ =	shalt  }
0x4b: {  	_ =	shalt  }
0x4c: {  	_ =	shalt  }
0x4d: {  	_ =	shalt  }
0x4e: {  	_ =	shalt  }
0x4f: {  	_ =	shalt  }
0x50: {  	_ =	shalt  }
0x51: {  	_ =	shalt  }
0x52: {  	_ =	shalt  }
0x53: {  	_ =	shalt  }
0x54: {  	_ =	shalt  }
0x55: {  	_ =	shalt  }
0x56: {  	_ =	shalt  }
0x57: {  	_ =	shalt  }
0x58: {  	_ =	shalt  }
0x59: {  	_ =	shalt  }
0x5a: {  	_ =	shalt  }
0x5b: {  	_ =	shalt  }
0x5c: {  	_ =	shalt  }
0x5d: {  	_ =	shalt  }
0x5e: {  	_ =	shalt  }
0x5f: {  	_ =	shalt  }
0x60: {  	_ =	shalt  }
0x61: {  	_ =	shalt  }
0x62: {  	_ =	shalt  }
0x63: {  	_ =	shalt  }
0x64: {  	_ =	shalt  }
0x65: {  	_ =	shalt  }
0x66: {  	_ =	shalt  }
0x67: {  	_ =	shalt  }
0x68: {  	_ =	shalt  }
0x69: {  	_ =	shalt  }
0x6a: {  	_ =	shalt  }
0x6b: {  	_ =	shalt  }
0x6c: {  	_ =	shalt  }
0x6d: {  	_ =	shalt  }
0x6e: {  	_ =	shalt  }
0x6f: {  	_ =	shalt  }
0x70: {  	_ =	shalt  }
0x71: {  	_ =	shalt  }
0x72: {  	_ =	shalt  }
0x73: {  	_ =	shalt  }
0x74: {  	_ =	shalt  }
0x75: {  	_ =	shalt  }
0x76: {  	_ =	shalt  }
0x77: {  	_ =	shalt  }
0x78: {  	_ =	shalt  }
0x79: {  	_ =	shalt  }
0x7a: {  	_ =	shalt  }
0x7b: {  	_ =	shalt  }
0x7c: {  	_ =	shalt  }
0x7d: {  	_ =	shalt  }
0x7e: {  	_ =	shalt  }
0x7f: {  	_ =	shalt  }
0x80: {  	_ =	shalt  }
0x81: {  	_ =	shalt  }
0x82: {  	_ =	shalt  }
0x83: {  	_ =	shalt  }
0x84: {  	_ =	shalt  }
0x85: {  	_ =	shalt  }
0x86: {  	_ =	shalt  }
0x87: {  	_ =	shalt  }
.Lfunc_end0:
.L_simem_size_0:
called_computation_lowered:
.L_overlay_start_0:
0x88: {  	s2 =	sld [smem:$0x3FD9]  }
0x89: {  	s3 =	sld [smem:$0x3FFE];
	_ =	sdelay $0x1  }
0x8a: {  	s1 =	srdreg.scid  }
0x8b: {  	s0 =	sand.u32 $0x1, s1  }
0x8c: {  	s17 =	sshll.u32 s0, $0xA;
	s2 =	sadd.s32 s3, s2  }
0x8d: {  	s2 =	sadd.s32 s2, s17  }
0x8e: {  	[smem:$0x3FBE] =	sst s2  }
0x8f: {  	_ = 	snop  }
0x90: {  	s2 =	sld [smem:$0x3FC9];
	(tm) =	ssettm $0x1  }
0x91: {  	s18 =	sld [smem:$0x3FFB];
	_ =	sdelay $0x3  }
0x92: {  	_ =	strace s18  }
0x93: {  	s3 =	sld [smem:$0x3FFC];
	_ =	sdelay $0x3  }
0x94: {  	_ =	strace s3  }
0x95: {  	s3 =	sld [smem:$0x3FFD];
	_ =	sdelay $0x3  }
0x96: {  	_ =	strace s3  }
0x97: {  	_ =	strace $0x8FFFFFFF  }
0x98: {  	s19 =	sld [smem:$0x3FDB];
	_ =	sdelay $0x1  }
0x99: {  	s4 =	simm.s32 $_scs_section_size  }
0x9a: {  	s5 =	simm.s32 $_size__tile_overlayer_lowered;
	s6 =	simm.s32 $_tile_overlayer_lowered  }
0x9b: {  	s22 =	simm.s32 $0x1BFF;
	s21 =	sshll.u32 s6, $0x1;
	s3 =	sadd.s32 s4, s19  }
0x9c: {  	s7 =	simm.s32 $0x0;
	s20 =	sshll.u32 s5, $0x1;
	s5 =	sadd.s32 s21, s3  }
0x9d: {  	[timem:s7], [sflag:s22] =	dma.local [hbm:s5], s20  }
0x9e: {  	_ =	swait.ge [sflag:s22], s20  }
0x9f: {  	s4 =	ssub.s32 $0x0, s20;
	[sflag:s22] =	ssyncset.done $0x0  }
0xa0: {  	[sflag:s22] =	ssyncadd.s32 s4;
	_ =	sdelay $0x1  }
0xa1: {  	s23 =	simm.s32 $0x1B8B  }
0xa2: {  	_ =	swait.ge [sflag:s23], $0x1  }
0xa3: {  	[sflag:s23] =	ssyncset.done $0x0  }
0xa4: {  	s25 =	simm.s32 $0x1B8E;
	s24 =	sld [smem:$0x3FFE];
	[sflag:s23] =	ssyncadd.s32 $0xFFFFFFFF  }
0xa5: {  	s26 =	simm.s32 $execute0_lowered;
	[smem:$0x3FD2] =	sst s25  }
0xa6: {  	s5 =	sshll.u32 s26, $0x1;
	_ =	strace $0x80000046;
	[dreg:$0x1] =	wrdreg $0xFFFFFFFF  }
0xa7: {  	s28 =	simm.s32 $_size_execute0_lowered;
	s3 =	sadd.s32 s3, s5;
	[dreg:$0x0] =	wrdreg $0x0  }
0xa8: {  	s5 =	sshll.u32 s28, $0x1;
	[dreg:$0x2] =	wrdreg s3  }
0xa9: {  	[dreg:$0x3] =	wrdreg s5  }
0xaa: {  	[dreg:$0x4] =	wrdreg $0xC0  }
0xab: {  	_ =	task [dreg:s7], $0x5FFFF  }
0xac: {  	[dreg:$0x1] =	wrdreg $0xFFFFFFFF  }
0xad: {  	[dreg:$0x0] =	wrdreg $0x60  }
0xae: {  	[dreg:$0x2] =	wrdreg s2  }
0xaf: {  	[dreg:$0x3] =	wrdreg s24  }
0xb0: {  	[dreg:$0x4] =	wrdreg $0xB9000  }
0xb1: {  	[dreg:$0x5] =	wrdreg $0x9  }
0xb2: {  	_ =	task.clear_ibuf [dreg:s7], $0x6FFFF;
	_ =	strace $0x90000046  }
0xb3: {  	s29 =	simm.s32 $0x9;
	_ =	strace $0x80000048  }
0xb4: {  	_ =	swait.ge [sflag:s29], $0x1  }
0xb5: {  	[sflag:s29] =	ssyncadd.s32 $0xFFFFFFFF  }
0xb6: {  	_ =	strace $0x90000048  }
0xb7: {  	_ =	sfence  }
0xb8: {  	s30 =	sld [smem:$0x0];
	_ =	sdelay $0x2  }
0xb9: {  	s31 =	sshll.u32 s1, $0xD;
	s1 =	sshrl.u32 s1, $0x2  }
0xba: {  	s3 =	sand.u32 $0x4000, s31;
	s1 =	sadd.s32 s1, s30  }
0xbb: {  	s0 =	sor.u32 s3, s0;
	s1 =	sshll.u32 s1, $0x11  }
0xbc: {  	s0 =	sor.u32 s1, s0  }
0xbd: {  	s0 =	sadd.s32 $0x8F2B, s0  }
0xbe: {  	[sflag:s0] =	ssyncadd.remote.s32 $0x1  }
0xbf: {  	_ =	sfence.sel $0xFFFF  }
0xc0: {  	[dreg:$0x0] =	wrdreg $0xFFFFFFFF;
	(pc) =	sbr.abs _section_cstart, $3  }
0xc1: {  	[dreg:$0x1] =	wrdreg $0xFFFFFFFF  }
0xc2: {  	_ =	task.clear_ibuf [dreg:s7], $0x2FFFF;
	_ =	strace $0x9FFFFFFF  }
0xc3: {  	(tm) =	ssettm $0x7FFFFFFF  }
tec
execute0_lowered:
.L_overlay_start_1:
0x0: {  	(tag) =	ssettag $0x1  }
0x1: {  	s1 =	rddreg [dreg:$0x0]  }
0x2: {  	s0 =	rddreg [dreg:$0x1]  }
0x3: {  	s2 =	rddreg [dreg:$0x2]  }
0x4: {  	s3 =	srdreg.scid;
	s10 =	stileid.u32  }
0x5: {  	s4 =	simm.s32 $0x0;
	s3 =	sand.u32 $0x1, s3;
	s8 =	smul.u32 $0x13C00, s10  }
0x6: {  	[smem:$0x7FF] =	sst s4;
	s5 =	sadd.s32 $0x2200, s0;
	s9 =	smul.u32 $0x4F000, s10  }
0x7: {  	s6 =	sadd.s32 $0x15200, s0;
	s11 =	sadd.s32 $0x28200, s0;
	s7 =	smul.u32 $0x13C000, s3  }
0x8: {  	_ =	strace $0x80000047;
	s28 =	sshll.u32 s3, $0x4;
	s9 =	sshrl.u32 s9, $0x2  }
0x9: {  	[dreg:$0x4] =	wrdreg s11;
	s3 =	ssub.s32 $0x2, s3;
	s15 =	sadd.s32 s9, s2  }
0xa: {  	s29 =	sshrl.u32 s3, $0x1;
	s30 =	sadd.s32 $0x2400, s15;
	[dreg:$0x5] =	wrdreg s15  }
0xb: {  	s7 =	sadd.s32 s8, s7;
	s9 =	sadd.s32 $0x4800, s15;
	[dreg:$0x6] =	wrdreg s30  }
0xc: {  	s8 =	sor.u32 s10, s28;
	s10 =	sadd.s32 $0x6C00, s15;
	[dreg:$0x7] =	wrdreg s9  }
0xd: {  	s3 =	ssub.s32 s3, s29;
	s14 =	sadd.s32 $0x9000, s15;
	[dreg:$0x8] =	wrdreg s10  }
0xe: {  	s7 =	sshrl.u32 s7, $0x3;
	s26 =	smax.u32 s3, $0x1;
	[dreg:$0x9] =	wrdreg s14  }
0xf: {  	s8 =	smul.u32 $0x4C00, s8;
	s28 =	sadd.s32 $0xB400, s15;
	[dreg:$0x15] =	wrdreg s26  }
0x10: {  	s29 =	sadd.s32 $0xD800, s15;
	s0 =	sadd.s32 s7, s0;
	[dreg:$0x16] =	wrdreg s28  }
0x11: {  	[dreg:$0x17] =	wrdreg s29;
	s30 =	sadd.s32 $0xFC00, s15;
	s31 =	sshrl.u32 s8, $0x3  }
0x12: {  	s0 =	sadd.s32 $0x28800, s0;
	[dreg:$0x18] =	wrdreg s30;
	s11 =	sor.u32 $0x10, s31  }
0x13: {  	s16 =	sadd.s32 s5, s31;
	s18 =	sor.u32 $0x20, s31;
	[dreg:$0x14] =	wrdreg s0  }
0x14: {  	s19 =	sor.u32 $0x30, s31;
	s7 =	sadd.s32 s6, s31;
	[dreg:$0xa] =	wrdreg s16  }
0x15: {  	s12 =	sor.u32 $0x40, s31;
	s31 =	sadd.s32 $0x12000, s15;
	[dreg:$0xf] =	wrdreg s7  }
0x16: {  	s17 =	sadd.s32 s5, s11;
	[dreg:$0x19] =	wrdreg s31  }
0x17: {  	s13 =	sadd.s32 s5, s18;
	[dreg:$0xb] =	wrdreg s17  }
0x18: {  	s20 =	sadd.s32 s5, s19;
	[dreg:$0xc] =	wrdreg s13  }
0x19: {  	s21 =	sadd.s32 s5, s12;
	[dreg:$0xd] =	wrdreg s20  }
0x1a: {  	s22 =	sadd.s32 s6, s11;
	[dreg:$0xe] =	wrdreg s21  }
0x1b: {  	s0 =	simm.s32 $0x0;
	s23 =	sadd.s32 s6, s18;
	[dreg:$0x10] =	wrdreg s22  }
0x1c: {  	s24 =	sadd.s32 s6, s19;
	s25 =	sadd.s32 s6, s12;
	[dreg:$0x11] =	wrdreg s23  }
0x1d: {  	s12 =	simm.s32 $0x15;
	s19 =	simm.s32 $0x13;
	[dreg:$0x12] =	wrdreg s24  }
0x1e: {  	[dreg:$0x13] =	wrdreg s25;
	s13 =	simm.s32 $0x48;
	s20 =	simm.s32 $0x14  }
.LBB2_1:
0x1f: {  	[dreg:$0x1a] =	wrdreg s0  }
0x20: {  	s11 =	rddreg [dreg:$0x4];
	s21 =	simm.s32 $0x500  }
0x21: {  	[tilespmem:s21], [sflag:$0x15] =	stream.linear.gather [hbm4b:s11+s4], $0x2400, $0x38;
	[tilespmem:$0x1F500] =	vst v63  }
0x22: {  	_ =	swait.ge [sflag:s12], $0x2400  }
0x23: {  	[sflag:s12] =	ssyncset.done $0x0  }
0x24: {  	[sflag:s12] =	ssyncadd.s32 $0xFFFFDC00  }
0x25: {  	[spmem:s15] =	stream.linear.scatter [tilespmem:s21], [sflag:$0x15], $0x2400, $0x38;
	[tilespmem:$0x1F500] =	vst v63  }
0x26: {  	_ =	swait.ge [sflag:s12], $0x2400  }
0x27: {  	[sflag:s12] =	ssyncset.done $0x0  }
0x28: {  	s29 =	rddreg [dreg:$0x6];
	[sflag:s12] =	ssyncadd.s32 $0xFFFFDC00  }
0x29: {  	[spmem:s29] =	stream.linear.scatter [tilespmem:s21], [sflag:$0x15], $0x2400, $0x38;
	[tilespmem:$0x1F500] =	vst v63  }
0x2a: {  	_ =	swait.ge [sflag:s12], $0x2400  }
0x2b: {  	[sflag:s12] =	ssyncset.done $0x0  }
0x2c: {  	s30 =	rddreg [dreg:$0x7];
	[sflag:s12] =	ssyncadd.s32 $0xFFFFDC00  }
0x2d: {  	[spmem:s30] =	stream.linear.scatter [tilespmem:s21], [sflag:$0x15], $0x2400, $0x38;
	[tilespmem:$0x1F500] =	vst v63  }
0x2e: {  	_ =	swait.ge [sflag:s12], $0x2400  }
0x2f: {  	[sflag:s12] =	ssyncset.done $0x0  }
0x30: {  	s31 =	rddreg [dreg:$0x8];
	[sflag:s12] =	ssyncadd.s32 $0xFFFFDC00  }
0x31: {  	[spmem:s31] =	stream.linear.scatter [tilespmem:s21], [sflag:$0x15], $0x2400, $0x38;
	[tilespmem:$0x1F500] =	vst v63  }
0x32: {  	_ =	swait.ge [sflag:s12], $0x2400  }
0x33: {  	[sflag:s12] =	ssyncset.done $0x0  }
0x34: {  	s0 =	rddreg [dreg:$0x9];
	[sflag:s12] =	ssyncadd.s32 $0xFFFFDC00  }
0x35: {  	[spmem:s0] =	stream.linear.scatter [tilespmem:s21], [sflag:$0x15], $0x2400, $0x38;
	[tilespmem:$0x1F500] =	vst v63  }
0x36: {  	_ =	swait.ge [sflag:s12], $0x2400  }
0x37: {  	[sflag:s12] =	ssyncset.done $0x0  }
0x38: {  	s3 =	rddreg [dreg:$0x16];
	[sflag:s12] =	ssyncadd.s32 $0xFFFFDC00  }
0x39: {  	[spmem:s3] =	stream.linear.scatter [tilespmem:s21], [sflag:$0x15], $0x2400, $0x38;
	[tilespmem:$0x1F500] =	vst v63  }
0x3a: {  	_ =	swait.ge [sflag:s12], $0x2400  }
0x3b: {  	[sflag:s12] =	ssyncset.done $0x0  }
0x3c: {  	s7 =	rddreg [dreg:$0x17];
	[sflag:s12] =	ssyncadd.s32 $0xFFFFDC00  }
0x3d: {  	[spmem:s7] =	stream.linear.scatter [tilespmem:s21], [sflag:$0x15], $0x2400, $0x38;
	[tilespmem:$0x1F500] =	vst v63  }
0x3e: {  	_ =	swait.ge [sflag:s12], $0x2400  }
0x3f: {  	[sflag:s12] =	ssyncset.done $0x0  }
0x40: {  	s9 =	rddreg [dreg:$0x18];
	[sflag:s12] =	ssyncadd.s32 $0xFFFFDC00  }
0x41: {  	[spmem:s9] =	stream.linear.scatter [tilespmem:s21], [sflag:$0x15], $0x2400, $0x38;
	[tilespmem:$0x1F500] =	vst v63  }
0x42: {  	_ =	swait.ge [sflag:s12], $0x2400  }
0x43: {  	[sflag:s12] =	ssyncset.done $0x0  }
0x44: {  	s10 =	rddreg [dreg:$0x19];
	[sflag:s12] =	ssyncadd.s32 $0xFFFFDC00  }
0x45: {  	[spmem:s10] =	stream.linear.scatter [tilespmem:s21], [sflag:$0x15], $0x1C00, $0x38;
	[tilespmem:$0x1F500] =	vst v63  }
0x46: {  	_ =	swait.ge [sflag:s12], $0x1C00  }
0x47: {  	[sflag:s12] =	ssyncset.done $0x0  }
0x48: {  	s14 =	rddreg [dreg:$0xa];
	[sflag:s12] =	ssyncadd.s32 $0xFFFFE400  }
0x49: {  	[tilespmem:s4], [sflag:$0x1] =	stream.linear.gather [hbm4b:s14+s4], $0x80, $0x38;
	[tilespmem:$0x1F500] =	vst v63  }
0x4a: {  	s24 =	simm.s32 $0x80;
	s15 =	rddreg [dreg:$0xb]  }
0x4b: {  	[tilespmem:s24], [sflag:$0x2] =	stream.linear.gather [hbm4b:s15+s4], $0x80, $0x38;
	[tilespmem:$0x1F500] =	vst v63  }
0x4c: {  	s25 =	simm.s32 $0x100;
	s16 =	rddreg [dreg:$0xc]  }
0x4d: {  	[tilespmem:s25], [sflag:$0x3] =	stream.linear.gather [hbm4b:s16+s4], $0x80, $0x38;
	[tilespmem:$0x1F500] =	vst v63  }
0x4e: {  	s26 =	simm.s32 $0x180;
	s17 =	rddreg [dreg:$0xd]  }
0x4f: {  	[tilespmem:s26], [sflag:$0x4] =	stream.linear.gather [hbm4b:s17+s4], $0x80, $0x38;
	[tilespmem:$0x1F500] =	vst v63  }
0x50: {  	s29 =	simm.s32 $0x1;
	s18 =	rddreg [dreg:$0xe];
	s17 =	simm.s32 $0x200  }
0x51: {  	[tilespmem:s17], [sflag:$0x5] =	stream.linear.gather [hbm4b:s18+s4], $0x80, $0x38;
	[tilespmem:$0x1F500] =	vst v63  }
0x52: {  	_ =	swait.ge [sflag:s29], $0x80  }
0x53: {  	[sflag:s29] =	ssyncset.done $0x0  }
0x54: {  	[sflag:s29] =	ssyncadd.s32 $0xFFFFFF80  }
0x55: {  	[tilespmem:s21], [sflag:$0xB] =	stream.indirect.gather [hbm4b:s1+s13], $0x80, s4, s13, $0xb8;
	[tilespmem:$0x1F500] =	vst v63  }
0x56: {  	s30 =	simm.s32 $0x2;
	s9 =	simm.s32 $0x280;
	s22 =	rddreg [dreg:$0xf]  }
0x57: {  	[tilespmem:s9], [sflag:$0x6] =	stream.linear.gather [hbm4b:s22+s4], $0x80, $0x38;
	[tilespmem:$0x1F500] =	vst v63  }
0x58: {  	_ =	swait.ge [sflag:s30], $0x80  }
0x59: {  	[sflag:s30] =	ssyncset.done $0x0  }
0x5a: {  	s10 =	simm.s32 $0x2900;
	[sflag:s30] =	ssyncadd.s32 $0xFFFFFF80  }
0x5b: {  	[tilespmem:s10], [sflag:$0xC] =	stream.indirect.gather [hbm4b:s1+s13], $0x80, s24, s13, $0xb8;
	[tilespmem:$0x1F500] =	vst v63  }
0x5c: {  	s28 =	simm.s32 $0x300;
	s3 =	simm.s32 $0x3;
	s23 =	rddreg [dreg:$0x10]  }
0x5d: {  	[tilespmem:s28], [sflag:$0x7] =	stream.linear.gather [hbm4b:s23+s4], $0x80, $0x38;
	[tilespmem:$0x1F500] =	vst v63  }
0x5e: {  	_ =	swait.ge [sflag:s3], $0x80  }
0x5f: {  	[sflag:s3] =	ssyncset.done $0x0  }
0x60: {  	s31 =	simm.s32 $0x4D00;
	[sflag:s3] =	ssyncadd.s32 $0xFFFFFF80  }
0x61: {  	[tilespmem:s31], [sflag:$0xD] =	stream.indirect.gather [hbm4b:s1+s13], $0x80, s25, s13, $0xb8;
	[tilespmem:$0x1F500] =	vst v63  }
0x62: {  	s7 =	simm.s32 $0x380;
	s0 =	rddreg [dreg:$0x11];
	s31 =	simm.s32 $0x4  }
0x63: {  	[tilespmem:s7], [sflag:$0x8] =	stream.linear.gather [hbm4b:s0+s4], $0x80, $0x38;
	[tilespmem:$0x1F500] =	vst v63  }
0x64: {  	_ =	swait.ge [sflag:s31], $0x80  }
0x65: {  	[sflag:s31] =	ssyncset.done $0x0  }
0x66: {  	s11 =	simm.s32 $0x7100;
	[sflag:s31] =	ssyncadd.s32 $0xFFFFFF80  }
0x67: {  	[tilespmem:s11], [sflag:$0xE] =	stream.indirect.gather [hbm4b:s1+s13], $0x80, s26, s13, $0xb8;
	[tilespmem:$0x1F500] =	vst v63  }
0x68: {  	s14 =	simm.s32 $0x400;
	s12 =	rddreg [dreg:$0x12]  }
0x69: {  	[tilespmem:s14], [sflag:$0x9] =	stream.linear.gather [hbm4b:s12+s4], $0x80, $0x38;
	[tilespmem:$0x1F500] =	vst v63  }
0x6a: {  	s14 =	simm.s32 $0x5  }
0x6b: {  	_ =	swait.ge [sflag:s14], $0x80  }
0x6c: {  	[sflag:s14] =	ssyncset.done $0x0  }
0x6d: {  	s15 =	simm.s32 $0x9500;
	[sflag:s14] =	ssyncadd.s32 $0xFFFFFF80  }
0x6e: {  	[tilespmem:s15], [sflag:$0xF] =	stream.indirect.gather [hbm4b:s1+s13], $0x80, s17, s13, $0xb8;
	[tilespmem:$0x1F500] =	vst v63  }
0x6f: {  	s7 =	simm.s32 $0x480;
	s16 =	rddreg [dreg:$0x13]  }
0x70: {  	[tilespmem:s7], [sflag:$0xA] =	stream.linear.gather [hbm4b:s16+s4], $0x80, $0x38;
	[tilespmem:$0x1F500] =	vst v63  }
0x71: {  	s16 =	simm.s32 $0xB;
	[bflag:$0x0] =	sbarrier.arrive $0xFFFF  }
0x72: {  	_ =	swait.ge [sflag:s16], $0x2400  }
0x73: {  	s22 =	simm.s32 $0x280;
	[sflag:s16] =	ssyncset.done $0x0  }
0x74: {  	s18 =	simm.s32 $0x6;
	s0 =	sand.u32 $0xFC00, s22;
	[sflag:s16] =	ssyncadd.s32 $0xFFFFDC00  }
0x75: {  	s11 =	sand.u32 $0x380, s22;
	s12 =	sadd.s32 s8, s0;
	_ =	swait.ge [sflag:s18], $0x80  }
0x76: {  	s11 =	sor.u32 s11, s12;
	[sflag:s18] =	ssyncset.done $0x0  }
0x77: {  	s11 =	sshrl.u32 s11, $0x3;
	[sflag:s18] =	ssyncadd.s32 $0xFFFFFF80  }
0x78: {  	[spmem:s2] =	stream.indirect.scatter.add.f32 [tilespmem:s21], [sflag:$0x10], $0x80, s9, s13, $0xb8;
	[tilespmem:$0x1F500] =	vst v63  }
0x79: {  	s15 =	sadd.s32 s5, s11;
	s18 =	simm.s32 $0xC  }
0x7a: {  	[tilespmem:s4], [sflag:$0x1] =	stream.linear.gather [hbm4b:s15+s4], $0x80, $0x38;
	[tilespmem:$0x1F500] =	vst v63  }
0x7b: {  	_ =	swait.ge [sflag:s18], $0x2400  }
0x7c: {  	s22 =	simm.s32 $0x300;
	[sflag:s18] =	ssyncset.done $0x0  }
0x7d: {  	s0 =	sand.u32 $0xFC00, s22;
	[sflag:s18] =	ssyncadd.s32 $0xFFFFDC00;
	s18 =	simm.s32 $0x7  }
0x7e: {  	s12 =	sand.u32 $0x380, s22;
	s15 =	sadd.s32 s8, s0;
	_ =	swait.ge [sflag:s18], $0x80  }
0x7f: {  	s12 =	sor.u32 s12, s15;
	[sflag:s18] =	ssyncset.done $0x0  }
0x80: {  	s12 =	sshrl.u32 s12, $0x3;
	[sflag:s18] =	ssyncadd.s32 $0xFFFFFF80  }
0x81: {  	[spmem:s2] =	stream.indirect.scatter.add.f32 [tilespmem:s10], [sflag:$0x11], $0x80, s28, s13, $0xb8;
	[tilespmem:$0x1F500] =	vst v63  }
0x82: {  	s22 =	simm.s32 $0xD;
	s18 =	sadd.s32 s5, s12  }
0x83: {  	[tilespmem:s24], [sflag:$0x2] =	stream.linear.gather [hbm4b:s18+s4], $0x80, $0x38;
	[tilespmem:$0x1F500] =	vst v63  }
0x84: {  	_ =	swait.ge [sflag:s22], $0x2400  }
0x85: {  	s15 =	simm.s32 $0x380;
	[sflag:s22] =	ssyncset.done $0x0  }
0x86: {  	s0 =	sand.u32 $0xFC00, s15;
	[sflag:s22] =	ssyncadd.s32 $0xFFFFDC00;
	s22 =	simm.s32 $0x8  }
0x87: {  	s15 =	sand.u32 $0x380, s15;
	s18 =	sadd.s32 s8, s0;
	_ =	swait.ge [sflag:s22], $0x80  }
0x88: {  	s23 =	simm.s32 $0x380;
	s15 =	sor.u32 s15, s18;
	[sflag:s22] =	ssyncset.done $0x0  }
0x89: {  	s15 =	sshrl.u32 s15, $0x3;
	[sflag:s22] =	ssyncadd.s32 $0xFFFFFF80;
	s22 =	simm.s32 $0x4D00  }
0x8a: {  	[spmem:s2] =	stream.indirect.scatter.add.f32 [tilespmem:s22], [sflag:$0x12], $0x80, s23, s13, $0xb8;
	[tilespmem:$0x1F500] =	vst v63  }
0x8b: {  	s18 =	simm.s32 $0xE;
	s0 =	sadd.s32 s5, s15  }
0x8c: {  	[tilespmem:s25], [sflag:$0x3] =	stream.linear.gather [hbm4b:s0+s4], $0x80, $0x38;
	[tilespmem:$0x1F500] =	vst v63  }
0x8d: {  	_ =	swait.ge [sflag:s18], $0x2400  }
0x8e: {  	s22 =	simm.s32 $0x0;
	s0 =	simm.s32 $0x400;
	[sflag:s18] =	ssyncset.done $0x0  }
0x8f: {  	[sflag:s18] =	ssyncadd.s32 $0xFFFFDC00;
	s18 =	sand.u32 $0xFC00, s0;
	s0 =	simm.s32 $0x9  }
0x90: {  	s22 =	sand.u32 $0x380, s22;
	_ =	swait.ge [sflag:s0], $0x80;
	s18 =	sadd.s32 s8, s18  }
0x91: {  	s23 =	simm.s32 $0x7100;
	[sflag:s0] =	ssyncset.done $0x0;
	s18 =	sor.u32 s22, s18  }
0x92: {  	s22 =	simm.s32 $0x400;
	[sflag:s0] =	ssyncadd.s32 $0xFFFFFF80;
	s18 =	sshrl.u32 s18, $0x3  }
0x93: {  	[spmem:s2] =	stream.indirect.scatter.add.f32 [tilespmem:s23], [sflag:$0x13], $0x80, s22, s13, $0xb8;
	[tilespmem:$0x1F500] =	vst v63  }
0x94: {  	s0 =	simm.s32 $0xF;
	s23 =	sadd.s32 s5, s18  }
0x95: {  	[tilespmem:s26], [sflag:$0x4] =	stream.linear.gather [hbm4b:s23+s4], $0x80, $0x38;
	[tilespmem:$0x1F500] =	vst v63  }
0x96: {  	_ =	swait.ge [sflag:s0], $0x2400  }
0x97: {  	[sflag:s0] =	ssyncset.done $0x0  }
0x98: {  	s23 =	sand.u32 $0xFC00, s7;
	[sflag:s0] =	ssyncadd.s32 $0xFFFFDC00;
	s0 =	simm.s32 $0xA  }
0x99: {  	s22 =	sadd.s32 s8, s23;
	s23 =	sand.u32 $0x380, s7;
	_ =	swait.ge [sflag:s0], $0x80  }
0x9a: {  	s22 =	sor.u32 s23, s22;
	[sflag:s0] =	ssyncset.done $0x0  }
0x9b: {  	s23 =	simm.s32 $0x9500;
	s22 =	sshrl.u32 s22, $0x3;
	[sflag:s0] =	ssyncadd.s32 $0xFFFFFF80  }
0x9c: {  	[spmem:s2] =	stream.indirect.scatter.add.f32 [tilespmem:s23], [sflag:$0x14], $0x80, s7, s13, $0xb8;
	[tilespmem:$0x1F500] =	vst v63  }
0x9d: {  	s0 =	sadd.s32 s5, s22  }
0x9e: {  	[tilespmem:s17], [sflag:$0x5] =	stream.linear.gather [hbm4b:s0+s4], $0x80, $0x38;
	[tilespmem:$0x1F500] =	vst v63  }
0x9f: {  	_ =	swait.ge [sflag:s29], $0x80  }
0xa0: {  	[sflag:s29] =	ssyncset.done $0x0  }
0xa1: {  	[sflag:s29] =	ssyncadd.s32 $0xFFFFFF80;
	s29 =	simm.s32 $0x10  }
0xa2: {  	_ =	swait.ge [sflag:s29], $0x2400  }
0xa3: {  	[sflag:s29] =	ssyncset.done $0x0  }
0xa4: {  	[sflag:s29] =	ssyncadd.s32 $0xFFFFDC00  }
0xa5: {  	[tilespmem:s21], [sflag:$0xB] =	stream.indirect.gather [hbm4b:s1+s13], $0x80, s4, s13, $0xb8;
	[tilespmem:$0x1F500] =	vst v63  }
0xa6: {  	s11 =	sadd.s32 s6, s11  }
0xa7: {  	[tilespmem:s9], [sflag:$0x6] =	stream.linear.gather [hbm4b:s11+s4], $0x80, $0x38;
	[tilespmem:$0x1F500] =	vst v63  }
0xa8: {  	_ =	swait.ge [sflag:s30], $0x80  }
0xa9: {  	[sflag:s30] =	ssyncset.done $0x0  }
0xaa: {  	s9 =	simm.s32 $0x11;
	[sflag:s30] =	ssyncadd.s32 $0xFFFFFF80  }
0xab: {  	_ =	swait.ge [sflag:s9], $0x2400  }
0xac: {  	[sflag:s9] =	ssyncset.done $0x0  }
0xad: {  	[sflag:s9] =	ssyncadd.s32 $0xFFFFDC00  }
0xae: {  	[tilespmem:s10], [sflag:$0xC] =	stream.indirect.gather [hbm4b:s1+s13], $0x80, s24, s13, $0xb8;
	[tilespmem:$0x1F500] =	vst v63  }
0xaf: {  	s10 =	sadd.s32 s6, s12  }
0xb0: {  	[tilespmem:s28], [sflag:$0x7] =	stream.linear.gather [hbm4b:s10+s4], $0x80, $0x38;
	[tilespmem:$0x1F500] =	vst v63  }
0xb1: {  	_ =	swait.ge [sflag:s3], $0x80  }
0xb2: {  	[sflag:s3] =	ssyncset.done $0x0  }
0xb3: {  	s11 =	simm.s32 $0x12;
	[sflag:s3] =	ssyncadd.s32 $0xFFFFFF80  }
0xb4: {  	_ =	swait.ge [sflag:s11], $0x2400  }
0xb5: {  	[sflag:s11] =	ssyncset.done $0x0  }
0xb6: {  	s12 =	simm.s32 $0x4D00;
	[sflag:s11] =	ssyncadd.s32 $0xFFFFDC00  }
0xb7: {  	[tilespmem:s12], [sflag:$0xD] =	stream.indirect.gather [hbm4b:s1+s13], $0x80, s25, s13, $0xb8;
	[tilespmem:$0x1F500] =	vst v63  }
0xb8: {  	s23 =	simm.s32 $0x380;
	s21 =	sadd.s32 s6, s15  }
0xb9: {  	[tilespmem:s23], [sflag:$0x8] =	stream.linear.gather [hbm4b:s21+s4], $0x80, $0x38;
	[tilespmem:$0x1F500] =	vst v63  }
0xba: {  	_ =	swait.ge [sflag:s31], $0x80  }
0xbb: {  	[sflag:s31] =	ssyncset.done $0x0  }
0xbc: {  	[sflag:s31] =	ssyncadd.s32 $0xFFFFFF80  }
0xbd: {  	_ =	swait.ge [sflag:s19], $0x2400  }
0xbe: {  	[sflag:s19] =	ssyncset.done $0x0  }
0xbf: {  	s24 =	simm.s32 $0x7100;
	[sflag:s19] =	ssyncadd.s32 $0xFFFFDC00  }
0xc0: {  	[tilespmem:s24], [sflag:$0xE] =	stream.indirect.gather [hbm4b:s1+s13], $0x80, s26, s13, $0xb8;
	[tilespmem:$0x1F500] =	vst v63  }
0xc1: {  	s25 =	sadd.s32 s6, s18;
	s26 =	simm.s32 $0x400  }
0xc2: {  	[tilespmem:s26], [sflag:$0x9] =	stream.linear.gather [hbm4b:s25+s4], $0x80, $0x38;
	[tilespmem:$0x1F500] =	vst v63  }
0xc3: {  	_ =	swait.ge [sflag:s14], $0x80  }
0xc4: {  	[sflag:s14] =	ssyncset.done $0x0  }
0xc5: {  	[sflag:s14] =	ssyncadd.s32 $0xFFFFFF80  }
0xc6: {  	_ =	swait.ge [sflag:s20], $0x2400  }
0xc7: {  	[sflag:s20] =	ssyncset.done $0x0  }
0xc8: {  	s28 =	simm.s32 $0x9500;
	[sflag:s20] =	ssyncadd.s32 $0xFFFFDC00  }
0xc9: {  	[tilespmem:s28], [sflag:$0xF] =	stream.indirect.gather [hbm4b:s1+s13], $0x80, s17, s13, $0xb8;
	[tilespmem:$0x1F500] =	vst v63  }
0xca: {  	s29 =	sadd.s32 s6, s22  }
0xcb: {  	[tilespmem:s7], [sflag:$0xA] =	stream.linear.gather [hbm4b:s29+s4], $0x80, $0x38;
	[tilespmem:$0x1F500] =	vst v63  }
0xcc: {  	s22 =	simm.s32 $0x700;
	s30 =	simm.s32 $0x500;
	_ =	swait.ge [sflag:s16], $0x2400  }
0xcd: {  	s15 =	sand.u32 $0x380, s30;
	s31 =	sand.u32 $0xFC00, s30;
	[sflag:s16] =	ssyncset.done $0x0  }
0xce: {  	s11 =	simm.s32 $0x980;
	s12 =	sadd.s32 s8, s31;
	[sflag:s16] =	ssyncadd.s32 $0xFFFFDC00  }
.LBB2_2:
0xcf: {  	s15 =	sor.u32 s15, s12;
	s0 =	simm.s32 $0x6  }
0xd0: {  	s12 =	smov.u32 s11;
	s23 =	sadd.s32 $0x280, s11;
	_ =	swait.ge [sflag:s0], $0x80  }
0xd1: {  	p0 =	sne.s32 s11, $0x4800;
	s25 =	sshrl.u32 s15, $0x3;
	[sflag:s0] =	ssyncset.done $0x0  }
0xd2: {  	s24 =	simm.s32 $0x500;
	s9 =	simm.s32 $0x280;
	[sflag:s0] =	ssyncadd.s32 $0xFFFFFF80  }
0xd3: {  	[spmem:s2] =	stream.indirect.scatter.add.f32 [tilespmem:s24], [sflag:$0x10], $0x80, s9, s13, $0xb8;
	[tilespmem:$0x1F500] =	vst v63  }
0xd4: {  	s11 =	sadd.s32 s5, s25;
	s0 =	simm.s32 $0xC  }
0xd5: {  	[tilespmem:s4], [sflag:$0x1] =	stream.linear.gather [hbm4b:s11+s4], $0x80, $0x38;
	[tilespmem:$0x1F500] =	vst v63  }
0xd6: {  	_ =	swait.ge [sflag:s0], $0x2400  }
0xd7: {  	s11 =	sadd.s32 $0xFFFFFE80, s22;
	[sflag:s0] =	ssyncset.done $0x0  }
0xd8: {  	s15 =	sand.u32 $0xFC00, s11;
	[sflag:s0] =	ssyncadd.s32 $0xFFFFDC00;
	s0 =	simm.s32 $0x7  }
0xd9: {  	s11 =	sand.u32 $0x380, s11;
	s15 =	sadd.s32 s8, s15;
	_ =	swait.ge [sflag:s0], $0x80  }
0xda: {  	s3 =	simm.s32 $0x300;
	s11 =	sor.u32 s11, s15;
	[sflag:s0] =	ssyncset.done $0x0  }
0xdb: {  	s11 =	sshrl.u32 s11, $0x3;
	[sflag:s0] =	ssyncadd.s32 $0xFFFFFF80;
	s0 =	simm.s32 $0x2900  }
0xdc: {  	[spmem:s2] =	stream.indirect.scatter.add.f32 [tilespmem:s0], [sflag:$0x11], $0x80, s3, s13, $0xb8;
	[tilespmem:$0x1F500] =	vst v63  }
0xdd: {  	s26 =	simm.s32 $0x80;
	s7 =	simm.s32 $0xD;
	s15 =	sadd.s32 s5, s11  }
0xde: {  	[tilespmem:s26], [sflag:$0x2] =	stream.linear.gather [hbm4b:s15+s4], $0x80, $0x38;
	[tilespmem:$0x1F500] =	vst v63  }
0xdf: {  	_ =	swait.ge [sflag:s7], $0x2400  }
0xe0: {  	[sflag:s7] =	ssyncset.done $0x0  }
0xe1: {  	s15 =	sadd.s32 $0xFFFFFF00, s22;
	[sflag:s7] =	ssyncadd.s32 $0xFFFFDC00;
	s7 =	simm.s32 $0x8  }
0xe2: {  	s31 =	simm.s32 $0x380;
	s18 =	sand.u32 $0xFC00, s15;
	_ =	swait.ge [sflag:s7], $0x80  }
0xe3: {  	s15 =	sand.u32 $0x380, s15;
	s18 =	sadd.s32 s8, s18;
	[sflag:s7] =	ssyncset.done $0x0  }
0xe4: {  	s15 =	sor.u32 s15, s18;
	[sflag:s7] =	ssyncadd.s32 $0xFFFFFF80;
	s7 =	simm.s32 $0x4D00  }
0xe5: {  	[spmem:s2] =	stream.indirect.scatter.add.f32 [tilespmem:s7], [sflag:$0x12], $0x80, s31, s13, $0xb8;
	[tilespmem:$0x1F500] =	vst v63  }
0xe6: {  	s15 =	sshrl.u32 s15, $0x3  }
0xe7: {  	s28 =	simm.s32 $0x100;
	s10 =	simm.s32 $0xE;
	s18 =	sadd.s32 s5, s15  }
0xe8: {  	[tilespmem:s28], [sflag:$0x3] =	stream.linear.gather [hbm4b:s18+s4], $0x80, $0x38;
	[tilespmem:$0x1F500] =	vst v63  }
0xe9: {  	_ =	swait.ge [sflag:s10], $0x2400  }
0xea: {  	s21 =	sadd.s32 $0xFFFFFB80, s22;
	s18 =	sadd.s32 $0xFFFFFF80, s22;
	[sflag:s10] =	ssyncset.done $0x0  }
0xeb: {  	s18 =	sand.u32 $0xFC00, s18;
	[sflag:s10] =	ssyncadd.s32 $0xFFFFDC00;
	s10 =	simm.s32 $0x9  }
0xec: {  	s21 =	sand.u32 $0x380, s21;
	s18 =	sadd.s32 s8, s18;
	_ =	swait.ge [sflag:s10], $0x80  }
0xed: {  	s14 =	simm.s32 $0x400;
	s18 =	sor.u32 s21, s18;
	[sflag:s10] =	ssyncset.done $0x0  }
0xee: {  	s18 =	sshrl.u32 s18, $0x3;
	[sflag:s10] =	ssyncadd.s32 $0xFFFFFF80;
	s10 =	simm.s32 $0x7100  }
0xef: {  	[spmem:s2] =	stream.indirect.scatter.add.f32 [tilespmem:s10], [sflag:$0x13], $0x80, s14, s13, $0xb8;
	[tilespmem:$0x1F500] =	vst v63  }
0xf0: {  	s29 =	simm.s32 $0x180;
	s16 =	simm.s32 $0xF;
	s21 =	sadd.s32 s5, s18  }
0xf1: {  	[tilespmem:s29], [sflag:$0x4] =	stream.linear.gather [hbm4b:s21+s4], $0x80, $0x38;
	[tilespmem:$0x1F500] =	vst v63  }
0xf2: {  	_ =	swait.ge [sflag:s16], $0x2400  }
0xf3: {  	s17 =	simm.s32 $0x480;
	[sflag:s16] =	ssyncset.done $0x0  }
0xf4: {  	s21 =	sand.u32 $0xFC00, s22;
	[sflag:s16] =	ssyncadd.s32 $0xFFFFDC00;
	s16 =	simm.s32 $0xA  }
0xf5: {  	s22 =	sand.u32 $0x380, s22;
	s21 =	sadd.s32 s8, s21;
	_ =	swait.ge [sflag:s16], $0x80  }
0xf6: {  	s21 =	sor.u32 s22, s21;
	s22 =	smov.u32 s12;
	[sflag:s16] =	ssyncset.done $0x0  }
0xf7: {  	s12 =	sshrl.u32 s21, $0x3;
	[sflag:s16] =	ssyncadd.s32 $0xFFFFFF80;
	s16 =	simm.s32 $0x9500  }
0xf8: {  	[spmem:s2] =	stream.indirect.scatter.add.f32 [tilespmem:s16], [sflag:$0x14], $0x80, s17, s13, $0xb8;
	[tilespmem:$0x1F500] =	vst v63  }
0xf9: {  	s30 =	simm.s32 $0x200;
	s21 =	sadd.s32 s5, s12  }
0xfa: {  	[tilespmem:s30], [sflag:$0x5] =	stream.linear.gather [hbm4b:s21+s4], $0x80, $0x38;
	[tilespmem:$0x1F500] =	vst v63  }
0xfb: {  	s21 =	simm.s32 $0x1  }
0xfc: {  	_ =	swait.ge [sflag:s21], $0x80  }
0xfd: {  	[sflag:s21] =	ssyncset.done $0x0  }
0xfe: {  	[sflag:s21] =	ssyncadd.s32 $0xFFFFFF80;
	s21 =	simm.s32 $0x10  }
0xff: {  	_ =	swait.ge [sflag:s21], $0x2400  }
0x100: {  	[sflag:s21] =	ssyncset.done $0x0  }
0x101: {  	[sflag:s21] =	ssyncadd.s32 $0xFFFFDC00  }
0x102: {  	[tilespmem:s24], [sflag:$0xB] =	stream.indirect.gather [hbm4b:s1+s13], $0x80, s4, s13, $0xb8;
	[tilespmem:$0x1F500] =	vst v63  }
0x103: {  	s21 =	sadd.s32 s6, s25  }
0x104: {  	[tilespmem:s9], [sflag:$0x6] =	stream.linear.gather [hbm4b:s21+s4], $0x80, $0x38;
	[tilespmem:$0x1F500] =	vst v63  }
0x105: {  	s9 =	simm.s32 $0x2  }
0x106: {  	_ =	swait.ge [sflag:s9], $0x80  }
0x107: {  	[sflag:s9] =	ssyncset.done $0x0  }
0x108: {  	[sflag:s9] =	ssyncadd.s32 $0xFFFFFF80;
	s9 =	simm.s32 $0x11  }
0x109: {  	_ =	swait.ge [sflag:s9], $0x2400  }
0x10a: {  	[sflag:s9] =	ssyncset.done $0x0  }
0x10b: {  	[sflag:s9] =	ssyncadd.s32 $0xFFFFDC00  }
0x10c: {  	[tilespmem:s0], [sflag:$0xC] =	stream.indirect.gather [hbm4b:s1+s13], $0x80, s26, s13, $0xb8;
	[tilespmem:$0x1F500] =	vst v63  }
0x10d: {  	s11 =	sadd.s32 s6, s11;
	s0 =	simm.s32 $0x3  }
0x10e: {  	[tilespmem:s3], [sflag:$0x7] =	stream.linear.gather [hbm4b:s11+s4], $0x80, $0x38;
	[tilespmem:$0x1F500] =	vst v63  }
0x10f: {  	_ =	swait.ge [sflag:s0], $0x80  }
0x110: {  	[sflag:s0] =	ssyncset.done $0x0  }
0x111: {  	[sflag:s0] =	ssyncadd.s32 $0xFFFFFF80;
	s0 =	simm.s32 $0x12  }
0x112: {  	_ =	swait.ge [sflag:s0], $0x2400  }
0x113: {  	[sflag:s0] =	ssyncset.done $0x0  }
0x114: {  	s11 =	sadd.s32 s6, s15;
	[sflag:s0] =	ssyncadd.s32 $0xFFFFDC00  }
0x115: {  	[tilespmem:s7], [sflag:$0xD] =	stream.indirect.gather [hbm4b:s1+s13], $0x80, s28, s13, $0xb8;
	[tilespmem:$0x1F500] =	vst v63  }
0x116: {  	s0 =	simm.s32 $0x4  }
0x117: {  	[tilespmem:s31], [sflag:$0x8] =	stream.linear.gather [hbm4b:s11+s4], $0x80, $0x38;
	[tilespmem:$0x1F500] =	vst v63  }
0x118: {  	_ =	swait.ge [sflag:s0], $0x80  }
0x119: {  	[sflag:s0] =	ssyncset.done $0x0  }
0x11a: {  	[sflag:s0] =	ssyncadd.s32 $0xFFFFFF80  }
0x11b: {  	_ =	swait.ge [sflag:s19], $0x2400  }
0x11c: {  	[sflag:s19] =	ssyncset.done $0x0  }
0x11d: {  	s11 =	sadd.s32 s6, s18;
	[sflag:s19] =	ssyncadd.s32 $0xFFFFDC00  }
0x11e: {  	[tilespmem:s10], [sflag:$0xE] =	stream.indirect.gather [hbm4b:s1+s13], $0x80, s29, s13, $0xb8;
	[tilespmem:$0x1F500] =	vst v63  }
0x11f: {  	s0 =	simm.s32 $0x5  }
0x120: {  	[tilespmem:s14], [sflag:$0x9] =	stream.linear.gather [hbm4b:s11+s4], $0x80, $0x38;
	[tilespmem:$0x1F500] =	vst v63  }
0x121: {  	_ =	swait.ge [sflag:s0], $0x80  }
0x122: {  	[sflag:s0] =	ssyncset.done $0x0  }
0x123: {  	[sflag:s0] =	ssyncadd.s32 $0xFFFFFF80  }
0x124: {  	_ =	swait.ge [sflag:s20], $0x2400  }
0x125: {  	[sflag:s20] =	ssyncset.done $0x0  }
0x126: {  	s11 =	sadd.s32 s6, s12;
	[sflag:s20] =	ssyncadd.s32 $0xFFFFDC00  }
0x127: {  	[tilespmem:s16], [sflag:$0xF] =	stream.indirect.gather [hbm4b:s1+s13], $0x80, s30, s13, $0xb8;
	[tilespmem:$0x1F500] =	vst v63  }
.Ltmp0:
0x128: {  	s0 =	simm.s32 $0xB;
	(pc) =	sbr.rel @p0 .LBB2_2-.Ltmp0, $4  }
0x129: {  	[tilespmem:s17], [sflag:$0xA] =	stream.linear.gather [hbm4b:s11+s4], $0x80, $0x38;
	[tilespmem:$0x1F500] =	vst v63  }
0x12a: {  	s11 =	sadd.s32 $0xFFFFFE00, s22;
	_ =	swait.ge [sflag:s0], $0x2400  }
0x12b: {  	s12 =	sand.u32 $0xFC00, s11;
	s15 =	sand.u32 $0x380, s11;
	[sflag:s0] =	ssyncset.done $0x0  }
0x12c: {  	s11 =	smov.u32 s23;
	s12 =	sadd.s32 s8, s12;
	[sflag:s0] =	ssyncadd.s32 $0xFFFFDC00  }
0x12d: {  	s30 =	simm.s32 $0x6  }
0x12e: {  	_ =	swait.ge [sflag:s30], $0x80  }
0x12f: {  	s11 =	sor.u32 s15, s12;
	s0 =	simm.s32 $0x500;
	[sflag:s30] =	ssyncset.done $0x0  }
0x130: {  	s3 =	simm.s32 $0x280;
	s11 =	sshrl.u32 s11, $0x3;
	[sflag:s30] =	ssyncadd.s32 $0xFFFFFF80  }
0x131: {  	[spmem:s2] =	stream.indirect.scatter.add.f32 [tilespmem:s0], [sflag:$0x10], $0x80, s3, s13, $0xb8;
	[tilespmem:$0x1F500] =	vst v63  }
0x132: {  	s31 =	simm.s32 $0xC;
	s15 =	sadd.s32 s5, s11  }
0x133: {  	[tilespmem:s4], [sflag:$0x1] =	stream.linear.gather [hbm4b:s15+s4], $0x80, $0x38;
	[tilespmem:$0x1F500] =	vst v63  }
0x134: {  	_ =	swait.ge [sflag:s31], $0x2400  }
0x135: {  	s16 =	sadd.s32 $0xFFFFFE80, s22;
	[sflag:s31] =	ssyncset.done $0x0  }
0x136: {  	s17 =	simm.s32 $0x7;
	s18 =	sand.u32 $0xFC00, s16;
	[sflag:s31] =	ssyncadd.s32 $0xFFFFDC00  }
0x137: {  	s12 =	sand.u32 $0x380, s16;
	s15 =	sadd.s32 s8, s18;
	_ =	swait.ge [sflag:s17], $0x80  }
0x138: {  	s21 =	simm.s32 $0x2900;
	s12 =	sor.u32 s12, s15;
	[sflag:s17] =	ssyncset.done $0x0  }
0x139: {  	s7 =	simm.s32 $0x300;
	s12 =	sshrl.u32 s12, $0x3;
	[sflag:s17] =	ssyncadd.s32 $0xFFFFFF80  }
0x13a: {  	[spmem:s2] =	stream.indirect.scatter.add.f32 [tilespmem:s21], [sflag:$0x11], $0x80, s7, s13, $0xb8;
	[tilespmem:$0x1F500] =	vst v63  }
0x13b: {  	s24 =	simm.s32 $0x80;
	s16 =	simm.s32 $0xD;
	s23 =	sadd.s32 s5, s12  }
0x13c: {  	[tilespmem:s24], [sflag:$0x2] =	stream.linear.gather [hbm4b:s23+s4], $0x80, $0x38;
	[tilespmem:$0x1F500] =	vst v63  }
0x13d: {  	_ =	swait.ge [sflag:s16], $0x2400  }
0x13e: {  	s25 =	sadd.s32 $0xFFFFFF00, s22;
	[sflag:s16] =	ssyncset.done $0x0  }
0x13f: {  	s14 =	simm.s32 $0x8;
	s18 =	sand.u32 $0xFC00, s25;
	[sflag:s16] =	ssyncadd.s32 $0xFFFFDC00  }
0x140: {  	s18 =	sadd.s32 s8, s18;
	s15 =	sand.u32 $0x380, s25;
	_ =	swait.ge [sflag:s14], $0x80  }
0x141: {  	s26 =	simm.s32 $0x4D00;
	s15 =	sor.u32 s15, s18;
	[sflag:s14] =	ssyncset.done $0x0  }
0x142: {  	s28 =	simm.s32 $0x380;
	s15 =	sshrl.u32 s15, $0x3;
	[sflag:s14] =	ssyncadd.s32 $0xFFFFFF80  }
0x143: {  	[spmem:s2] =	stream.indirect.scatter.add.f32 [tilespmem:s26], [sflag:$0x12], $0x80, s28, s13, $0xb8;
	[tilespmem:$0x1F500] =	vst v63  }
0x144: {  	s10 =	simm.s32 $0xE;
	s25 =	simm.s32 $0x100;
	s29 =	sadd.s32 s5, s15  }
0x145: {  	[tilespmem:s25], [sflag:$0x3] =	stream.linear.gather [hbm4b:s29+s4], $0x80, $0x38;
	[tilespmem:$0x1F500] =	vst v63  }
0x146: {  	_ =	swait.ge [sflag:s10], $0x2400  }
0x147: {  	s9 =	simm.s32 $0x9;
	s3 =	sadd.s32 $0xFFFFFF80, s22;
	[sflag:s10] =	ssyncset.done $0x0  }
0x148: {  	s18 =	sand.u32 $0xFC00, s3;
	s21 =	sadd.s32 $0xFFFFFB80, s22;
	[sflag:s10] =	ssyncadd.s32 $0xFFFFDC00  }
0x149: {  	s18 =	sadd.s32 s8, s18;
	s21 =	sand.u32 $0x380, s21;
	_ =	swait.ge [sflag:s9], $0x80  }
0x14a: {  	s7 =	simm.s32 $0x7100;
	s18 =	sor.u32 s21, s18;
	[sflag:s9] =	ssyncset.done $0x0  }
0x14b: {  	s21 =	simm.s32 $0x400;
	s18 =	sshrl.u32 s18, $0x3;
	[sflag:s9] =	ssyncadd.s32 $0xFFFFFF80  }
0x14c: {  	[spmem:s2] =	stream.indirect.scatter.add.f32 [tilespmem:s7], [sflag:$0x13], $0x80, s21, s13, $0xb8;
	[tilespmem:$0x1F500] =	vst v63  }
0x14d: {  	s23 =	sadd.s32 s5, s18;
	s26 =	simm.s32 $0x180;
	s7 =	simm.s32 $0xF  }
0x14e: {  	[tilespmem:s26], [sflag:$0x4] =	stream.linear.gather [hbm4b:s23+s4], $0x80, $0x38;
	[tilespmem:$0x1F500] =	vst v63  }
0x14f: {  	_ =	swait.ge [sflag:s7], $0x2400  }
0x150: {  	[sflag:s7] =	ssyncset.done $0x0  }
0x151: {  	s3 =	simm.s32 $0xA;
	s24 =	sand.u32 $0xFC00, s22;
	[sflag:s7] =	ssyncadd.s32 $0xFFFFDC00  }
0x152: {  	s28 =	sand.u32 $0x380, s22;
	s21 =	sadd.s32 s8, s24;
	_ =	swait.ge [sflag:s3], $0x80  }
0x153: {  	s24 =	simm.s32 $0x9500;
	s21 =	sor.u32 s28, s21;
	[sflag:s3] =	ssyncset.done $0x0  }
0x154: {  	s21 =	sshrl.u32 s21, $0x3;
	s23 =	simm.s32 $0x480;
	[sflag:s3] =	ssyncadd.s32 $0xFFFFFF80  }
0x155: {  	[spmem:s2] =	stream.indirect.scatter.add.f32 [tilespmem:s24], [sflag:$0x14], $0x80, s23, s13, $0xb8;
	[tilespmem:$0x1F500] =	vst v63  }
0x156: {  	s28 =	simm.s32 $0x200;
	s29 =	sadd.s32 s5, s21  }
0x157: {  	[tilespmem:s28], [sflag:$0x5] =	stream.linear.gather [hbm4b:s29+s4], $0x80, $0x38;
	[tilespmem:$0x1F500] =	vst v63  }
0x158: {  	s29 =	simm.s32 $0x1  }
0x159: {  	_ =	swait.ge [sflag:s29], $0x80  }
0x15a: {  	[sflag:s29] =	ssyncset.done $0x0  }
0x15b: {  	s22 =	simm.s32 $0x10;
	[sflag:s29] =	ssyncadd.s32 $0xFFFFFF80  }
0x15c: {  	_ =	swait.ge [sflag:s22], $0x2400  }
0x15d: {  	[sflag:s22] =	ssyncset.done $0x0  }
0x15e: {  	s0 =	simm.s32 $0x500;
	[sflag:s22] =	ssyncadd.s32 $0xFFFFDC00  }
0x15f: {  	[tilespmem:s0], [sflag:$0xB] =	stream.indirect.gather [hbm4b:s1+s13], $0x80, s4, s13, $0xb8;
	[tilespmem:$0x1F500] =	vst v63  }
0x160: {  	s11 =	sadd.s32 s6, s11;
	s29 =	simm.s32 $0x280;
	s0 =	simm.s32 $0x2  }
0x161: {  	[tilespmem:s29], [sflag:$0x6] =	stream.linear.gather [hbm4b:s11+s4], $0x80, $0x38;
	[tilespmem:$0x1F500] =	vst v63  }
0x162: {  	_ =	swait.ge [sflag:s0], $0x80  }
0x163: {  	[sflag:s0] =	ssyncset.done $0x0  }
0x164: {  	[sflag:s0] =	ssyncadd.s32 $0xFFFFFF80;
	s0 =	simm.s32 $0x11  }
0x165: {  	_ =	swait.ge [sflag:s0], $0x2400  }
0x166: {  	[sflag:s0] =	ssyncset.done $0x0  }
0x167: {  	s11 =	simm.s32 $0x2900;
	s29 =	simm.s32 $0x80;
	[sflag:s0] =	ssyncadd.s32 $0xFFFFDC00  }
0x168: {  	[tilespmem:s11], [sflag:$0xC] =	stream.indirect.gather [hbm4b:s1+s13], $0x80, s29, s13, $0xb8;
	[tilespmem:$0x1F500] =	vst v63  }
0x169: {  	s11 =	sadd.s32 s6, s12;
	s12 =	simm.s32 $0x300  }
0x16a: {  	[tilespmem:s12], [sflag:$0x7] =	stream.linear.gather [hbm4b:s11+s4], $0x80, $0x38;
	[tilespmem:$0x1F500] =	vst v63  }
0x16b: {  	s12 =	simm.s32 $0x3  }
0x16c: {  	_ =	swait.ge [sflag:s12], $0x80  }
0x16d: {  	[sflag:s12] =	ssyncset.done $0x0  }
0x16e: {  	[sflag:s12] =	ssyncadd.s32 $0xFFFFFF80;
	s12 =	simm.s32 $0x12  }
0x16f: {  	_ =	swait.ge [sflag:s12], $0x2400  }
0x170: {  	[sflag:s12] =	ssyncset.done $0x0  }
0x171: {  	s11 =	simm.s32 $0x4D00;
	[sflag:s12] =	ssyncadd.s32 $0xFFFFDC00  }
0x172: {  	[tilespmem:s11], [sflag:$0xD] =	stream.indirect.gather [hbm4b:s1+s13], $0x80, s25, s13, $0xb8;
	[tilespmem:$0x1F500] =	vst v63  }
0x173: {  	s11 =	sadd.s32 s6, s15;
	s15 =	simm.s32 $0x380  }
0x174: {  	[tilespmem:s15], [sflag:$0x8] =	stream.linear.gather [hbm4b:s11+s4], $0x80, $0x38;
	[tilespmem:$0x1F500] =	vst v63  }
0x175: {  	s11 =	simm.s32 $0x4  }
0x176: {  	_ =	swait.ge [sflag:s11], $0x80  }
0x177: {  	[sflag:s11] =	ssyncset.done $0x0  }
0x178: {  	[sflag:s11] =	ssyncadd.s32 $0xFFFFFF80  }
0x179: {  	_ =	swait.ge [sflag:s19], $0x2400  }
0x17a: {  	[sflag:s19] =	ssyncset.done $0x0  }
0x17b: {  	s11 =	simm.s32 $0x7100;
	[sflag:s19] =	ssyncadd.s32 $0xFFFFDC00  }
0x17c: {  	[tilespmem:s11], [sflag:$0xE] =	stream.indirect.gather [hbm4b:s1+s13], $0x80, s26, s13, $0xb8;
	[tilespmem:$0x1F500] =	vst v63  }
0x17d: {  	s11 =	sadd.s32 s6, s18;
	s18 =	simm.s32 $0x400  }
0x17e: {  	[tilespmem:s18], [sflag:$0x9] =	stream.linear.gather [hbm4b:s11+s4], $0x80, $0x38;
	[tilespmem:$0x1F500] =	vst v63  }
0x17f: {  	s11 =	simm.s32 $0x5  }
0x180: {  	_ =	swait.ge [sflag:s11], $0x80  }
0x181: {  	[sflag:s11] =	ssyncset.done $0x0  }
0x182: {  	[sflag:s11] =	ssyncadd.s32 $0xFFFFFF80  }
0x183: {  	_ =	swait.ge [sflag:s20], $0x2400  }
0x184: {  	[sflag:s20] =	ssyncset.done $0x0  }
0x185: {  	[sflag:s20] =	ssyncadd.s32 $0xFFFFDC00  }
0x186: {  	[tilespmem:s24], [sflag:$0xF] =	stream.indirect.gather [hbm4b:s1+s13], $0x80, s28, s13, $0xb8;
	[tilespmem:$0x1F500] =	vst v63  }
0x187: {  	s28 =	sadd.s32 s6, s21;
	s21 =	simm.s32 $0xB  }
0x188: {  	[tilespmem:s23], [sflag:$0xA] =	stream.linear.gather [hbm4b:s28+s4], $0x80, $0x38;
	[tilespmem:$0x1F500] =	vst v63  }
0x189: {  	_ =	swait.ge [sflag:s21], $0x2400  }
0x18a: {  	[sflag:s21] =	ssyncset.done $0x0  }
0x18b: {  	[sflag:s21] =	ssyncadd.s32 $0xFFFFDC00  }
0x18c: {  	_ =	swait.ge [sflag:s30], $0x80  }
0x18d: {  	[sflag:s30] =	ssyncset.done $0x0  }
0x18e: {  	s28 =	simm.s32 $0x500;
	[sflag:s30] =	ssyncadd.s32 $0xFFFFFF80;
	s30 =	simm.s32 $0x280  }
0x18f: {  	[spmem:s2] =	stream.indirect.scatter.add.f32 [tilespmem:s28], [sflag:$0x10], $0x80, s30, s13, $0xb8;
	[tilespmem:$0x1F500] =	vst v63  }
0x190: {  	_ =	swait.ge [sflag:s31], $0x2400  }
0x191: {  	[sflag:s31] =	ssyncset.done $0x0  }
0x192: {  	[sflag:s31] =	ssyncadd.s32 $0xFFFFDC00  }
0x193: {  	_ =	swait.ge [sflag:s17], $0x80  }
0x194: {  	[sflag:s17] =	ssyncset.done $0x0  }
0x195: {  	s29 =	simm.s32 $0x2900;
	s21 =	simm.s32 $0x300;
	[sflag:s17] =	ssyncadd.s32 $0xFFFFFF80  }
0x196: {  	[spmem:s2] =	stream.indirect.scatter.add.f32 [tilespmem:s29], [sflag:$0x11], $0x80, s21, s13, $0xb8;
	[tilespmem:$0x1F500] =	vst v63  }
0x197: {  	_ =	swait.ge [sflag:s16], $0x2400  }
0x198: {  	[sflag:s16] =	ssyncset.done $0x0  }
0x199: {  	[sflag:s16] =	ssyncadd.s32 $0xFFFFDC00  }
0x19a: {  	_ =	swait.ge [sflag:s14], $0x80  }
0x19b: {  	[sflag:s14] =	ssyncset.done $0x0  }
0x19c: {  	s25 =	simm.s32 $0x4D00;
	[sflag:s14] =	ssyncadd.s32 $0xFFFFFF80  }
0x19d: {  	[spmem:s2] =	stream.indirect.scatter.add.f32 [tilespmem:s25], [sflag:$0x12], $0x80, s15, s13, $0xb8;
	[tilespmem:$0x1F500] =	vst v63  }
0x19e: {  	_ =	swait.ge [sflag:s10], $0x2400  }
0x19f: {  	[sflag:s10] =	ssyncset.done $0x0  }
0x1a0: {  	[sflag:s10] =	ssyncadd.s32 $0xFFFFDC00  }
0x1a1: {  	_ =	swait.ge [sflag:s9], $0x80  }
0x1a2: {  	[sflag:s9] =	ssyncset.done $0x0  }
0x1a3: {  	s26 =	simm.s32 $0x7100;
	[sflag:s9] =	ssyncadd.s32 $0xFFFFFF80  }
0x1a4: {  	[spmem:s2] =	stream.indirect.scatter.add.f32 [tilespmem:s26], [sflag:$0x13], $0x80, s18, s13, $0xb8;
	[tilespmem:$0x1F500] =	vst v63  }
0x1a5: {  	_ =	swait.ge [sflag:s7], $0x2400  }
0x1a6: {  	[sflag:s7] =	ssyncset.done $0x0  }
0x1a7: {  	[sflag:s7] =	ssyncadd.s32 $0xFFFFDC00  }
0x1a8: {  	_ =	swait.ge [sflag:s3], $0x80  }
0x1a9: {  	[sflag:s3] =	ssyncset.done $0x0  }
0x1aa: {  	[sflag:s3] =	ssyncadd.s32 $0xFFFFFF80  }
0x1ab: {  	[spmem:s2] =	stream.indirect.scatter.add.f32 [tilespmem:s24], [sflag:$0x14], $0x80, s23, s13, $0xb8;
	[tilespmem:$0x1F500] =	vst v63  }
0x1ac: {  	_ =	swait.ge [sflag:s22], $0x2400  }
0x1ad: {  	[sflag:s22] =	ssyncset.done $0x0  }
0x1ae: {  	[sflag:s22] =	ssyncadd.s32 $0xFFFFDC00  }
0x1af: {  	_ =	swait.ge [sflag:s0], $0x2400  }
0x1b0: {  	[sflag:s0] =	ssyncset.done $0x0  }
0x1b1: {  	[sflag:s0] =	ssyncadd.s32 $0xFFFFDC00  }
0x1b2: {  	_ =	swait.ge [sflag:s12], $0x2400  }
0x1b3: {  	[sflag:s12] =	ssyncset.done $0x0  }
0x1b4: {  	[sflag:s12] =	ssyncadd.s32 $0xFFFFDC00  }
0x1b5: {  	_ =	swait.ge [sflag:s19], $0x2400  }
0x1b6: {  	[sflag:s19] =	ssyncset.done $0x0  }
0x1b7: {  	[sflag:s19] =	ssyncadd.s32 $0xFFFFDC00  }
0x1b8: {  	_ =	swait.ge [sflag:s20], $0x2400  }
0x1b9: {  	[sflag:s20] =	ssyncset.done $0x0  }
0x1ba: {  	s26 =	stileid.u32;
	[sflag:s20] =	ssyncadd.s32 $0xFFFFDC00  }
0x1bb: {  	s11 =	sshll.u32 s26, $0x6;
	[bflag:$0x0] =	sbarrier.arrive $0xFFFF  }
0x1bc: {  	s11 =	sor.u32 $0x1C15, s11;
	s15 =	rddreg [dreg:$0x5]  }
0x1bd: {  	s12 =	simm.s32 $0x15;
	s29 =	rddreg [dreg:$0x14];
	s28 =	sshrl.u32 s15, $0x3  }
0x1be: {  	[hbm:s29], [sflag:s11] =	dma.local [spmem:s28], $0x2780  }
0x1bf: {  	_ =	swait.ge [sflag:s12], $0x2780  }
0x1c0: {  	s30 =	rddreg [dreg:$0x1a]  }
0x1c1: {  	s31 =	rddreg [dreg:$0x15];
	s0 =	sadd.s32 $0x1, s30  }
0x1c2: {  	p0 =	sne.s32 s0, s31  }
.Ltmp1:
0x1c3: {  	_ = 	snop;
	(pc) =	sbr.rel @p0 .LBB2_1-.Ltmp1, $3  }
0x1c4: {  	_ =	sdelay $0x1  }
0x1c5: {  	[sflag:s12] =	ssyncset.done $0x0  }
0x1c6: {  	[sflag:s12] =	ssyncadd.s32 $0xFFFFD880  }
0x1c7: {  	_ =	sfence.sel $0x180000  }
0x1c8: {  	[bflag:$0x0] =	sbarrier.arrive $0xFFFF  }
0x1c9: {  	_ =	strace $0x90000047  }
0x1ca: {  	s0 =	stileid.u32;
	[bflag:$0x2] =	sbarrier.arrive $0xFFFF  }
0x1cb: {  	p0 =	sne.s32 s0, $0x0;
	s0 =	rddreg [dreg:$0x3]  }
0x1cc: {  	s0 =	sadd.s32 @!p0 $0x100000, s0  }
0x1cd: {  	[sflag:s0] =	ssyncadd.tile.s32 @!p0 $0x1;
	_ =	shalt  }
.Lfunc_end2:
_tile_overlayer_lowered:
.L_overlay_start_2:
0x1ce: {  	(tag) =	ssettag $0x2  }
0x1cf: {  	s0 =	rddreg [dreg:$0x0];
	s2 =	stileid.u32  }
0x1d0: {  	s1 =	rddreg [dreg:$0x1];
	p0 =	sne.s32 s2, $0x0  }
0x1d1: {  	s3 =	rddreg [dreg:$0x2];
	[bflag:$0x3] =	sbarrier.arrive $0xFFFF;
	s2 =	simm.s32 @!p0 $0x1C15  }
0x1d2: {  	[timem:s3], [sflag:s2] =	dma.local @!p0 [hbm:s0], s1  }
0x1d3: {  	s0 =	simm.s32 @!p0 $0x15  }
0x1d4: {  	_ =	swait.ge @!p0 [sflag:s0], s1  }
0x1d5: {  	s1 =	ssub.s32 @!p0 $0x0, s1;
	[sflag:s0] =	ssyncset.done @!p0 $0x0  }
0x1d6: {  	[sflag:s0] =	ssyncadd.s32 @!p0 s1  }
0x1d7: {  	[bflag:$0x3] =	sbarrier.arrive $0xFFFF  }
0x1d8: {  	_ =	shalt  }

// kernel: kernel.9.cloned.1.call-start
scs
__scs_entry_jumppad:
0x0: {  	(pc) =	sbr.rel $0x88, $3  }
0x1: {  	(tag) =	ssettag $0x0;
	lr =	simm.s32 $0x1  }
0x2: {  	[smem:$0x3F97] =	sst lr;
	_ =	strace $0xD0000000  }
0x3: {  	_ = 	snop  }
0x4: {  	_ = 	snop  }
0x5: {  	_ = 	snop  }
0x6: {  	_ = 	snop  }
0x7: {  	_ = 	snop  }
__scs_overlays_trampoline_lowered:
0x8: {  	[smem:$0x3FA6] =	sst s0  }
0x9: {  	[smem:$0x3FA7] =	sst s1  }
0xa: {  	[smem:$0x3FA8] =	sst s2  }
0xb: {  	[smem:$0x3FA9] =	sst s3  }
0xc: {  	[smem:$0x3FAA] =	sst s4  }
0xd: {  	[smem:$0x3FAB] =	sst s5  }
0xe: {  	[smem:$0x3FAC] =	sst s6  }
0xf: {  	[smem:$0x3FAD] =	sst s7  }
0x10: {  	[smem:$0x3FAE] =	sst s8  }
0x11: {  	[smem:$0x3FAF] =	sst s9;
	s0 =	simm.s32 @!p0 $0x0  }
0x12: {  	s1 =	sld [smem:$0x3F95];
	s0 =	simm.s32 @p0 $0x1  }
0x13: {  	[smem:$0x3FB0] =	sst s0;
	s0 =	simm.s32 @!p1 $0x0  }
0x14: {  	s2 =	sld [smem:$0x3F94];
	s0 =	simm.s32 @p1 $0x1  }
0x15: {  	[smem:$0x3FB1] =	sst s0;
	s0 =	simm.s32 @!p2 $0x0  }
0x16: {  	s3 =	sld [smem:$0x3FDB];
	s0 =	simm.s32 @p2 $0x1  }
0x17: {  	s4 =	simm.s32 $0x1BF5;
	[smem:$0x3FB3] =	sst s0  }
0x18: {  	s0 =	sld [smem:$0x3F96];
	_ =	swait.ge [sflag:s4], $0x0  }
0x19: {  	s7 =	sld [smem:$0x3F97]  }
0x1a: {  	s8 =	sadd.s32 $0xFFFFE003, lr  }
0x1b: {  	s9 =	sadd.s32 $0xFFFFFEF7, lr;
	s5 =	simm.s32 $0xFFFFFFFF;
	p2 =	slt.u32 s8, $0xFFFFF086  }
0x1c: {  	p1 =	slt.u32 s9, $0xF7A;
	s5 =	simm.s32 @!p2 $0x0  }
0x1d: {  	s5 =	simm.s32 @p1 $0x1;
	p0 =	seq.s32 s7, s2  }
0x1e: {  	s7 =	smul.u32 @!p0 $0xF7A, s2;
	p2 =	seq.s32 @!p0 s5, $0x0  }
0x1f: {  	s9 =	smul.u32 $0xF7A, s1;
	s8 =	simm.s32 @!p0 $0x1BF5;
	p2 =	por !p2, p0  }
0x20: {  	[sflag:s8] =	ssyncset.s32 @!p0 $0xFFFFF086;
	s6 =	sadd.s32 @!p0 s3, s7;
	s7 =	simm.s32 @!p0 $0x108  }
0x21: {  	s3 =	sadd.s32 s3, s9;
	s6 =	sadd.s32 @!p0 $0x88, s6;
	s7 =	simm.s32 @p2 $0x1082  }
0x22: {  	[simem:s7], [sflag:s8] =	dma.local @!p0 [hbm:s6], $0xF7A  }
0x23: {  	s9 =	sor.u32 $0xD0000000, s2;
	s6 =	simm.s32 $0x108;
	_ =	swait.ge @!p0 [sflag:s8], $0x0  }
0x24: {  	s3 =	sadd.s32 $0x88, s3;
	s6 =	simm.s32 @!p1 $0x1082;
	[sflag:s4] =	ssyncset.s32 $0xFFFFF086  }
0x25: {  	[simem:s6], [sflag:s4] =	dma.local [hbm:s3], $0xF7A  }
0x26: {  	[smem:$0x3F97] =	sst s1;
	(tag) =	ssettag s2;
	_ =	strace s9  }
0x27: {  	s1 =	sld [smem:$0x3FA7]  }
0x28: {  	s2 =	sld [smem:$0x3FA8]  }
0x29: {  	s4 =	sld [smem:$0x3FAA]  }
0x2a: {  	p0 =	seq.s32 s5, $0x0;
	s5 =	sld [smem:$0x3FAB]  }
0x2b: {  	s6 =	sld [smem:$0x3FAC]  }
0x2c: {  	s7 =	sld [smem:$0x3FAD]  }
0x2d: {  	s3 =	simm.s32 $0x108;
	s8 =	sld [smem:$0x3FAE]  }
0x2e: {  	s3 =	simm.s32 @!p0 $0x1082;
	s9 =	sld [smem:$0x3FAF]  }
0x2f: {  	lr =	sadd.s32 s0, s3;
	s0 =	sld [smem:$0x3FA6]  }
0x30: {  	s3 =	sld [smem:$0x3FA9]  }
0x31: {  	[smem:$0x3FB2] =	sst s10  }
0x32: {  	s10 =	sld [smem:$0x3FB0];
	_ =	sdelay $0x3  }
0x33: {  	p0 =	seq.s32 s10, $0x1;
	s10 =	sld [smem:$0x3FB2];
	_ =	sdelay $0x3  }
0x34: {  	[smem:$0x3FB2] =	sst s10  }
0x35: {  	s10 =	sld [smem:$0x3FB1];
	_ =	sdelay $0x3  }
0x36: {  	p1 =	seq.s32 s10, $0x1;
	s10 =	sld [smem:$0x3FB2];
	_ =	sdelay $0x3  }
0x37: {  	[smem:$0x3FB2] =	sst s10  }
0x38: {  	s10 =	sld [smem:$0x3FB3]  }
0x39: {  	_ = 	snop;
	(pc) =	sbr.ind lr, $3  }
0x3a: {  	_ = 	snop  }
0x3b: {  	_ = 	snop  }
0x3c: {  	p2 =	seq.s32 s10, $0x1;
	s10 =	sld [smem:$0x3FB2]  }
0x3d: {  	_ =	shalt  }
0x3e: {  	_ =	shalt  }
0x3f: {  	_ =	shalt  }
0x40: {  	_ =	shalt  }
0x41: {  	_ =	shalt  }
0x42: {  	_ =	shalt  }
0x43: {  	_ =	shalt  }
0x44: {  	_ =	shalt  }
0x45: {  	_ =	shalt  }
0x46: {  	_ =	shalt  }
0x47: {  	_ =	shalt  }
0x48: {  	_ =	shalt  }
0x49: {  	_ =	shalt  }
0x4a: {  	_ =	shalt  }
0x4b: {  	_ =	shalt  }
0x4c: {  	_ =	shalt  }
0x4d: {  	_ =	shalt  }
0x4e: {  	_ =	shalt  }
0x4f: {  	_ =	shalt  }
0x50: {  	_ =	shalt  }
0x51: {  	_ =	shalt  }
0x52: {  	_ =	shalt  }
0x53: {  	_ =	shalt  }
0x54: {  	_ =	shalt  }
0x55: {  	_ =	shalt  }
0x56: {  	_ =	shalt  }
0x57: {  	_ =	shalt  }
0x58: {  	_ =	shalt  }
0x59: {  	_ =	shalt  }
0x5a: {  	_ =	shalt  }
0x5b: {  	_ =	shalt  }
0x5c: {  	_ =	shalt  }
0x5d: {  	_ =	shalt  }
0x5e: {  	_ =	shalt  }
0x5f: {  	_ =	shalt  }
0x60: {  	_ =	shalt  }
0x61: {  	_ =	shalt  }
0x62: {  	_ =	shalt  }
0x63: {  	_ =	shalt  }
0x64: {  	_ =	shalt  }
0x65: {  	_ =	shalt  }
0x66: {  	_ =	shalt  }
0x67: {  	_ =	shalt  }
0x68: {  	_ =	shalt  }
0x69: {  	_ =	shalt  }
0x6a: {  	_ =	shalt  }
0x6b: {  	_ =	shalt  }
0x6c: {  	_ =	shalt  }
0x6d: {  	_ =	shalt  }
0x6e: {  	_ =	shalt  }
0x6f: {  	_ =	shalt  }
0x70: {  	_ =	shalt  }
0x71: {  	_ =	shalt  }
0x72: {  	_ =	shalt  }
0x73: {  	_ =	shalt  }
0x74: {  	_ =	shalt  }
0x75: {  	_ =	shalt  }
0x76: {  	_ =	shalt  }
0x77: {  	_ =	shalt  }
0x78: {  	_ =	shalt  }
0x79: {  	_ =	shalt  }
0x7a: {  	_ =	shalt  }
0x7b: {  	_ =	shalt  }
0x7c: {  	_ =	shalt  }
0x7d: {  	_ =	shalt  }
0x7e: {  	_ =	shalt  }
0x7f: {  	_ =	shalt  }
0x80: {  	_ =	shalt  }
0x81: {  	_ =	shalt  }
0x82: {  	_ =	shalt  }
0x83: {  	_ =	shalt  }
0x84: {  	_ =	shalt  }
0x85: {  	_ =	shalt  }
0x86: {  	_ =	shalt  }
0x87: {  	_ =	shalt  }
.Lfunc_end0:
.L_simem_size_0:
called_computation.1_lowered:
.L_overlay_start_0:
0x88: {  	s2 =	sld [smem:$0x3FD9]  }
0x89: {  	s3 =	sld [smem:$0x3FFE];
	_ =	sdelay $0x1  }
0x8a: {  	s1 =	srdreg.scid  }
0x8b: {  	s0 =	sand.u32 $0x1, s1  }
0x8c: {  	s17 =	sshll.u32 s0, $0xA;
	s2 =	sadd.s32 s3, s2  }
0x8d: {  	s2 =	sadd.s32 s2, s17  }
0x8e: {  	[smem:$0x3FBE] =	sst s2  }
0x8f: {  	_ = 	snop  }
0x90: {  	s2 =	sld [smem:$0x3FD0];
	(tm) =	ssettm $0x1  }
0x91: {  	s18 =	sld [smem:$0x3FFB];
	_ =	sdelay $0x3  }
0x92: {  	_ =	strace s18  }
0x93: {  	s3 =	sld [smem:$0x3FFC];
	_ =	sdelay $0x3  }
0x94: {  	_ =	strace s3  }
0x95: {  	s3 =	sld [smem:$0x3FFD];
	_ =	sdelay $0x3  }
0x96: {  	_ =	strace s3  }
0x97: {  	_ =	strace $0x8FFFFFFF  }
0x98: {  	s19 =	sld [smem:$0x3FDB];
	_ =	sdelay $0x1  }
0x99: {  	s4 =	simm.s32 $_scs_section_size  }
0x9a: {  	s5 =	simm.s32 $_size__tile_overlayer_lowered;
	s6 =	simm.s32 $_tile_overlayer_lowered  }
0x9b: {  	s22 =	simm.s32 $0x1BFF;
	s21 =	sshll.u32 s6, $0x1;
	s3 =	sadd.s32 s4, s19  }
0x9c: {  	s7 =	simm.s32 $0x0;
	s20 =	sshll.u32 s5, $0x1;
	s5 =	sadd.s32 s21, s3  }
0x9d: {  	[timem:s7], [sflag:s22] =	dma.local [hbm:s5], s20  }
0x9e: {  	_ =	swait.ge [sflag:s22], s20  }
0x9f: {  	s4 =	ssub.s32 $0x0, s20;
	[sflag:s22] =	ssyncset.done $0x0  }
0xa0: {  	[sflag:s22] =	ssyncadd.s32 s4;
	_ =	sdelay $0x1  }
0xa1: {  	s23 =	simm.s32 $0x1B8B  }
0xa2: {  	_ =	swait.ge [sflag:s23], $0x1  }
0xa3: {  	[sflag:s23] =	ssyncset.done $0x0  }
0xa4: {  	s25 =	simm.s32 $0x1B8E;
	s24 =	sld [smem:$0x3FFE];
	[sflag:s23] =	ssyncadd.s32 $0xFFFFFFFF  }
0xa5: {  	s26 =	simm.s32 $execute0_lowered;
	[smem:$0x3FD2] =	sst s25  }
0xa6: {  	s5 =	sshll.u32 s26, $0x1;
	_ =	strace $0x80000049;
	[dreg:$0x1] =	wrdreg $0xFFFFFFFF  }
0xa7: {  	s28 =	simm.s32 $_size_execute0_lowered;
	s3 =	sadd.s32 s3, s5;
	[dreg:$0x0] =	wrdreg $0x0  }
0xa8: {  	s5 =	sshll.u32 s28, $0x1;
	[dreg:$0x2] =	wrdreg s3  }
0xa9: {  	[dreg:$0x3] =	wrdreg s5  }
0xaa: {  	[dreg:$0x4] =	wrdreg $0xC0  }
0xab: {  	_ =	task [dreg:s7], $0x5FFFF  }
0xac: {  	[dreg:$0x1] =	wrdreg $0xFFFFFFFF  }
0xad: {  	[dreg:$0x0] =	wrdreg $0x60  }
0xae: {  	[dreg:$0x2] =	wrdreg s2  }
0xaf: {  	[dreg:$0x3] =	wrdreg s24  }
0xb0: {  	[dreg:$0x4] =	wrdreg $0xB9000  }
0xb1: {  	[dreg:$0x5] =	wrdreg $0x9  }
0xb2: {  	_ =	task.clear_ibuf [dreg:s7], $0x6FFFF;
	_ =	strace $0x90000049  }
0xb3: {  	s29 =	simm.s32 $0x9;
	_ =	strace $0x8000004B  }
0xb4: {  	_ =	swait.ge [sflag:s29], $0x1  }
0xb5: {  	[sflag:s29] =	ssyncadd.s32 $0xFFFFFFFF  }
0xb6: {  	_ =	strace $0x9000004B  }
0xb7: {  	_ =	sfence  }
0xb8: {  	s30 =	sld [smem:$0x0];
	_ =	sdelay $0x2  }
0xb9: {  	s31 =	sshll.u32 s1, $0xD;
	s1 =	sshrl.u32 s1, $0x2  }
0xba: {  	s3 =	sand.u32 $0x4000, s31;
	s1 =	sadd.s32 s1, s30  }
0xbb: {  	s0 =	sor.u32 s3, s0;
	s1 =	sshll.u32 s1, $0x11  }
0xbc: {  	s0 =	sor.u32 s1, s0  }
0xbd: {  	s0 =	sadd.s32 $0x8F2B, s0  }
0xbe: {  	[sflag:s0] =	ssyncadd.remote.s32 $0x1  }
0xbf: {  	_ =	sfence.sel $0xFFFF  }
0xc0: {  	[dreg:$0x0] =	wrdreg $0xFFFFFFFF;
	(pc) =	sbr.abs _section_cstart, $3  }
0xc1: {  	[dreg:$0x1] =	wrdreg $0xFFFFFFFF  }
0xc2: {  	_ =	task.clear_ibuf [dreg:s7], $0x2FFFF;
	_ =	strace $0x9FFFFFFF  }
0xc3: {  	(tm) =	ssettm $0x7FFFFFFF  }
tec
execute0_lowered:
.L_overlay_start_1:
0x0: {  	(tag) =	ssettag $0x1  }
0x1: {  	s1 =	rddreg [dreg:$0x0]  }
0x2: {  	s0 =	rddreg [dreg:$0x1]  }
0x3: {  	s2 =	rddreg [dreg:$0x2]  }
0x4: {  	s3 =	srdreg.scid;
	s10 =	stileid.u32  }
0x5: {  	s4 =	simm.s32 $0x0;
	s3 =	sand.u32 $0x1, s3;
	s8 =	smul.u32 $0x13C00, s10  }
0x6: {  	[smem:$0x7FF] =	sst s4;
	s5 =	sadd.s32 $0x2200, s0;
	s9 =	smul.u32 $0x4F000, s10  }
0x7: {  	s6 =	sadd.s32 $0x15200, s0;
	s11 =	sadd.s32 $0x28200, s0;
	s7 =	smul.u32 $0x13C000, s3  }
0x8: {  	_ =	strace $0x8000004A;
	s28 =	sshll.u32 s3, $0x4;
	s9 =	sshrl.u32 s9, $0x2  }
0x9: {  	[dreg:$0x4] =	wrdreg s11;
	s3 =	ssub.s32 $0x2, s3;
	s15 =	sadd.s32 s9, s2  }
0xa: {  	s29 =	sshrl.u32 s3, $0x1;
	s30 =	sadd.s32 $0x2400, s15;
	[dreg:$0x5] =	wrdreg s15  }
0xb: {  	s7 =	sadd.s32 s8, s7;
	s9 =	sadd.s32 $0x4800, s15;
	[dreg:$0x6] =	wrdreg s30  }
0xc: {  	s8 =	sor.u32 s10, s28;
	s10 =	sadd.s32 $0x6C00, s15;
	[dreg:$0x7] =	wrdreg s9  }
0xd: {  	s3 =	ssub.s32 s3, s29;
	s14 =	sadd.s32 $0x9000, s15;
	[dreg:$0x8] =	wrdreg s10  }
0xe: {  	s7 =	sshrl.u32 s7, $0x3;
	s26 =	smax.u32 s3, $0x1;
	[dreg:$0x9] =	wrdreg s14  }
0xf: {  	s8 =	smul.u32 $0x4C00, s8;
	s28 =	sadd.s32 $0xB400, s15;
	[dreg:$0x15] =	wrdreg s26  }
0x10: {  	s29 =	sadd.s32 $0xD800, s15;
	s0 =	sadd.s32 s7, s0;
	[dreg:$0x16] =	wrdreg s28  }
0x11: {  	[dreg:$0x17] =	wrdreg s29;
	s30 =	sadd.s32 $0xFC00, s15;
	s31 =	sshrl.u32 s8, $0x3  }
0x12: {  	s0 =	sadd.s32 $0x28800, s0;
	[dreg:$0x18] =	wrdreg s30;
	s11 =	sor.u32 $0x10, s31  }
0x13: {  	s16 =	sadd.s32 s5, s31;
	s18 =	sor.u32 $0x20, s31;
	[dreg:$0x14] =	wrdreg s0  }
0x14: {  	s19 =	sor.u32 $0x30, s31;
	s7 =	sadd.s32 s6, s31;
	[dreg:$0xa] =	wrdreg s16  }
0x15: {  	s12 =	sor.u32 $0x40, s31;
	s31 =	sadd.s32 $0x12000, s15;
	[dreg:$0xf] =	wrdreg s7  }
0x16: {  	s17 =	sadd.s32 s5, s11;
	[dreg:$0x19] =	wrdreg s31  }
0x17: {  	s13 =	sadd.s32 s5, s18;
	[dreg:$0xb] =	wrdreg s17  }
0x18: {  	s20 =	sadd.s32 s5, s19;
	[dreg:$0xc] =	wrdreg s13  }
0x19: {  	s21 =	sadd.s32 s5, s12;
	[dreg:$0xd] =	wrdreg s20  }
0x1a: {  	s22 =	sadd.s32 s6, s11;
	[dreg:$0xe] =	wrdreg s21  }
0x1b: {  	s0 =	simm.s32 $0x0;
	s23 =	sadd.s32 s6, s18;
	[dreg:$0x10] =	wrdreg s22  }
0x1c: {  	s24 =	sadd.s32 s6, s19;
	s25 =	sadd.s32 s6, s12;
	[dreg:$0x11] =	wrdreg s23  }
0x1d: {  	s12 =	simm.s32 $0x15;
	s19 =	simm.s32 $0x13;
	[dreg:$0x12] =	wrdreg s24  }
0x1e: {  	[dreg:$0x13] =	wrdreg s25;
	s13 =	simm.s32 $0x48;
	s20 =	simm.s32 $0x14  }
.LBB2_1:
0x1f: {  	[dreg:$0x1a] =	wrdreg s0  }
0x20: {  	s11 =	rddreg [dreg:$0x4];
	s21 =	simm.s32 $0x500  }
0x21: {  	[tilespmem:s21], [sflag:$0x15] =	stream.linear.gather [hbm4b:s11+s4], $0x2400, $0x38;
	[tilespmem:$0x1F500] =	vst v63  }
0x22: {  	_ =	swait.ge [sflag:s12], $0x2400  }
0x23: {  	[sflag:s12] =	ssyncset.done $0x0  }
0x24: {  	[sflag:s12] =	ssyncadd.s32 $0xFFFFDC00  }
0x25: {  	[spmem:s15] =	stream.linear.scatter [tilespmem:s21], [sflag:$0x15], $0x2400, $0x38;
	[tilespmem:$0x1F500] =	vst v63  }
0x26: {  	_ =	swait.ge [sflag:s12], $0x2400  }
0x27: {  	[sflag:s12] =	ssyncset.done $0x0  }
0x28: {  	s29 =	rddreg [dreg:$0x6];
	[sflag:s12] =	ssyncadd.s32 $0xFFFFDC00  }
0x29: {  	[spmem:s29] =	stream.linear.scatter [tilespmem:s21], [sflag:$0x15], $0x2400, $0x38;
	[tilespmem:$0x1F500] =	vst v63  }
0x2a: {  	_ =	swait.ge [sflag:s12], $0x2400  }
0x2b: {  	[sflag:s12] =	ssyncset.done $0x0  }
0x2c: {  	s30 =	rddreg [dreg:$0x7];
	[sflag:s12] =	ssyncadd.s32 $0xFFFFDC00  }
0x2d: {  	[spmem:s30] =	stream.linear.scatter [tilespmem:s21], [sflag:$0x15], $0x2400, $0x38;
	[tilespmem:$0x1F500] =	vst v63  }
0x2e: {  	_ =	swait.ge [sflag:s12], $0x2400  }
0x2f: {  	[sflag:s12] =	ssyncset.done $0x0  }
0x30: {  	s31 =	rddreg [dreg:$0x8];
	[sflag:s12] =	ssyncadd.s32 $0xFFFFDC00  }
0x31: {  	[spmem:s31] =	stream.linear.scatter [tilespmem:s21], [sflag:$0x15], $0x2400, $0x38;
	[tilespmem:$0x1F500] =	vst v63  }
0x32: {  	_ =	swait.ge [sflag:s12], $0x2400  }
0x33: {  	[sflag:s12] =	ssyncset.done $0x0  }
0x34: {  	s0 =	rddreg [dreg:$0x9];
	[sflag:s12] =	ssyncadd.s32 $0xFFFFDC00  }
0x35: {  	[spmem:s0] =	stream.linear.scatter [tilespmem:s21], [sflag:$0x15], $0x2400, $0x38;
	[tilespmem:$0x1F500] =	vst v63  }
0x36: {  	_ =	swait.ge [sflag:s12], $0x2400  }
0x37: {  	[sflag:s12] =	ssyncset.done $0x0  }
0x38: {  	s3 =	rddreg [dreg:$0x16];
	[sflag:s12] =	ssyncadd.s32 $0xFFFFDC00  }
0x39: {  	[spmem:s3] =	stream.linear.scatter [tilespmem:s21], [sflag:$0x15], $0x2400, $0x38;
	[tilespmem:$0x1F500] =	vst v63  }
0x3a: {  	_ =	swait.ge [sflag:s12], $0x2400  }
0x3b: {  	[sflag:s12] =	ssyncset.done $0x0  }
0x3c: {  	s7 =	rddreg [dreg:$0x17];
	[sflag:s12] =	ssyncadd.s32 $0xFFFFDC00  }
0x3d: {  	[spmem:s7] =	stream.linear.scatter [tilespmem:s21], [sflag:$0x15], $0x2400, $0x38;
	[tilespmem:$0x1F500] =	vst v63  }
0x3e: {  	_ =	swait.ge [sflag:s12], $0x2400  }
0x3f: {  	[sflag:s12] =	ssyncset.done $0x0  }
0x40: {  	s9 =	rddreg [dreg:$0x18];
	[sflag:s12] =	ssyncadd.s32 $0xFFFFDC00  }
0x41: {  	[spmem:s9] =	stream.linear.scatter [tilespmem:s21], [sflag:$0x15], $0x2400, $0x38;
	[tilespmem:$0x1F500] =	vst v63  }
0x42: {  	_ =	swait.ge [sflag:s12], $0x2400  }
0x43: {  	[sflag:s12] =	ssyncset.done $0x0  }
0x44: {  	s10 =	rddreg [dreg:$0x19];
	[sflag:s12] =	ssyncadd.s32 $0xFFFFDC00  }
0x45: {  	[spmem:s10] =	stream.linear.scatter [tilespmem:s21], [sflag:$0x15], $0x1C00, $0x38;
	[tilespmem:$0x1F500] =	vst v63  }
0x46: {  	_ =	swait.ge [sflag:s12], $0x1C00  }
0x47: {  	[sflag:s12] =	ssyncset.done $0x0  }
0x48: {  	s14 =	rddreg [dreg:$0xa];
	[sflag:s12] =	ssyncadd.s32 $0xFFFFE400  }
0x49: {  	[tilespmem:s4], [sflag:$0x1] =	stream.linear.gather [hbm4b:s14+s4], $0x80, $0x38;
	[tilespmem:$0x1F500] =	vst v63  }
0x4a: {  	s24 =	simm.s32 $0x80;
	s15 =	rddreg [dreg:$0xb]  }
0x4b: {  	[tilespmem:s24], [sflag:$0x2] =	stream.linear.gather [hbm4b:s15+s4], $0x80, $0x38;
	[tilespmem:$0x1F500] =	vst v63  }
0x4c: {  	s25 =	simm.s32 $0x100;
	s16 =	rddreg [dreg:$0xc]  }
0x4d: {  	[tilespmem:s25], [sflag:$0x3] =	stream.linear.gather [hbm4b:s16+s4], $0x80, $0x38;
	[tilespmem:$0x1F500] =	vst v63  }
0x4e: {  	s26 =	simm.s32 $0x180;
	s17 =	rddreg [dreg:$0xd]  }
0x4f: {  	[tilespmem:s26], [sflag:$0x4] =	stream.linear.gather [hbm4b:s17+s4], $0x80, $0x38;
	[tilespmem:$0x1F500] =	vst v63  }
0x50: {  	s29 =	simm.s32 $0x1;
	s18 =	rddreg [dreg:$0xe];
	s17 =	simm.s32 $0x200  }
0x51: {  	[tilespmem:s17], [sflag:$0x5] =	stream.linear.gather [hbm4b:s18+s4], $0x80, $0x38;
	[tilespmem:$0x1F500] =	vst v63  }
0x52: {  	_ =	swait.ge [sflag:s29], $0x80  }
0x53: {  	[sflag:s29] =	ssyncset.done $0x0  }
0x54: {  	[sflag:s29] =	ssyncadd.s32 $0xFFFFFF80  }
0x55: {  	[tilespmem:s21], [sflag:$0xB] =	stream.indirect.gather [hbm4b:s1+s13], $0x80, s4, s13, $0xb8;
	[tilespmem:$0x1F500] =	vst v63  }
0x56: {  	s30 =	simm.s32 $0x2;
	s9 =	simm.s32 $0x280;
	s22 =	rddreg [dreg:$0xf]  }
0x57: {  	[tilespmem:s9], [sflag:$0x6] =	stream.linear.gather [hbm4b:s22+s4], $0x80, $0x38;
	[tilespmem:$0x1F500] =	vst v63  }
0x58: {  	_ =	swait.ge [sflag:s30], $0x80  }
0x59: {  	[sflag:s30] =	ssyncset.done $0x0  }
0x5a: {  	s10 =	simm.s32 $0x2900;
	[sflag:s30] =	ssyncadd.s32 $0xFFFFFF80  }
0x5b: {  	[tilespmem:s10], [sflag:$0xC] =	stream.indirect.gather [hbm4b:s1+s13], $0x80, s24, s13, $0xb8;
	[tilespmem:$0x1F500] =	vst v63  }
0x5c: {  	s28 =	simm.s32 $0x300;
	s3 =	simm.s32 $0x3;
	s23 =	rddreg [dreg:$0x10]  }
0x5d: {  	[tilespmem:s28], [sflag:$0x7] =	stream.linear.gather [hbm4b:s23+s4], $0x80, $0x38;
	[tilespmem:$0x1F500] =	vst v63  }
0x5e: {  	_ =	swait.ge [sflag:s3], $0x80  }
0x5f: {  	[sflag:s3] =	ssyncset.done $0x0  }
0x60: {  	s31 =	simm.s32 $0x4D00;
	[sflag:s3] =	ssyncadd.s32 $0xFFFFFF80  }
0x61: {  	[tilespmem:s31], [sflag:$0xD] =	stream.indirect.gather [hbm4b:s1+s13], $0x80, s25, s13, $0xb8;
	[tilespmem:$0x1F500] =	vst v63  }
0x62: {  	s7 =	simm.s32 $0x380;
	s0 =	rddreg [dreg:$0x11];
	s31 =	simm.s32 $0x4  }
0x63: {  	[tilespmem:s7], [sflag:$0x8] =	stream.linear.gather [hbm4b:s0+s4], $0x80, $0x38;
	[tilespmem:$0x1F500] =	vst v63  }
0x64: {  	_ =	swait.ge [sflag:s31], $0x80  }
0x65: {  	[sflag:s31] =	ssyncset.done $0x0  }
0x66: {  	s11 =	simm.s32 $0x7100;
	[sflag:s31] =	ssyncadd.s32 $0xFFFFFF80  }
0x67: {  	[tilespmem:s11], [sflag:$0xE] =	stream.indirect.gather [hbm4b:s1+s13], $0x80, s26, s13, $0xb8;
	[tilespmem:$0x1F500] =	vst v63  }
0x68: {  	s14 =	simm.s32 $0x400;
	s12 =	rddreg [dreg:$0x12]  }
0x69: {  	[tilespmem:s14], [sflag:$0x9] =	stream.linear.gather [hbm4b:s12+s4], $0x80, $0x38;
	[tilespmem:$0x1F500] =	vst v63  }
0x6a: {  	s14 =	simm.s32 $0x5  }
0x6b: {  	_ =	swait.ge [sflag:s14], $0x80  }
0x6c: {  	[sflag:s14] =	ssyncset.done $0x0  }
0x6d: {  	s15 =	simm.s32 $0x9500;
	[sflag:s14] =	ssyncadd.s32 $0xFFFFFF80  }
0x6e: {  	[tilespmem:s15], [sflag:$0xF] =	stream.indirect.gather [hbm4b:s1+s13], $0x80, s17, s13, $0xb8;
	[tilespmem:$0x1F500] =	vst v63  }
0x6f: {  	s7 =	simm.s32 $0x480;
	s16 =	rddreg [dreg:$0x13]  }
0x70: {  	[tilespmem:s7], [sflag:$0xA] =	stream.linear.gather [hbm4b:s16+s4], $0x80, $0x38;
	[tilespmem:$0x1F500] =	vst v63  }
0x71: {  	s16 =	simm.s32 $0xB;
	[bflag:$0x0] =	sbarrier.arrive $0xFFFF  }
0x72: {  	_ =	swait.ge [sflag:s16], $0x2400  }
0x73: {  	s22 =	simm.s32 $0x280;
	[sflag:s16] =	ssyncset.done $0x0  }
0x74: {  	s18 =	simm.s32 $0x6;
	s0 =	sand.u32 $0xFC00, s22;
	[sflag:s16] =	ssyncadd.s32 $0xFFFFDC00  }
0x75: {  	s11 =	sand.u32 $0x380, s22;
	s12 =	sadd.s32 s8, s0;
	_ =	swait.ge [sflag:s18], $0x80  }
0x76: {  	s11 =	sor.u32 s11, s12;
	[sflag:s18] =	ssyncset.done $0x0  }
0x77: {  	s11 =	sshrl.u32 s11, $0x3;
	[sflag:s18] =	ssyncadd.s32 $0xFFFFFF80  }
0x78: {  	[spmem:s2] =	stream.indirect.scatter.add.f32 [tilespmem:s21], [sflag:$0x10], $0x80, s9, s13, $0xb8;
	[tilespmem:$0x1F500] =	vst v63  }
0x79: {  	s15 =	sadd.s32 s5, s11;
	s18 =	simm.s32 $0xC  }
0x7a: {  	[tilespmem:s4], [sflag:$0x1] =	stream.linear.gather [hbm4b:s15+s4], $0x80, $0x38;
	[tilespmem:$0x1F500] =	vst v63  }
0x7b: {  	_ =	swait.ge [sflag:s18], $0x2400  }
0x7c: {  	s22 =	simm.s32 $0x300;
	[sflag:s18] =	ssyncset.done $0x0  }
0x7d: {  	s0 =	sand.u32 $0xFC00, s22;
	[sflag:s18] =	ssyncadd.s32 $0xFFFFDC00;
	s18 =	simm.s32 $0x7  }
0x7e: {  	s12 =	sand.u32 $0x380, s22;
	s15 =	sadd.s32 s8, s0;
	_ =	swait.ge [sflag:s18], $0x80  }
0x7f: {  	s12 =	sor.u32 s12, s15;
	[sflag:s18] =	ssyncset.done $0x0  }
0x80: {  	s12 =	sshrl.u32 s12, $0x3;
	[sflag:s18] =	ssyncadd.s32 $0xFFFFFF80  }
0x81: {  	[spmem:s2] =	stream.indirect.scatter.add.f32 [tilespmem:s10], [sflag:$0x11], $0x80, s28, s13, $0xb8;
	[tilespmem:$0x1F500] =	vst v63  }
0x82: {  	s22 =	simm.s32 $0xD;
	s18 =	sadd.s32 s5, s12  }
0x83: {  	[tilespmem:s24], [sflag:$0x2] =	stream.linear.gather [hbm4b:s18+s4], $0x80, $0x38;
	[tilespmem:$0x1F500] =	vst v63  }
0x84: {  	_ =	swait.ge [sflag:s22], $0x2400  }
0x85: {  	s15 =	simm.s32 $0x380;
	[sflag:s22] =	ssyncset.done $0x0  }
0x86: {  	s0 =	sand.u32 $0xFC00, s15;
	[sflag:s22] =	ssyncadd.s32 $0xFFFFDC00;
	s22 =	simm.s32 $0x8  }
0x87: {  	s15 =	sand.u32 $0x380, s15;
	s18 =	sadd.s32 s8, s0;
	_ =	swait.ge [sflag:s22], $0x80  }
0x88: {  	s23 =	simm.s32 $0x380;
	s15 =	sor.u32 s15, s18;
	[sflag:s22] =	ssyncset.done $0x0  }
0x89: {  	s15 =	sshrl.u32 s15, $0x3;
	[sflag:s22] =	ssyncadd.s32 $0xFFFFFF80;
	s22 =	simm.s32 $0x4D00  }
0x8a: {  	[spmem:s2] =	stream.indirect.scatter.add.f32 [tilespmem:s22], [sflag:$0x12], $0x80, s23, s13, $0xb8;
	[tilespmem:$0x1F500] =	vst v63  }
0x8b: {  	s18 =	simm.s32 $0xE;
	s0 =	sadd.s32 s5, s15  }
0x8c: {  	[tilespmem:s25], [sflag:$0x3] =	stream.linear.gather [hbm4b:s0+s4], $0x80, $0x38;
	[tilespmem:$0x1F500] =	vst v63  }
0x8d: {  	_ =	swait.ge [sflag:s18], $0x2400  }
0x8e: {  	s22 =	simm.s32 $0x0;
	s0 =	simm.s32 $0x400;
	[sflag:s18] =	ssyncset.done $0x0  }
0x8f: {  	[sflag:s18] =	ssyncadd.s32 $0xFFFFDC00;
	s18 =	sand.u32 $0xFC00, s0;
	s0 =	simm.s32 $0x9  }
0x90: {  	s22 =	sand.u32 $0x380, s22;
	_ =	swait.ge [sflag:s0], $0x80;
	s18 =	sadd.s32 s8, s18  }
0x91: {  	s23 =	simm.s32 $0x7100;
	[sflag:s0] =	ssyncset.done $0x0;
	s18 =	sor.u32 s22, s18  }
0x92: {  	s22 =	simm.s32 $0x400;
	[sflag:s0] =	ssyncadd.s32 $0xFFFFFF80;
	s18 =	sshrl.u32 s18, $0x3  }
0x93: {  	[spmem:s2] =	stream.indirect.scatter.add.f32 [tilespmem:s23], [sflag:$0x13], $0x80, s22, s13, $0xb8;
	[tilespmem:$0x1F500] =	vst v63  }
0x94: {  	s0 =	simm.s32 $0xF;
	s23 =	sadd.s32 s5, s18  }
0x95: {  	[tilespmem:s26], [sflag:$0x4] =	stream.linear.gather [hbm4b:s23+s4], $0x80, $0x38;
	[tilespmem:$0x1F500] =	vst v63  }
0x96: {  	_ =	swait.ge [sflag:s0], $0x2400  }
0x97: {  	[sflag:s0] =	ssyncset.done $0x0  }
0x98: {  	s23 =	sand.u32 $0xFC00, s7;
	[sflag:s0] =	ssyncadd.s32 $0xFFFFDC00;
	s0 =	simm.s32 $0xA  }
0x99: {  	s22 =	sadd.s32 s8, s23;
	s23 =	sand.u32 $0x380, s7;
	_ =	swait.ge [sflag:s0], $0x80  }
0x9a: {  	s22 =	sor.u32 s23, s22;
	[sflag:s0] =	ssyncset.done $0x0  }
0x9b: {  	s23 =	simm.s32 $0x9500;
	s22 =	sshrl.u32 s22, $0x3;
	[sflag:s0] =	ssyncadd.s32 $0xFFFFFF80  }
0x9c: {  	[spmem:s2] =	stream.indirect.scatter.add.f32 [tilespmem:s23], [sflag:$0x14], $0x80, s7, s13, $0xb8;
	[tilespmem:$0x1F500] =	vst v63  }
0x9d: {  	s0 =	sadd.s32 s5, s22  }
0x9e: {  	[tilespmem:s17], [sflag:$0x5] =	stream.linear.gather [hbm4b:s0+s4], $0x80, $0x38;
	[tilespmem:$0x1F500] =	vst v63  }
0x9f: {  	_ =	swait.ge [sflag:s29], $0x80  }
0xa0: {  	[sflag:s29] =	ssyncset.done $0x0  }
0xa1: {  	[sflag:s29] =	ssyncadd.s32 $0xFFFFFF80;
	s29 =	simm.s32 $0x10  }
0xa2: {  	_ =	swait.ge [sflag:s29], $0x2400  }
0xa3: {  	[sflag:s29] =	ssyncset.done $0x0  }
0xa4: {  	[sflag:s29] =	ssyncadd.s32 $0xFFFFDC00  }
0xa5: {  	[tilespmem:s21], [sflag:$0xB] =	stream.indirect.gather [hbm4b:s1+s13], $0x80, s4, s13, $0xb8;
	[tilespmem:$0x1F500] =	vst v63  }
0xa6: {  	s11 =	sadd.s32 s6, s11  }
0xa7: {  	[tilespmem:s9], [sflag:$0x6] =	stream.linear.gather [hbm4b:s11+s4], $0x80, $0x38;
	[tilespmem:$0x1F500] =	vst v63  }
0xa8: {  	_ =	swait.ge [sflag:s30], $0x80  }
0xa9: {  	[sflag:s30] =	ssyncset.done $0x0  }
0xaa: {  	s9 =	simm.s32 $0x11;
	[sflag:s30] =	ssyncadd.s32 $0xFFFFFF80  }
0xab: {  	_ =	swait.ge [sflag:s9], $0x2400  }
0xac: {  	[sflag:s9] =	ssyncset.done $0x0  }
0xad: {  	[sflag:s9] =	ssyncadd.s32 $0xFFFFDC00  }
0xae: {  	[tilespmem:s10], [sflag:$0xC] =	stream.indirect.gather [hbm4b:s1+s13], $0x80, s24, s13, $0xb8;
	[tilespmem:$0x1F500] =	vst v63  }
0xaf: {  	s10 =	sadd.s32 s6, s12  }
0xb0: {  	[tilespmem:s28], [sflag:$0x7] =	stream.linear.gather [hbm4b:s10+s4], $0x80, $0x38;
	[tilespmem:$0x1F500] =	vst v63  }
0xb1: {  	_ =	swait.ge [sflag:s3], $0x80  }
0xb2: {  	[sflag:s3] =	ssyncset.done $0x0  }
0xb3: {  	s11 =	simm.s32 $0x12;
	[sflag:s3] =	ssyncadd.s32 $0xFFFFFF80  }
0xb4: {  	_ =	swait.ge [sflag:s11], $0x2400  }
0xb5: {  	[sflag:s11] =	ssyncset.done $0x0  }
0xb6: {  	s12 =	simm.s32 $0x4D00;
	[sflag:s11] =	ssyncadd.s32 $0xFFFFDC00  }
0xb7: {  	[tilespmem:s12], [sflag:$0xD] =	stream.indirect.gather [hbm4b:s1+s13], $0x80, s25, s13, $0xb8;
	[tilespmem:$0x1F500] =	vst v63  }
0xb8: {  	s23 =	simm.s32 $0x380;
	s21 =	sadd.s32 s6, s15  }
0xb9: {  	[tilespmem:s23], [sflag:$0x8] =	stream.linear.gather [hbm4b:s21+s4], $0x80, $0x38;
	[tilespmem:$0x1F500] =	vst v63  }
0xba: {  	_ =	swait.ge [sflag:s31], $0x80  }
0xbb: {  	[sflag:s31] =	ssyncset.done $0x0  }
0xbc: {  	[sflag:s31] =	ssyncadd.s32 $0xFFFFFF80  }
0xbd: {  	_ =	swait.ge [sflag:s19], $0x2400  }
0xbe: {  	[sflag:s19] =	ssyncset.done $0x0  }
0xbf: {  	s24 =	simm.s32 $0x7100;
	[sflag:s19] =	ssyncadd.s32 $0xFFFFDC00  }
0xc0: {  	[tilespmem:s24], [sflag:$0xE] =	stream.indirect.gather [hbm4b:s1+s13], $0x80, s26, s13, $0xb8;
	[tilespmem:$0x1F500] =	vst v63  }
0xc1: {  	s25 =	sadd.s32 s6, s18;
	s26 =	simm.s32 $0x400  }
0xc2: {  	[tilespmem:s26], [sflag:$0x9] =	stream.linear.gather [hbm4b:s25+s4], $0x80, $0x38;
	[tilespmem:$0x1F500] =	vst v63  }
0xc3: {  	_ =	swait.ge [sflag:s14], $0x80  }
0xc4: {  	[sflag:s14] =	ssyncset.done $0x0  }
0xc5: {  	[sflag:s14] =	ssyncadd.s32 $0xFFFFFF80  }
0xc6: {  	_ =	swait.ge [sflag:s20], $0x2400  }
0xc7: {  	[sflag:s20] =	ssyncset.done $0x0  }
0xc8: {  	s28 =	simm.s32 $0x9500;
	[sflag:s20] =	ssyncadd.s32 $0xFFFFDC00  }
0xc9: {  	[tilespmem:s28], [sflag:$0xF] =	stream.indirect.gather [hbm4b:s1+s13], $0x80, s17, s13, $0xb8;
	[tilespmem:$0x1F500] =	vst v63  }
0xca: {  	s29 =	sadd.s32 s6, s22  }
0xcb: {  	[tilespmem:s7], [sflag:$0xA] =	stream.linear.gather [hbm4b:s29+s4], $0x80, $0x38;
	[tilespmem:$0x1F500] =	vst v63  }
0xcc: {  	s22 =	simm.s32 $0x700;
	s30 =	simm.s32 $0x500;
	_ =	swait.ge [sflag:s16], $0x2400  }
0xcd: {  	s15 =	sand.u32 $0x380, s30;
	s31 =	sand.u32 $0xFC00, s30;
	[sflag:s16] =	ssyncset.done $0x0  }
0xce: {  	s11 =	simm.s32 $0x980;
	s12 =	sadd.s32 s8, s31;
	[sflag:s16] =	ssyncadd.s32 $0xFFFFDC00  }
.LBB2_2:
0xcf: {  	s15 =	sor.u32 s15, s12;
	s0 =	simm.s32 $0x6  }
0xd0: {  	s12 =	smov.u32 s11;
	s23 =	sadd.s32 $0x280, s11;
	_ =	swait.ge [sflag:s0], $0x80  }
0xd1: {  	p0 =	sne.s32 s11, $0x4800;
	s25 =	sshrl.u32 s15, $0x3;
	[sflag:s0] =	ssyncset.done $0x0  }
0xd2: {  	s24 =	simm.s32 $0x500;
	s9 =	simm.s32 $0x280;
	[sflag:s0] =	ssyncadd.s32 $0xFFFFFF80  }
0xd3: {  	[spmem:s2] =	stream.indirect.scatter.add.f32 [tilespmem:s24], [sflag:$0x10], $0x80, s9, s13, $0xb8;
	[tilespmem:$0x1F500] =	vst v63  }
0xd4: {  	s11 =	sadd.s32 s5, s25;
	s0 =	simm.s32 $0xC  }
0xd5: {  	[tilespmem:s4], [sflag:$0x1] =	stream.linear.gather [hbm4b:s11+s4], $0x80, $0x38;
	[tilespmem:$0x1F500] =	vst v63  }
0xd6: {  	_ =	swait.ge [sflag:s0], $0x2400  }
0xd7: {  	s11 =	sadd.s32 $0xFFFFFE80, s22;
	[sflag:s0] =	ssyncset.done $0x0  }
0xd8: {  	s15 =	sand.u32 $0xFC00, s11;
	[sflag:s0] =	ssyncadd.s32 $0xFFFFDC00;
	s0 =	simm.s32 $0x7  }
0xd9: {  	s11 =	sand.u32 $0x380, s11;
	s15 =	sadd.s32 s8, s15;
	_ =	swait.ge [sflag:s0], $0x80  }
0xda: {  	s3 =	simm.s32 $0x300;
	s11 =	sor.u32 s11, s15;
	[sflag:s0] =	ssyncset.done $0x0  }
0xdb: {  	s11 =	sshrl.u32 s11, $0x3;
	[sflag:s0] =	ssyncadd.s32 $0xFFFFFF80;
	s0 =	simm.s32 $0x2900  }
0xdc: {  	[spmem:s2] =	stream.indirect.scatter.add.f32 [tilespmem:s0], [sflag:$0x11], $0x80, s3, s13, $0xb8;
	[tilespmem:$0x1F500] =	vst v63  }
0xdd: {  	s26 =	simm.s32 $0x80;
	s7 =	simm.s32 $0xD;
	s15 =	sadd.s32 s5, s11  }
0xde: {  	[tilespmem:s26], [sflag:$0x2] =	stream.linear.gather [hbm4b:s15+s4], $0x80, $0x38;
	[tilespmem:$0x1F500] =	vst v63  }
0xdf: {  	_ =	swait.ge [sflag:s7], $0x2400  }
0xe0: {  	[sflag:s7] =	ssyncset.done $0x0  }
0xe1: {  	s15 =	sadd.s32 $0xFFFFFF00, s22;
	[sflag:s7] =	ssyncadd.s32 $0xFFFFDC00;
	s7 =	simm.s32 $0x8  }
0xe2: {  	s31 =	simm.s32 $0x380;
	s18 =	sand.u32 $0xFC00, s15;
	_ =	swait.ge [sflag:s7], $0x80  }
0xe3: {  	s15 =	sand.u32 $0x380, s15;
	s18 =	sadd.s32 s8, s18;
	[sflag:s7] =	ssyncset.done $0x0  }
0xe4: {  	s15 =	sor.u32 s15, s18;
	[sflag:s7] =	ssyncadd.s32 $0xFFFFFF80;
	s7 =	simm.s32 $0x4D00  }
0xe5: {  	[spmem:s2] =	stream.indirect.scatter.add.f32 [tilespmem:s7], [sflag:$0x12], $0x80, s31, s13, $0xb8;
	[tilespmem:$0x1F500] =	vst v63  }
0xe6: {  	s15 =	sshrl.u32 s15, $0x3  }
0xe7: {  	s28 =	simm.s32 $0x100;
	s10 =	simm.s32 $0xE;
	s18 =	sadd.s32 s5, s15  }
0xe8: {  	[tilespmem:s28], [sflag:$0x3] =	stream.linear.gather [hbm4b:s18+s4], $0x80, $0x38;
	[tilespmem:$0x1F500] =	vst v63  }
0xe9: {  	_ =	swait.ge [sflag:s10], $0x2400  }
0xea: {  	s21 =	sadd.s32 $0xFFFFFB80, s22;
	s18 =	sadd.s32 $0xFFFFFF80, s22;
	[sflag:s10] =	ssyncset.done $0x0  }
0xeb: {  	s18 =	sand.u32 $0xFC00, s18;
	[sflag:s10] =	ssyncadd.s32 $0xFFFFDC00;
	s10 =	simm.s32 $0x9  }
0xec: {  	s21 =	sand.u32 $0x380, s21;
	s18 =	sadd.s32 s8, s18;
	_ =	swait.ge [sflag:s10], $0x80  }
0xed: {  	s14 =	simm.s32 $0x400;
	s18 =	sor.u32 s21, s18;
	[sflag:s10] =	ssyncset.done $0x0  }
0xee: {  	s18 =	sshrl.u32 s18, $0x3;
	[sflag:s10] =	ssyncadd.s32 $0xFFFFFF80;
	s10 =	simm.s32 $0x7100  }
0xef: {  	[spmem:s2] =	stream.indirect.scatter.add.f32 [tilespmem:s10], [sflag:$0x13], $0x80, s14, s13, $0xb8;
	[tilespmem:$0x1F500] =	vst v63  }
0xf0: {  	s29 =	simm.s32 $0x180;
	s16 =	simm.s32 $0xF;
	s21 =	sadd.s32 s5, s18  }
0xf1: {  	[tilespmem:s29], [sflag:$0x4] =	stream.linear.gather [hbm4b:s21+s4], $0x80, $0x38;
	[tilespmem:$0x1F500] =	vst v63  }
0xf2: {  	_ =	swait.ge [sflag:s16], $0x2400  }
0xf3: {  	s17 =	simm.s32 $0x480;
	[sflag:s16] =	ssyncset.done $0x0  }
0xf4: {  	s21 =	sand.u32 $0xFC00, s22;
	[sflag:s16] =	ssyncadd.s32 $0xFFFFDC00;
	s16 =	simm.s32 $0xA  }
0xf5: {  	s22 =	sand.u32 $0x380, s22;
	s21 =	sadd.s32 s8, s21;
	_ =	swait.ge [sflag:s16], $0x80  }
0xf6: {  	s21 =	sor.u32 s22, s21;
	s22 =	smov.u32 s12;
	[sflag:s16] =	ssyncset.done $0x0  }
0xf7: {  	s12 =	sshrl.u32 s21, $0x3;
	[sflag:s16] =	ssyncadd.s32 $0xFFFFFF80;
	s16 =	simm.s32 $0x9500  }
0xf8: {  	[spmem:s2] =	stream.indirect.scatter.add.f32 [tilespmem:s16], [sflag:$0x14], $0x80, s17, s13, $0xb8;
	[tilespmem:$0x1F500] =	vst v63  }
0xf9: {  	s30 =	simm.s32 $0x200;
	s21 =	sadd.s32 s5, s12  }
0xfa: {  	[tilespmem:s30], [sflag:$0x5] =	stream.linear.gather [hbm4b:s21+s4], $0x80, $0x38;
	[tilespmem:$0x1F500] =	vst v63  }
0xfb: {  	s21 =	simm.s32 $0x1  }
0xfc: {  	_ =	swait.ge [sflag:s21], $0x80  }
0xfd: {  	[sflag:s21] =	ssyncset.done $0x0  }
0xfe: {  	[sflag:s21] =	ssyncadd.s32 $0xFFFFFF80;
	s21 =	simm.s32 $0x10  }
0xff: {  	_ =	swait.ge [sflag:s21], $0x2400  }
0x100: {  	[sflag:s21] =	ssyncset.done $0x0  }
0x101: {  	[sflag:s21] =	ssyncadd.s32 $0xFFFFDC00  }
0x102: {  	[tilespmem:s24], [sflag:$0xB] =	stream.indirect.gather [hbm4b:s1+s13], $0x80, s4, s13, $0xb8;
	[tilespmem:$0x1F500] =	vst v63  }
0x103: {  	s21 =	sadd.s32 s6, s25  }
0x104: {  	[tilespmem:s9], [sflag:$0x6] =	stream.linear.gather [hbm4b:s21+s4], $0x80, $0x38;
	[tilespmem:$0x1F500] =	vst v63  }
0x105: {  	s9 =	simm.s32 $0x2  }
0x106: {  	_ =	swait.ge [sflag:s9], $0x80  }
0x107: {  	[sflag:s9] =	ssyncset.done $0x0  }
0x108: {  	[sflag:s9] =	ssyncadd.s32 $0xFFFFFF80;
	s9 =	simm.s32 $0x11  }
0x109: {  	_ =	swait.ge [sflag:s9], $0x2400  }
0x10a: {  	[sflag:s9] =	ssyncset.done $0x0  }
0x10b: {  	[sflag:s9] =	ssyncadd.s32 $0xFFFFDC00  }
0x10c: {  	[tilespmem:s0], [sflag:$0xC] =	stream.indirect.gather [hbm4b:s1+s13], $0x80, s26, s13, $0xb8;
	[tilespmem:$0x1F500] =	vst v63  }
0x10d: {  	s11 =	sadd.s32 s6, s11;
	s0 =	simm.s32 $0x3  }
0x10e: {  	[tilespmem:s3], [sflag:$0x7] =	stream.linear.gather [hbm4b:s11+s4], $0x80, $0x38;
	[tilespmem:$0x1F500] =	vst v63  }
0x10f: {  	_ =	swait.ge [sflag:s0], $0x80  }
0x110: {  	[sflag:s0] =	ssyncset.done $0x0  }
0x111: {  	[sflag:s0] =	ssyncadd.s32 $0xFFFFFF80;
	s0 =	simm.s32 $0x12  }
0x112: {  	_ =	swait.ge [sflag:s0], $0x2400  }
0x113: {  	[sflag:s0] =	ssyncset.done $0x0  }
0x114: {  	s11 =	sadd.s32 s6, s15;
	[sflag:s0] =	ssyncadd.s32 $0xFFFFDC00  }
0x115: {  	[tilespmem:s7], [sflag:$0xD] =	stream.indirect.gather [hbm4b:s1+s13], $0x80, s28, s13, $0xb8;
	[tilespmem:$0x1F500] =	vst v63  }
0x116: {  	s0 =	simm.s32 $0x4  }
0x117: {  	[tilespmem:s31], [sflag:$0x8] =	stream.linear.gather [hbm4b:s11+s4], $0x80, $0x38;
	[tilespmem:$0x1F500] =	vst v63  }
0x118: {  	_ =	swait.ge [sflag:s0], $0x80  }
0x119: {  	[sflag:s0] =	ssyncset.done $0x0  }
0x11a: {  	[sflag:s0] =	ssyncadd.s32 $0xFFFFFF80  }
0x11b: {  	_ =	swait.ge [sflag:s19], $0x2400  }
0x11c: {  	[sflag:s19] =	ssyncset.done $0x0  }
0x11d: {  	s11 =	sadd.s32 s6, s18;
	[sflag:s19] =	ssyncadd.s32 $0xFFFFDC00  }
0x11e: {  	[tilespmem:s10], [sflag:$0xE] =	stream.indirect.gather [hbm4b:s1+s13], $0x80, s29, s13, $0xb8;
	[tilespmem:$0x1F500] =	vst v63  }
0x11f: {  	s0 =	simm.s32 $0x5  }
0x120: {  	[tilespmem:s14], [sflag:$0x9] =	stream.linear.gather [hbm4b:s11+s4], $0x80, $0x38;
	[tilespmem:$0x1F500] =	vst v63  }
0x121: {  	_ =	swait.ge [sflag:s0], $0x80  }
0x122: {  	[sflag:s0] =	ssyncset.done $0x0  }
0x123: {  	[sflag:s0] =	ssyncadd.s32 $0xFFFFFF80  }
0x124: {  	_ =	swait.ge [sflag:s20], $0x2400  }
0x125: {  	[sflag:s20] =	ssyncset.done $0x0  }
0x126: {  	s11 =	sadd.s32 s6, s12;
	[sflag:s20] =	ssyncadd.s32 $0xFFFFDC00  }
0x127: {  	[tilespmem:s16], [sflag:$0xF] =	stream.indirect.gather [hbm4b:s1+s13], $0x80, s30, s13, $0xb8;
	[tilespmem:$0x1F500] =	vst v63  }
.Ltmp0:
0x128: {  	s0 =	simm.s32 $0xB;
	(pc) =	sbr.rel @p0 .LBB2_2-.Ltmp0, $4  }
0x129: {  	[tilespmem:s17], [sflag:$0xA] =	stream.linear.gather [hbm4b:s11+s4], $0x80, $0x38;
	[tilespmem:$0x1F500] =	vst v63  }
0x12a: {  	s11 =	sadd.s32 $0xFFFFFE00, s22;
	_ =	swait.ge [sflag:s0], $0x2400  }
0x12b: {  	s12 =	sand.u32 $0xFC00, s11;
	s15 =	sand.u32 $0x380, s11;
	[sflag:s0] =	ssyncset.done $0x0  }
0x12c: {  	s11 =	smov.u32 s23;
	s12 =	sadd.s32 s8, s12;
	[sflag:s0] =	ssyncadd.s32 $0xFFFFDC00  }
0x12d: {  	s30 =	simm.s32 $0x6  }
0x12e: {  	_ =	swait.ge [sflag:s30], $0x80  }
0x12f: {  	s11 =	sor.u32 s15, s12;
	s0 =	simm.s32 $0x500;
	[sflag:s30] =	ssyncset.done $0x0  }
0x130: {  	s3 =	simm.s32 $0x280;
	s11 =	sshrl.u32 s11, $0x3;
	[sflag:s30] =	ssyncadd.s32 $0xFFFFFF80  }
0x131: {  	[spmem:s2] =	stream.indirect.scatter.add.f32 [tilespmem:s0], [sflag:$0x10], $0x80, s3, s13, $0xb8;
	[tilespmem:$0x1F500] =	vst v63  }
0x132: {  	s31 =	simm.s32 $0xC;
	s15 =	sadd.s32 s5, s11  }
0x133: {  	[tilespmem:s4], [sflag:$0x1] =	stream.linear.gather [hbm4b:s15+s4], $0x80, $0x38;
	[tilespmem:$0x1F500] =	vst v63  }
0x134: {  	_ =	swait.ge [sflag:s31], $0x2400  }
0x135: {  	s16 =	sadd.s32 $0xFFFFFE80, s22;
	[sflag:s31] =	ssyncset.done $0x0  }
0x136: {  	s17 =	simm.s32 $0x7;
	s18 =	sand.u32 $0xFC00, s16;
	[sflag:s31] =	ssyncadd.s32 $0xFFFFDC00  }
0x137: {  	s12 =	sand.u32 $0x380, s16;
	s15 =	sadd.s32 s8, s18;
	_ =	swait.ge [sflag:s17], $0x80  }
0x138: {  	s21 =	simm.s32 $0x2900;
	s12 =	sor.u32 s12, s15;
	[sflag:s17] =	ssyncset.done $0x0  }
0x139: {  	s7 =	simm.s32 $0x300;
	s12 =	sshrl.u32 s12, $0x3;
	[sflag:s17] =	ssyncadd.s32 $0xFFFFFF80  }
0x13a: {  	[spmem:s2] =	stream.indirect.scatter.add.f32 [tilespmem:s21], [sflag:$0x11], $0x80, s7, s13, $0xb8;
	[tilespmem:$0x1F500] =	vst v63  }
0x13b: {  	s24 =	simm.s32 $0x80;
	s16 =	simm.s32 $0xD;
	s23 =	sadd.s32 s5, s12  }
0x13c: {  	[tilespmem:s24], [sflag:$0x2] =	stream.linear.gather [hbm4b:s23+s4], $0x80, $0x38;
	[tilespmem:$0x1F500] =	vst v63  }
0x13d: {  	_ =	swait.ge [sflag:s16], $0x2400  }
0x13e: {  	s25 =	sadd.s32 $0xFFFFFF00, s22;
	[sflag:s16] =	ssyncset.done $0x0  }
0x13f: {  	s14 =	simm.s32 $0x8;
	s18 =	sand.u32 $0xFC00, s25;
	[sflag:s16] =	ssyncadd.s32 $0xFFFFDC00  }
0x140: {  	s18 =	sadd.s32 s8, s18;
	s15 =	sand.u32 $0x380, s25;
	_ =	swait.ge [sflag:s14], $0x80  }
0x141: {  	s26 =	simm.s32 $0x4D00;
	s15 =	sor.u32 s15, s18;
	[sflag:s14] =	ssyncset.done $0x0  }
0x142: {  	s28 =	simm.s32 $0x380;
	s15 =	sshrl.u32 s15, $0x3;
	[sflag:s14] =	ssyncadd.s32 $0xFFFFFF80  }
0x143: {  	[spmem:s2] =	stream.indirect.scatter.add.f32 [tilespmem:s26], [sflag:$0x12], $0x80, s28, s13, $0xb8;
	[tilespmem:$0x1F500] =	vst v63  }
0x144: {  	s10 =	simm.s32 $0xE;
	s25 =	simm.s32 $0x100;
	s29 =	sadd.s32 s5, s15  }
0x145: {  	[tilespmem:s25], [sflag:$0x3] =	stream.linear.gather [hbm4b:s29+s4], $0x80, $0x38;
	[tilespmem:$0x1F500] =	vst v63  }
0x146: {  	_ =	swait.ge [sflag:s10], $0x2400  }
0x147: {  	s9 =	simm.s32 $0x9;
	s3 =	sadd.s32 $0xFFFFFF80, s22;
	[sflag:s10] =	ssyncset.done $0x0  }
0x148: {  	s18 =	sand.u32 $0xFC00, s3;
	s21 =	sadd.s32 $0xFFFFFB80, s22;
	[sflag:s10] =	ssyncadd.s32 $0xFFFFDC00  }
0x149: {  	s18 =	sadd.s32 s8, s18;
	s21 =	sand.u32 $0x380, s21;
	_ =	swait.ge [sflag:s9], $0x80  }
0x14a: {  	s7 =	simm.s32 $0x7100;
	s18 =	sor.u32 s21, s18;
	[sflag:s9] =	ssyncset.done $0x0  }
0x14b: {  	s21 =	simm.s32 $0x400;
	s18 =	sshrl.u32 s18, $0x3;
	[sflag:s9] =	ssyncadd.s32 $0xFFFFFF80  }
0x14c: {  	[spmem:s2] =	stream.indirect.scatter.add.f32 [tilespmem:s7], [sflag:$0x13], $0x80, s21, s13, $0xb8;
	[tilespmem:$0x1F500] =	vst v63  }
0x14d: {  	s23 =	sadd.s32 s5, s18;
	s26 =	simm.s32 $0x180;
	s7 =	simm.s32 $0xF  }
0x14e: {  	[tilespmem:s26], [sflag:$0x4] =	stream.linear.gather [hbm4b:s23+s4], $0x80, $0x38;
	[tilespmem:$0x1F500] =	vst v63  }
0x14f: {  	_ =	swait.ge [sflag:s7], $0x2400  }
0x150: {  	[sflag:s7] =	ssyncset.done $0x0  }
0x151: {  	s3 =	simm.s32 $0xA;
	s24 =	sand.u32 $0xFC00, s22;
	[sflag:s7] =	ssyncadd.s32 $0xFFFFDC00  }
0x152: {  	s28 =	sand.u32 $0x380, s22;
	s21 =	sadd.s32 s8, s24;
	_ =	swait.ge [sflag:s3], $0x80  }
0x153: {  	s24 =	simm.s32 $0x9500;
	s21 =	sor.u32 s28, s21;
	[sflag:s3] =	ssyncset.done $0x0  }
0x154: {  	s21 =	sshrl.u32 s21, $0x3;
	s23 =	simm.s32 $0x480;
	[sflag:s3] =	ssyncadd.s32 $0xFFFFFF80  }
0x155: {  	[spmem:s2] =	stream.indirect.scatter.add.f32 [tilespmem:s24], [sflag:$0x14], $0x80, s23, s13, $0xb8;
	[tilespmem:$0x1F500] =	vst v63  }
0x156: {  	s28 =	simm.s32 $0x200;
	s29 =	sadd.s32 s5, s21  }
0x157: {  	[tilespmem:s28], [sflag:$0x5] =	stream.linear.gather [hbm4b:s29+s4], $0x80, $0x38;
	[tilespmem:$0x1F500] =	vst v63  }
0x158: {  	s29 =	simm.s32 $0x1  }
0x159: {  	_ =	swait.ge [sflag:s29], $0x80  }
0x15a: {  	[sflag:s29] =	ssyncset.done $0x0  }
0x15b: {  	s22 =	simm.s32 $0x10;
	[sflag:s29] =	ssyncadd.s32 $0xFFFFFF80  }
0x15c: {  	_ =	swait.ge [sflag:s22], $0x2400  }
0x15d: {  	[sflag:s22] =	ssyncset.done $0x0  }
0x15e: {  	s0 =	simm.s32 $0x500;
	[sflag:s22] =	ssyncadd.s32 $0xFFFFDC00  }
0x15f: {  	[tilespmem:s0], [sflag:$0xB] =	stream.indirect.gather [hbm4b:s1+s13], $0x80, s4, s13, $0xb8;
	[tilespmem:$0x1F500] =	vst v63  }
0x160: {  	s11 =	sadd.s32 s6, s11;
	s29 =	simm.s32 $0x280;
	s0 =	simm.s32 $0x2  }
0x161: {  	[tilespmem:s29], [sflag:$0x6] =	stream.linear.gather [hbm4b:s11+s4], $0x80, $0x38;
	[tilespmem:$0x1F500] =	vst v63  }
0x162: {  	_ =	swait.ge [sflag:s0], $0x80  }
0x163: {  	[sflag:s0] =	ssyncset.done $0x0  }
0x164: {  	[sflag:s0] =	ssyncadd.s32 $0xFFFFFF80;
	s0 =	simm.s32 $0x11  }
0x165: {  	_ =	swait.ge [sflag:s0], $0x2400  }
0x166: {  	[sflag:s0] =	ssyncset.done $0x0  }
0x167: {  	s11 =	simm.s32 $0x2900;
	s29 =	simm.s32 $0x80;
	[sflag:s0] =	ssyncadd.s32 $0xFFFFDC00  }
0x168: {  	[tilespmem:s11], [sflag:$0xC] =	stream.indirect.gather [hbm4b:s1+s13], $0x80, s29, s13, $0xb8;
	[tilespmem:$0x1F500] =	vst v63  }
0x169: {  	s11 =	sadd.s32 s6, s12;
	s12 =	simm.s32 $0x300  }
0x16a: {  	[tilespmem:s12], [sflag:$0x7] =	stream.linear.gather [hbm4b:s11+s4], $0x80, $0x38;
	[tilespmem:$0x1F500] =	vst v63  }
0x16b: {  	s12 =	simm.s32 $0x3  }
0x16c: {  	_ =	swait.ge [sflag:s12], $0x80  }
0x16d: {  	[sflag:s12] =	ssyncset.done $0x0  }
0x16e: {  	[sflag:s12] =	ssyncadd.s32 $0xFFFFFF80;
	s12 =	simm.s32 $0x12  }
0x16f: {  	_ =	swait.ge [sflag:s12], $0x2400  }
0x170: {  	[sflag:s12] =	ssyncset.done $0x0  }
0x171: {  	s11 =	simm.s32 $0x4D00;
	[sflag:s12] =	ssyncadd.s32 $0xFFFFDC00  }
0x172: {  	[tilespmem:s11], [sflag:$0xD] =	stream.indirect.gather [hbm4b:s1+s13], $0x80, s25, s13, $0xb8;
	[tilespmem:$0x1F500] =	vst v63  }
0x173: {  	s11 =	sadd.s32 s6, s15;
	s15 =	simm.s32 $0x380  }
0x174: {  	[tilespmem:s15], [sflag:$0x8] =	stream.linear.gather [hbm4b:s11+s4], $0x80, $0x38;
	[tilespmem:$0x1F500] =	vst v63  }
0x175: {  	s11 =	simm.s32 $0x4  }
0x176: {  	_ =	swait.ge [sflag:s11], $0x80  }
0x177: {  	[sflag:s11] =	ssyncset.done $0x0  }
0x178: {  	[sflag:s11] =	ssyncadd.s32 $0xFFFFFF80  }
0x179: {  	_ =	swait.ge [sflag:s19], $0x2400  }
0x17a: {  	[sflag:s19] =	ssyncset.done $0x0  }
0x17b: {  	s11 =	simm.s32 $0x7100;
	[sflag:s19] =	ssyncadd.s32 $0xFFFFDC00  }
0x17c: {  	[tilespmem:s11], [sflag:$0xE] =	stream.indirect.gather [hbm4b:s1+s13], $0x80, s26, s13, $0xb8;
	[tilespmem:$0x1F500] =	vst v63  }
0x17d: {  	s11 =	sadd.s32 s6, s18;
	s18 =	simm.s32 $0x400  }
0x17e: {  	[tilespmem:s18], [sflag:$0x9] =	stream.linear.gather [hbm4b:s11+s4], $0x80, $0x38;
	[tilespmem:$0x1F500] =	vst v63  }
0x17f: {  	s11 =	simm.s32 $0x5  }
0x180: {  	_ =	swait.ge [sflag:s11], $0x80  }
0x181: {  	[sflag:s11] =	ssyncset.done $0x0  }
0x182: {  	[sflag:s11] =	ssyncadd.s32 $0xFFFFFF80  }
0x183: {  	_ =	swait.ge [sflag:s20], $0x2400  }
0x184: {  	[sflag:s20] =	ssyncset.done $0x0  }
0x185: {  	[sflag:s20] =	ssyncadd.s32 $0xFFFFDC00  }
0x186: {  	[tilespmem:s24], [sflag:$0xF] =	stream.indirect.gather [hbm4b:s1+s13], $0x80, s28, s13, $0xb8;
	[tilespmem:$0x1F500] =	vst v63  }
0x187: {  	s28 =	sadd.s32 s6, s21;
	s21 =	simm.s32 $0xB  }
0x188: {  	[tilespmem:s23], [sflag:$0xA] =	stream.linear.gather [hbm4b:s28+s4], $0x80, $0x38;
	[tilespmem:$0x1F500] =	vst v63  }
0x189: {  	_ =	swait.ge [sflag:s21], $0x2400  }
0x18a: {  	[sflag:s21] =	ssyncset.done $0x0  }
0x18b: {  	[sflag:s21] =	ssyncadd.s32 $0xFFFFDC00  }
0x18c: {  	_ =	swait.ge [sflag:s30], $0x80  }
0x18d: {  	[sflag:s30] =	ssyncset.done $0x0  }
0x18e: {  	s28 =	simm.s32 $0x500;
	[sflag:s30] =	ssyncadd.s32 $0xFFFFFF80;
	s30 =	simm.s32 $0x280  }
0x18f: {  	[spmem:s2] =	stream.indirect.scatter.add.f32 [tilespmem:s28], [sflag:$0x10], $0x80, s30, s13, $0xb8;
	[tilespmem:$0x1F500] =	vst v63  }
0x190: {  	_ =	swait.ge [sflag:s31], $0x2400  }
0x191: {  	[sflag:s31] =	ssyncset.done $0x0  }
0x192: {  	[sflag:s31] =	ssyncadd.s32 $0xFFFFDC00  }
0x193: {  	_ =	swait.ge [sflag:s17], $0x80  }
0x194: {  	[sflag:s17] =	ssyncset.done $0x0  }
0x195: {  	s29 =	simm.s32 $0x2900;
	s21 =	simm.s32 $0x300;
	[sflag:s17] =	ssyncadd.s32 $0xFFFFFF80  }
0x196: {  	[spmem:s2] =	stream.indirect.scatter.add.f32 [tilespmem:s29], [sflag:$0x11], $0x80, s21, s13, $0xb8;
	[tilespmem:$0x1F500] =	vst v63  }
0x197: {  	_ =	swait.ge [sflag:s16], $0x2400  }
0x198: {  	[sflag:s16] =	ssyncset.done $0x0  }
0x199: {  	[sflag:s16] =	ssyncadd.s32 $0xFFFFDC00  }
0x19a: {  	_ =	swait.ge [sflag:s14], $0x80  }
0x19b: {  	[sflag:s14] =	ssyncset.done $0x0  }
0x19c: {  	s25 =	simm.s32 $0x4D00;
	[sflag:s14] =	ssyncadd.s32 $0xFFFFFF80  }
0x19d: {  	[spmem:s2] =	stream.indirect.scatter.add.f32 [tilespmem:s25], [sflag:$0x12], $0x80, s15, s13, $0xb8;
	[tilespmem:$0x1F500] =	vst v63  }
0x19e: {  	_ =	swait.ge [sflag:s10], $0x2400  }
0x19f: {  	[sflag:s10] =	ssyncset.done $0x0  }
0x1a0: {  	[sflag:s10] =	ssyncadd.s32 $0xFFFFDC00  }
0x1a1: {  	_ =	swait.ge [sflag:s9], $0x80  }
0x1a2: {  	[sflag:s9] =	ssyncset.done $0x0  }
0x1a3: {  	s26 =	simm.s32 $0x7100;
	[sflag:s9] =	ssyncadd.s32 $0xFFFFFF80  }
0x1a4: {  	[spmem:s2] =	stream.indirect.scatter.add.f32 [tilespmem:s26], [sflag:$0x13], $0x80, s18, s13, $0xb8;
	[tilespmem:$0x1F500] =	vst v63  }
0x1a5: {  	_ =	swait.ge [sflag:s7], $0x2400  }
0x1a6: {  	[sflag:s7] =	ssyncset.done $0x0  }
0x1a7: {  	[sflag:s7] =	ssyncadd.s32 $0xFFFFDC00  }
0x1a8: {  	_ =	swait.ge [sflag:s3], $0x80  }
0x1a9: {  	[sflag:s3] =	ssyncset.done $0x0  }
0x1aa: {  	[sflag:s3] =	ssyncadd.s32 $0xFFFFFF80  }
0x1ab: {  	[spmem:s2] =	stream.indirect.scatter.add.f32 [tilespmem:s24], [sflag:$0x14], $0x80, s23, s13, $0xb8;
	[tilespmem:$0x1F500] =	vst v63  }
0x1ac: {  	_ =	swait.ge [sflag:s22], $0x2400  }
0x1ad: {  	[sflag:s22] =	ssyncset.done $0x0  }
0x1ae: {  	[sflag:s22] =	ssyncadd.s32 $0xFFFFDC00  }
0x1af: {  	_ =	swait.ge [sflag:s0], $0x2400  }
0x1b0: {  	[sflag:s0] =	ssyncset.done $0x0  }
0x1b1: {  	[sflag:s0] =	ssyncadd.s32 $0xFFFFDC00  }
0x1b2: {  	_ =	swait.ge [sflag:s12], $0x2400  }
0x1b3: {  	[sflag:s12] =	ssyncset.done $0x0  }
0x1b4: {  	[sflag:s12] =	ssyncadd.s32 $0xFFFFDC00  }
0x1b5: {  	_ =	swait.ge [sflag:s19], $0x2400  }
0x1b6: {  	[sflag:s19] =	ssyncset.done $0x0  }
0x1b7: {  	[sflag:s19] =	ssyncadd.s32 $0xFFFFDC00  }
0x1b8: {  	_ =	swait.ge [sflag:s20], $0x2400  }
0x1b9: {  	[sflag:s20] =	ssyncset.done $0x0  }
0x1ba: {  	s26 =	stileid.u32;
	[sflag:s20] =	ssyncadd.s32 $0xFFFFDC00  }
0x1bb: {  	s11 =	sshll.u32 s26, $0x6;
	[bflag:$0x0] =	sbarrier.arrive $0xFFFF  }
0x1bc: {  	s11 =	sor.u32 $0x1C15, s11;
	s15 =	rddreg [dreg:$0x5]  }
0x1bd: {  	s12 =	simm.s32 $0x15;
	s29 =	rddreg [dreg:$0x14];
	s28 =	sshrl.u32 s15, $0x3  }
0x1be: {  	[hbm:s29], [sflag:s11] =	dma.local [spmem:s28], $0x2780  }
0x1bf: {  	_ =	swait.ge [sflag:s12], $0x2780  }
0x1c0: {  	s30 =	rddreg [dreg:$0x1a]  }
0x1c1: {  	s31 =	rddreg [dreg:$0x15];
	s0 =	sadd.s32 $0x1, s30  }
0x1c2: {  	p0 =	sne.s32 s0, s31  }
.Ltmp1:
0x1c3: {  	_ = 	snop;
	(pc) =	sbr.rel @p0 .LBB2_1-.Ltmp1, $3  }
0x1c4: {  	_ =	sdelay $0x1  }
0x1c5: {  	[sflag:s12] =	ssyncset.done $0x0  }
0x1c6: {  	[sflag:s12] =	ssyncadd.s32 $0xFFFFD880  }
0x1c7: {  	_ =	sfence.sel $0x180000  }
0x1c8: {  	[bflag:$0x0] =	sbarrier.arrive $0xFFFF  }
0x1c9: {  	_ =	strace $0x9000004A  }
0x1ca: {  	s0 =	stileid.u32;
	[bflag:$0x2] =	sbarrier.arrive $0xFFFF  }
0x1cb: {  	p0 =	sne.s32 s0, $0x0;
	s0 =	rddreg [dreg:$0x3]  }
0x1cc: {  	s0 =	sadd.s32 @!p0 $0x100000, s0  }
0x1cd: {  	[sflag:s0] =	ssyncadd.tile.s32 @!p0 $0x1;
	_ =	shalt  }
.Lfunc_end2:
_tile_overlayer_lowered:
.L_overlay_start_2:
0x1ce: {  	(tag) =	ssettag $0x2  }
0x1cf: {  	s0 =	rddreg [dreg:$0x0];
	s2 =	stileid.u32  }
0x1d0: {  	s1 =	rddreg [dreg:$0x1];
	p0 =	sne.s32 s2, $0x0  }
0x1d1: {  	s3 =	rddreg [dreg:$0x2];
	[bflag:$0x3] =	sbarrier.arrive $0xFFFF;
	s2 =	simm.s32 @!p0 $0x1C15  }
0x1d2: {  	[timem:s3], [sflag:s2] =	dma.local @!p0 [hbm:s0], s1  }
0x1d3: {  	s0 =	simm.s32 @!p0 $0x15  }
0x1d4: {  	_ =	swait.ge @!p0 [sflag:s0], s1  }
0x1d5: {  	s1 =	ssub.s32 @!p0 $0x0, s1;
	[sflag:s0] =	ssyncset.done @!p0 $0x0  }
0x1d6: {  	[sflag:s0] =	ssyncadd.s32 @!p0 s1  }
0x1d7: {  	[bflag:$0x3] =	sbarrier.arrive $0xFFFF  }
0x1d8: {  	_ =	shalt  }

</sc_bundles>
